<compile_context>
chip_gen: v7x
topology: tpu7x:2x2x1
jax: 0.10.2.dev20260603
libtpu: 0.0.44.dev20260713+nightly
codegen_flags: <defaults>
</compile_context>

<pallas_src>
import functools

import jax
import jax.numpy as jnp
from jax import lax
from jax.experimental import pallas as pl
from jax.experimental.pallas import tpu as pltpu
from jax.experimental.pallas import tpu_sc as plsc

N = 50000
E = 1600000
NTILES = 32
NCORES = 2
COLS = 1568
NPAD = NTILES * COLS
NROWS = E // 128
ROWS_PER = NROWS // NTILES
EXTRA = NROWS - ROWS_PER * NTILES
CH = 39
NCH = ROWS_PER // CH
G = 8

_mesh = plsc.VectorSubcoreMesh(core_axis_name="c", subcore_axis_name="s")
_sc_params = pltpu.CompilerParams(needs_layout_passes=False,
                                  use_tc_tiling_on_sc=False)


def _wid():
    return lax.axis_index("s") * NCORES + lax.axis_index("c")


@functools.partial(
    pl.kernel,
    mesh=_mesh,
    out_type=jax.ShapeDtypeStruct((NTILES * NPAD,), jnp.float32),
    compiler_params=_sc_params,
    scratch_types=[
        pltpu.VMEM((N,), jnp.float32),
        pltpu.VMEM((NPAD,), jnp.float32),
        pltpu.VMEM((2 * CH, 2, 128), jnp.int32),
        pltpu.SemaphoreType.DMA,
    ],
)
def _segmin_kernel(dist_hbm, edge_hbm, part_hbm,
                   dist_v, table_v, buf_v, sem):
    wid = _wid()
    base_row = wid * ROWS_PER + jnp.minimum(wid, EXTRA)
    pltpu.async_copy(edge_hbm.at[pl.ds(base_row, CH), :, :],
                     buf_v.at[pl.ds(0, CH), :, :], sem)
    pltpu.sync_copy(dist_hbm, dist_v)
    fill = jnp.full((16,), 1e4, jnp.float32)

    def init_body(i, carry):
        table_v[pl.ds(i * 64, 16)] = fill
        table_v[pl.ds(i * 64 + 16, 16)] = fill
        table_v[pl.ds(i * 64 + 32, 16)] = fill
        table_v[pl.ds(i * 64 + 48, 16)] = fill
        return carry

    lax.fori_loop(0, NPAD // 64, init_body, 0)

    def process_row(row):
        ss = [buf_v[row, 0, pl.ds(g * 16, 16)] for g in range(G)]
        ds_ = [buf_v[row, 1, pl.ds(g * 16, 16)] for g in range(G)]
        ms = [plsc.load_gather(dist_v, [s]) for s in ss]
        curs = [plsc.load_gather(table_v, [d]) for d in ds_]
        for g in range(G):
            plsc.store_scatter(table_v, [ds_[g]],
                               jnp.minimum(curs[g], ms[g]))
        cur2 = [plsc.load_gather(table_v, [d]) for d in ds_]
        lost = [ms[g] < cur2[g] for g in range(G)]
        anyl = lost[0]
        for g in range(1, G):
            anyl = anyl | lost[g]

        @pl.when(jnp.any(anyl))
        def _():
            def cond(masks):
                a = masks[0]
                for g in range(1, G):
                    a = a | masks[g]
                return jnp.any(a)

            def body(masks):
                out = []
                for g in range(G):
                    cur = plsc.load_gather(table_v, [ds_[g]])
                    plsc.store_scatter(table_v, [ds_[g]],
                                       jnp.minimum(cur, ms[g]),
                                       mask=masks[g])
                    chk = plsc.load_gather(table_v, [ds_[g]])
                    out.append(ms[g] < chk)
                return tuple(out)

            lax.while_loop(cond, body, tuple(lost))

    def chunk_body(c, carry):
        par = lax.rem(c, 2) * CH
        pltpu.make_async_copy(edge_hbm.at[pl.ds(0, CH), :, :],
                              buf_v.at[pl.ds(par, CH), :, :], sem).wait()

        nxt = CH - par

        @pl.when(c + 1 < NCH)
        def _():
            row0 = base_row + (c + 1) * CH
            pltpu.async_copy(edge_hbm.at[pl.ds(row0, CH), :, :],
                             buf_v.at[pl.ds(nxt, CH), :, :], sem)

        def row_body(j, carry2):
            process_row(par + j)
            return carry2

        lax.fori_loop(0, CH, row_body, 0)
        return carry

    lax.fori_loop(0, NCH, chunk_body, 0)

    @pl.when(wid < EXTRA)
    def _():
        pltpu.sync_copy(edge_hbm.at[pl.ds(base_row + ROWS_PER, 1), :, :],
                        buf_v.at[pl.ds(0, 1), :, :])
        process_row(0)

    pltpu.sync_copy(table_v, part_hbm.at[pl.ds(wid * NPAD, NPAD)])


LASTCOLS = N - (NTILES - 1) * COLS


@functools.partial(
    pl.kernel,
    mesh=_mesh,
    out_type=[jax.ShapeDtypeStruct((N,), jnp.float32)] * 3,
    compiler_params=_sc_params,
    scratch_types=[
        pltpu.VMEM((NTILES * COLS,), jnp.float32),
        pltpu.VMEM((COLS,), jnp.float32),
        pltpu.VMEM((COLS,), jnp.float32),
        pltpu.VMEM((COLS,), jnp.float32),
        pltpu.VMEM((COLS,), jnp.float32),
        pltpu.VMEM((16,), jnp.float32),
        pltpu.SemaphoreType.DMA,
    ],
)
def _merge_kernel(part_hbm, temp_hbm, ndw_hbm, ds_hbm, sw_hbm, lb_hbm,
                  rows_v, temp_v, ds_v, sw_v, lb_v, ndw_v, sem):
    wid = _wid()
    base = wid * COLS
    copies = [
        pltpu.async_copy(part_hbm.at[pl.ds(r * NPAD + base, COLS)],
                         rows_v.at[pl.ds(r * COLS, COLS)], sem)
        for r in range(NTILES)
    ]
    copies.append(pltpu.async_copy(temp_hbm.at[pl.ds(base, COLS)], temp_v, sem))
    copies.append(pltpu.async_copy(ndw_hbm, ndw_v, sem))
    for cp in copies:
        cp.wait()
    ndw = ndw_v[...]

    def col_body(j, carry):
        sl = pl.ds(j * 16, 16)
        a = rows_v[sl]
        for r in range(1, NTILES):
            a = jnp.minimum(a, rows_v[pl.ds(r * COLS + j * 16, 16)])
        md = jnp.minimum(a, 1e4)
        dscore = jnp.exp(ndw * md)
        switch = dscore * temp_v[sl]
        hard = jnp.where(switch >= 0.5, 1.0, 0.0)
        ds_v[sl] = dscore
        sw_v[sl] = switch
        lb_v[sl] = (hard - switch) + switch
        return carry

    lax.fori_loop(0, COLS // 16, col_body, 0)

    @pl.when(wid < NTILES - 1)
    def _():
        pltpu.sync_copy(ds_v, ds_hbm.at[pl.ds(base, COLS)])
        pltpu.sync_copy(sw_v, sw_hbm.at[pl.ds(base, COLS)])
        pltpu.sync_copy(lb_v, lb_hbm.at[pl.ds(base, COLS)])

    @pl.when(wid == NTILES - 1)
    def _():
        pltpu.sync_copy(ds_v.at[pl.ds(0, LASTCOLS)],
                        ds_hbm.at[pl.ds(base, LASTCOLS)])
        pltpu.sync_copy(sw_v.at[pl.ds(0, LASTCOLS)],
                        sw_hbm.at[pl.ds(base, LASTCOLS)])
        pltpu.sync_copy(lb_v.at[pl.ds(0, LASTCOLS)],
                        lb_hbm.at[pl.ds(base, LASTCOLS)])


ROWS = 1024
GRID = NPAD // ROWS


def _mlp_body(hg_ref, gi_ref, w1_ref, b1_ref, w2_ref, b2_ref, temp_ref):
    h = jnp.concatenate([hg_ref[...], gi_ref[...]], axis=1)
    x = jnp.dot(h, w1_ref[...], preferred_element_type=jnp.float32) + b1_ref[...]
    h1 = jnp.where(x > 0, x, jnp.exp(x) - 1.0)
    t = jnp.dot(h1, w2_ref[...], preferred_element_type=jnp.float32) + b2_ref[...]
    temp = 1.0 / (1.0 + jnp.exp(-t))
    temp_ref[...] = jnp.transpose(temp).reshape(1, 1, ROWS)


_row_spec = pl.BlockSpec((ROWS, 256), lambda i: (i, 0))
_fix = lambda i: (0, 0)
_lane_spec = pl.BlockSpec((1, 1, ROWS), lambda i: (i, 0, 0))

_mlp_call = pl.pallas_call(
    _mlp_body,
    grid=(GRID,),
    in_specs=[
        _row_spec,
        _row_spec,
        pl.BlockSpec((512, 256), _fix),
        pl.BlockSpec((1, 256), _fix),
        pl.BlockSpec((256, 1), _fix),
        pl.BlockSpec((1, 1), _fix),
    ],
    out_specs=_lane_spec,
    out_shape=jax.ShapeDtypeStruct((GRID, 1, ROWS), jnp.float32),
)


def kernel(distance_to_center, edge_index, h_gru, gru_inp, beta, W1, b1, W2, b2):
    edge3 = edge_index.reshape(2, NROWS, 128).transpose(1, 0, 2)
    part = _segmin_kernel(distance_to_center, edge3)
    temp49 = _mlp_call(h_gru, gru_inp, W1, b1.reshape(1, 256), W2,
                       b2.reshape(1, 1))
    temp_flat = temp49.reshape(NPAD)
    ndw = jnp.broadcast_to((-(beta ** 2)).reshape(1), (16,))
    dist_s, switch_s, label_s = _merge_kernel(part, temp_flat, ndw)
    return (dist_s, temp_flat[:N], switch_s, label_s)

# --- scband reference (transcript-rebuilt; emitter-appended) ---
"""Pipeline reference for scband-switch-module-11716670784010 (READ-ONLY COPY).

The authoritative reference and input builder live on the scoring server;
editing this copy changes nothing except your own understanding.
"""

import jax, jax.numpy as jnp
import numpy as np

N = 50000
E = 1600000
GRU = 256
HID = 256
SW = 256


def setup_inputs(seed: int = 0):
    key = jax.random.key(seed)
    ks = jax.random.split(key, 10)
    distance_to_center = jax.random.uniform(ks[0], (N,), dtype=jnp.float32) * 10.0
    edge_index = jax.random.randint(ks[1], (2, E), 0, N)
    h_gru = jax.random.normal(ks[2], (N, GRU), dtype=jnp.float32)
    gru_inp = jax.random.normal(ks[3], (N, HID), dtype=jnp.float32)
    beta = jnp.ones((1, 1), dtype=jnp.float32)  # human_distance_beta, init 1.0
    W1 = jax.random.normal(ks[4], (GRU + HID, SW), dtype=jnp.float32) * 0.02
    b1 = jnp.zeros((SW,), dtype=jnp.float32)
    W2 = jax.random.normal(ks[5], (SW, 1), dtype=jnp.float32) * 0.02
    b2 = jnp.zeros((1,), dtype=jnp.float32)
    return {
        "distance_to_center": distance_to_center,
        "edge_index": edge_index,
        "h_gru": h_gru,
        "gru_inp": gru_inp,
        "beta": beta,
        "W1": W1,
        "b1": b1,
        "W2": W2,
        "b2": b2,
    }


def reference(distance_to_center, edge_index, h_gru, gru_inp, beta, W1, b1, W2, b2):
    src = edge_index[0]
    dst = edge_index[1]
    n_center = h_gru.shape[0]
    # graph.update_all(copy_src('distance_to_center'), min(...)) over ('leaf','interacts','center')
    msg = distance_to_center[src]
    min_distance = jax.ops.segment_min(msg, dst, num_segments=n_center)
    # guard isolated centers (segment_min gives +inf)
    min_distance = jnp.minimum(min_distance, 1e4)
    # distance score: exp(-beta^2 * min_distance)
    distance_weight = beta ** 2  # [1,1]
    distance_score = jnp.exp(-distance_weight * min_distance[:, None])[:, 0]
    # temporal score: MLP([h_gru, gru_inp]) with elu -> sigmoid (skip connection on)
    h = jnp.concatenate([h_gru, gru_inp], axis=-1)
    h1 = jax.nn.elu(h @ W1 + b1)
    temp_score = jax.nn.sigmoid(h1 @ W2 + b2)[:, 0]
    switch_score = distance_score * temp_score
    # straight_through_boolean(score >= 0.5, score)
    hard = (switch_score >= 0.5).astype(switch_score.dtype)
    switch_label = jax.lax.stop_gradient(hard - switch_score) + switch_score
    return distance_score, temp_score, switch_score, switch_label

if __name__ == "__main__":
    import jax
    _d = setup_inputs()
    print(jax.jit(kernel)(*tuple(_d.values())))

</pallas_src>

<mosaic_0001>
#map = affine_map<(d0, d1) -> (0)>
#map1 = affine_map<(d0, d1) -> (0, 0, 0)>
module attributes {stable_mosaic.version = 14 : i64} {
  func.func @_segmin_kernel(%arg0: i32, %arg1: i32, %arg2: memref<50000xf32, #tpu.memory_space<hbm>>, %arg3: memref<12500x2x128xi32, #tpu.memory_space<hbm>>, %arg4: memref<1605632xf32, #tpu.memory_space<hbm>>, %arg5: memref<50000xf32, #tpu.memory_space<vmem>>, %arg6: memref<50176xf32, #tpu.memory_space<vmem>>, %arg7: memref<78x2x128xi32, #tpu.memory_space<vmem>>, %arg8: memref<!tpu.dma_semaphore, #tpu.memory_space<semaphore_mem>>) attributes {dimension_semantics = [#tpu.dimension_semantics<core_parallel>, #tpu.dimension_semantics<subcore_parallel>], iteration_bounds = array<i64: 2, 16>, scalar_prefetch = 0 : i64, scratch_operands = 4 : i64, tpu.core_type = #tpu.core_type<sc_vector_subcore>, window_params = [{transform_indices = #map}, {transform_indices = #map1}, {transform_indices = #map}]} {
    %mul3A = arith.constant 2 : i32
    %mul3A_0 = arith.muli %arg1, %mul3A : i32
    %add3A = arith.addi %mul3A_0, %arg0 : i32
    %mul3A_1 = arith.constant 390 : i32
    %mul3A_2 = arith.muli %add3A, %mul3A_1 : i32
    %min3A = arith.constant 20 : i32
    %min3A_3 = arith.minsi %add3A, %min3A : i32
    %add3A_4 = arith.addi %mul3A_2, %min3A_3 : i32
    %dma_start3A = arith.constant 0 : i32
    %dma_start3A_5 = arith.constant 0 : i32
    %dma_start3A_6 = arith.constant 0 : i32
    %dma_start3A_7 = tpu.memref_slice %arg7[%dma_start3A, %dma_start3A_5, %dma_start3A_6] : memref<78x2x128xi32, #tpu.memory_space<vmem>> -> memref<39x2x128xi32, #tpu.memory_space<vmem>>
    %dma_start3A_8 = arith.constant 0 : i32
    %dma_start3A_9 = arith.constant 0 : i32
    %dma_start3A_10 = tpu.memref_slice %arg3[%add3A_4, %dma_start3A_8, %dma_start3A_9] : memref<12500x2x128xi32, #tpu.memory_space<hbm>> -> memref<39x2x128xi32, #tpu.memory_space<hbm>>
    %dma_start3A_11 = arith.constant 0 : i32
    %dma_start3A_12 = arith.constant 0 : i32
    %dma_start3A_13 = arith.constant 0 : i32
    %dma_start3A_14 = tpu.memref_slice %arg7[%dma_start3A_11, %dma_start3A_12, %dma_start3A_13] : memref<78x2x128xi32, #tpu.memory_space<vmem>> -> memref<39x2x128xi32, #tpu.memory_space<vmem>>
    %dma_start3A_15 = arith.constant 0 : i32
    %dma_start3A_16 = arith.constant 0 : i32
    %dma_start3A_17 = tpu.memref_slice %arg3[%add3A_4, %dma_start3A_15, %dma_start3A_16] : memref<12500x2x128xi32, #tpu.memory_space<hbm>> -> memref<39x2x128xi32, #tpu.memory_space<hbm>>
    tpu.enqueue_dma source(%dma_start3A_17 : memref<39x2x128xi32, #tpu.memory_space<hbm>>) target(%dma_start3A_14 : memref<39x2x128xi32, #tpu.memory_space<vmem>>) target_semaphore(%arg8 : memref<!tpu.dma_semaphore, #tpu.memory_space<semaphore_mem>>)
    "tpu.region"() ({
      %run_scoped3A = tpu.sem_alloc : memref<!tpu.dma_semaphore, #tpu.memory_space<semaphore_mem>>
      tpu.enqueue_dma source(%arg2 : memref<50000xf32, #tpu.memory_space<hbm>>) target(%arg5 : memref<50000xf32, #tpu.memory_space<vmem>>) target_semaphore(%run_scoped3A : memref<!tpu.dma_semaphore, #tpu.memory_space<semaphore_mem>>)
      tpu.wait_dma2 semaphore(%run_scoped3A : memref<!tpu.dma_semaphore, #tpu.memory_space<semaphore_mem>>) src(%arg2 : memref<50000xf32, #tpu.memory_space<hbm>>) dst(%arg5 : memref<50000xf32, #tpu.memory_space<vmem>>)
      tpu.yield
    }) : () -> ()
    %broadcast_in_dim3A = arith.constant 1.000000e+04 : f32
    %broadcast_in_dim3A_18 = vector.broadcast %broadcast_in_dim3A : f32 to vector<16xf32>
    %scan3A = arith.constant 0 : i32
    %scan3A_19 = arith.constant 0 : i32
    %scan3A_20 = arith.constant 784 : i32
    %scan3A_21 = arith.addi %scan3A_19, %scan3A_20 : i32
    %scan3A_22 = arith.constant 1 : i32
    scf.for %scan3A_34 = %scan3A_19 to %scan3A_21 step %scan3A_22  : i32 {
      %mul3A_35 = arith.constant 64 : i32
      %mul3A_36 = arith.muli %scan3A_34, %mul3A_35 : i32
      %swap3A = arith.index_cast %mul3A_36 : i32 to index
      %swap3A_37 = tpu.vector_load %arg6[%swap3A] {strides = array<i32>} : memref<50176xf32, #tpu.memory_space<vmem>>, vector<16xf32>,
      tpu.vector_store %arg6[%swap3A], %broadcast_in_dim3A_18 {strides = array<i32>} : memref<50176xf32, #tpu.memory_space<vmem>>, vector<16xf32>,
      %mul3A_38 = arith.constant 64 : i32
      %mul3A_39 = arith.muli %scan3A_34, %mul3A_38 : i32
      %add3A_40 = arith.constant 16 : i32
      %add3A_41 = arith.addi %mul3A_39, %add3A_40 : i32
      %swap3A_42 = arith.index_cast %add3A_41 : i32 to index
      %swap3A_43 = tpu.vector_load %arg6[%swap3A_42] {strides = array<i32>} : memref<50176xf32, #tpu.memory_space<vmem>>, vector<16xf32>,
      tpu.vector_store %arg6[%swap3A_42], %broadcast_in_dim3A_18 {strides = array<i32>} : memref<50176xf32, #tpu.memory_space<vmem>>, vector<16xf32>,
      %mul3A_44 = arith.constant 64 : i32
      %mul3A_45 = arith.muli %scan3A_34, %mul3A_44 : i32
      %add3A_46 = arith.constant 32 : i32
      %add3A_47 = arith.addi %mul3A_45, %add3A_46 : i32
      %swap3A_48 = arith.index_cast %add3A_47 : i32 to index
      %swap3A_49 = tpu.vector_load %arg6[%swap3A_48] {strides = array<i32>} : memref<50176xf32, #tpu.memory_space<vmem>>, vector<16xf32>,
      tpu.vector_store %arg6[%swap3A_48], %broadcast_in_dim3A_18 {strides = array<i32>} : memref<50176xf32, #tpu.memory_space<vmem>>, vector<16xf32>,
      %mul3A_50 = arith.constant 64 : i32
      %mul3A_51 = arith.muli %scan3A_34, %mul3A_50 : i32
      %add3A_52 = arith.constant 48 : i32
      %add3A_53 = arith.addi %mul3A_51, %add3A_52 : i32
      %swap3A_54 = arith.index_cast %add3A_53 : i32 to index
      %swap3A_55 = tpu.vector_load %arg6[%swap3A_54] {strides = array<i32>} : memref<50176xf32, #tpu.memory_space<vmem>>, vector<16xf32>,
      tpu.vector_store %arg6[%swap3A_54], %broadcast_in_dim3A_18 {strides = array<i32>} : memref<50176xf32, #tpu.memory_space<vmem>>, vector<16xf32>,
    }
    %scan3A_23 = arith.constant 784 : i32
    %scan3A_24 = arith.constant 0 : i32
    %scan3A_25 = arith.constant 0 : i32
    %scan3A_26 = arith.constant 10 : i32
    %scan3A_27 = arith.addi %scan3A_25, %scan3A_26 : i32
    %scan3A_28 = arith.constant 1 : i32
    scf.for %scan3A_34 = %scan3A_25 to %scan3A_27 step %scan3A_28  : i32 {
      %rem3A = arith.constant 2 : i32
      %rem3A_35 = arith.remsi %scan3A_34, %rem3A : i32
      %mul3A_36 = arith.constant 39 : i32
      %mul3A_37 = arith.muli %rem3A_35, %mul3A_36 : i32
      %dma_wait3A = arith.constant 0 : i32
      %dma_wait3A_38 = arith.constant 0 : i32
      %dma_wait3A_39 = tpu.memref_slice %arg7[%mul3A_37, %dma_wait3A, %dma_wait3A_38] : memref<78x2x128xi32, #tpu.memory_space<vmem>> -> memref<39x2x128xi32, #tpu.memory_space<vmem>>
      %dma_wait3A_40 = arith.constant 0 : i32
      %dma_wait3A_41 = arith.constant 0 : i32
      %dma_wait3A_42 = arith.constant 0 : i32
      %dma_wait3A_43 = tpu.memref_slice %arg3[%dma_wait3A_40, %dma_wait3A_41, %dma_wait3A_42] : memref<12500x2x128xi32, #tpu.memory_space<hbm>> -> memref<39x2x128xi32, #tpu.memory_space<hbm>>
      %dma_wait3A_44 = arith.constant 0 : i32
      %dma_wait3A_45 = arith.constant 0 : i32
      %dma_wait3A_46 = tpu.memref_slice %arg7[%mul3A_37, %dma_wait3A_44, %dma_wait3A_45] : memref<78x2x128xi32, #tpu.memory_space<vmem>> -> memref<39x2x128xi32, #tpu.memory_space<vmem>>
      %dma_wait3A_47 = arith.constant 0 : i32
      %dma_wait3A_48 = arith.constant 0 : i32
      %dma_wait3A_49 = arith.constant 0 : i32
      %dma_wait3A_50 = tpu.memref_slice %arg3[%dma_wait3A_47, %dma_wait3A_48, %dma_wait3A_49] : memref<12500x2x128xi32, #tpu.memory_space<hbm>> -> memref<39x2x128xi32, #tpu.memory_space<hbm>>
      tpu.wait_dma2 semaphore(%arg8 : memref<!tpu.dma_semaphore, #tpu.memory_space<semaphore_mem>>) src(%dma_wait3A_50 : memref<39x2x128xi32, #tpu.memory_space<hbm>>) dst(%dma_wait3A_46 : memref<39x2x128xi32, #tpu.memory_space<vmem>>)
      %sub3A = arith.constant 39 : i32
      %sub3A_51 = arith.subi %sub3A, %mul3A_37 : i32
      %add3A_52 = arith.constant 1 : i32
      %add3A_53 = arith.addi %scan3A_34, %add3A_52 : i32
      %lt3A_54 = arith.constant 10 : i32
      %lt3A_55 = arith.cmpi slt, %add3A_53, %lt3A_54 : i32
      %convert_element_type3A_56 = arith.extui %lt3A_55 : i1 to i32
      %cond3A_57 = arith.constant 0 : i32
      %cond3A_58 = arith.cmpi ne, %convert_element_type3A_56, %cond3A_57 : i32
      scf.if %cond3A_58 {
        %add3A_65 = arith.constant 1 : i32
        %add3A_66 = arith.addi %scan3A_34, %add3A_65 : i32
        %mul3A_67 = arith.constant 39 : i32
        %mul3A_68 = arith.muli %add3A_66, %mul3A_67 : i32
        %add3A_69 = arith.addi %add3A_4, %mul3A_68 : i32
        %dma_start3A_70 = arith.constant 0 : i32
        %dma_start3A_71 = arith.constant 0 : i32
        %dma_start3A_72 = tpu.memref_slice %arg7[%sub3A_51, %dma_start3A_70, %dma_start3A_71] : memref<78x2x128xi32, #tpu.memory_space<vmem>> -> memref<39x2x128xi32, #tpu.memory_space<vmem>>
        %dma_start3A_73 = arith.constant 0 : i32
        %dma_start3A_74 = arith.constant 0 : i32
        %dma_start3A_75 = tpu.memref_slice %arg3[%add3A_69, %dma_start3A_73, %dma_start3A_74] : memref<12500x2x128xi32, #tpu.memory_space<hbm>> -> memref<39x2x128xi32, #tpu.memory_space<hbm>>
        %dma_start3A_76 = arith.constant 0 : i32
        %dma_start3A_77 = arith.constant 0 : i32
        %dma_start3A_78 = tpu.memref_slice %arg7[%sub3A_51, %dma_start3A_76, %dma_start3A_77] : memref<78x2x128xi32, #tpu.memory_space<vmem>> -> memref<39x2x128xi32, #tpu.memory_space<vmem>>
        %dma_start3A_79 = arith.constant 0 : i32
        %dma_start3A_80 = arith.constant 0 : i32
        %dma_start3A_81 = tpu.memref_slice %arg3[%add3A_69, %dma_start3A_79, %dma_start3A_80] : memref<12500x2x128xi32, #tpu.memory_space<hbm>> -> memref<39x2x128xi32, #tpu.memory_space<hbm>>
        tpu.enqueue_dma source(%dma_start3A_81 : memref<39x2x128xi32, #tpu.memory_space<hbm>>) target(%dma_start3A_78 : memref<39x2x128xi32, #tpu.memory_space<vmem>>) target_semaphore(%arg8 : memref<!tpu.dma_semaphore, #tpu.memory_space<semaphore_mem>>)
      } else {
      }
      %scan3A_59 = arith.constant 0 : i32
      %scan3A_60 = arith.constant 0 : i32
      %scan3A_61 = arith.constant 39 : i32
      %scan3A_62 = arith.addi %scan3A_60, %scan3A_61 : i32
      %scan3A_63 = arith.constant 1 : i32
      scf.for %scan3A_65 = %scan3A_60 to %scan3A_62 step %scan3A_63  : i32 {
        %add3A_66 = arith.addi %mul3A_37, %scan3A_65 : i32
        %get3A = arith.constant 0 : i32
        %get3A_67 = arith.index_cast %add3A_66 : i32 to index
        %get3A_68 = arith.index_cast %get3A : i32 to index
        %get3A_69 = arith.constant 0 : index
        %get3A_70 = tpu.vector_load %arg7[%get3A_67, %get3A_68, %get3A_69] {strides = array<i32>} : memref<78x2x128xi32, #tpu.memory_space<vmem>>, vector<16xi32>,
        %get3A_71 = arith.constant 0 : i32
        %get3A_72 = arith.index_cast %add3A_66 : i32 to index
        %get3A_73 = arith.index_cast %get3A_71 : i32 to index
        %get3A_74 = arith.constant 16 : index
        %get3A_75 = tpu.vector_load %arg7[%get3A_72, %get3A_73, %get3A_74] {strides = array<i32>} : memref<78x2x128xi32, #tpu.memory_space<vmem>>, vector<16xi32>,
        %get3A_76 = arith.constant 0 : i32
        %get3A_77 = arith.index_cast %add3A_66 : i32 to index
        %get3A_78 = arith.index_cast %get3A_76 : i32 to index
        %get3A_79 = arith.constant 32 : index
        %get3A_80 = tpu.vector_load %arg7[%get3A_77, %get3A_78, %get3A_79] {strides = array<i32>} : memref<78x2x128xi32, #tpu.memory_space<vmem>>, vector<16xi32>,
        %get3A_81 = arith.constant 0 : i32
        %get3A_82 = arith.index_cast %add3A_66 : i32 to index
        %get3A_83 = arith.index_cast %get3A_81 : i32 to index
        %get3A_84 = arith.constant 48 : index
        %get3A_85 = tpu.vector_load %arg7[%get3A_82, %get3A_83, %get3A_84] {strides = array<i32>} : memref<78x2x128xi32, #tpu.memory_space<vmem>>, vector<16xi32>,
        %get3A_86 = arith.constant 0 : i32
        %get3A_87 = arith.index_cast %add3A_66 : i32 to index
        %get3A_88 = arith.index_cast %get3A_86 : i32 to index
        %get3A_89 = arith.constant 64 : index
        %get3A_90 = tpu.vector_load %arg7[%get3A_87, %get3A_88, %get3A_89] {strides = array<i32>} : memref<78x2x128xi32, #tpu.memory_space<vmem>>, vector<16xi32>,
        %get3A_91 = arith.constant 0 : i32
        %get3A_92 = arith.index_cast %add3A_66 : i32 to index
        %get3A_93 = arith.index_cast %get3A_91 : i32 to index
        %get3A_94 = arith.constant 80 : index
        %get3A_95 = tpu.vector_load %arg7[%get3A_92, %get3A_93, %get3A_94] {strides = array<i32>} : memref<78x2x128xi32, #tpu.memory_space<vmem>>, vector<16xi32>,
        %get3A_96 = arith.constant 0 : i32
        %get3A_97 = arith.index_cast %add3A_66 : i32 to index
        %get3A_98 = arith.index_cast %get3A_96 : i32 to index
        %get3A_99 = arith.constant 96 : index
        %get3A_100 = tpu.vector_load %arg7[%get3A_97, %get3A_98, %get3A_99] {strides = array<i32>} : memref<78x2x128xi32, #tpu.memory_space<vmem>>, vector<16xi32>,
        %get3A_101 = arith.constant 0 : i32
        %get3A_102 = arith.index_cast %add3A_66 : i32 to index
        %get3A_103 = arith.index_cast %get3A_101 : i32 to index
        %get3A_104 = arith.constant 112 : index
        %get3A_105 = tpu.vector_load %arg7[%get3A_102, %get3A_103, %get3A_104] {strides = array<i32>} : memref<78x2x128xi32, #tpu.memory_space<vmem>>, vector<16xi32>,
        %get3A_106 = arith.constant 1 : i32
        %get3A_107 = arith.index_cast %add3A_66 : i32 to index
        %get3A_108 = arith.index_cast %get3A_106 : i32 to index
        %get3A_109 = arith.constant 0 : index
        %get3A_110 = tpu.vector_load %arg7[%get3A_107, %get3A_108, %get3A_109] {strides = array<i32>} : memref<78x2x128xi32, #tpu.memory_space<vmem>>, vector<16xi32>,
        %get3A_111 = arith.constant 1 : i32
        %get3A_112 = arith.index_cast %add3A_66 : i32 to index
        %get3A_113 = arith.index_cast %get3A_111 : i32 to index
        %get3A_114 = arith.constant 16 : index
        %get3A_115 = tpu.vector_load %arg7[%get3A_112, %get3A_113, %get3A_114] {strides = array<i32>} : memref<78x2x128xi32, #tpu.memory_space<vmem>>, vector<16xi32>,
        %get3A_116 = arith.constant 1 : i32
        %get3A_117 = arith.index_cast %add3A_66 : i32 to index
        %get3A_118 = arith.index_cast %get3A_116 : i32 to index
        %get3A_119 = arith.constant 32 : index
        %get3A_120 = tpu.vector_load %arg7[%get3A_117, %get3A_118, %get3A_119] {strides = array<i32>} : memref<78x2x128xi32, #tpu.memory_space<vmem>>, vector<16xi32>,
        %get3A_121 = arith.constant 1 : i32
        %get3A_122 = arith.index_cast %add3A_66 : i32 to index
        %get3A_123 = arith.index_cast %get3A_121 : i32 to index
        %get3A_124 = arith.constant 48 : index
        %get3A_125 = tpu.vector_load %arg7[%get3A_122, %get3A_123, %get3A_124] {strides = array<i32>} : memref<78x2x128xi32, #tpu.memory_space<vmem>>, vector<16xi32>,
        %get3A_126 = arith.constant 1 : i32
        %get3A_127 = arith.index_cast %add3A_66 : i32 to index
        %get3A_128 = arith.index_cast %get3A_126 : i32 to index
        %get3A_129 = arith.constant 64 : index
        %get3A_130 = tpu.vector_load %arg7[%get3A_127, %get3A_128, %get3A_129] {strides = array<i32>} : memref<78x2x128xi32, #tpu.memory_space<vmem>>, vector<16xi32>,
        %get3A_131 = arith.constant 1 : i32
        %get3A_132 = arith.index_cast %add3A_66 : i32 to index
        %get3A_133 = arith.index_cast %get3A_131 : i32 to index
        %get3A_134 = arith.constant 80 : index
        %get3A_135 = tpu.vector_load %arg7[%get3A_132, %get3A_133, %get3A_134] {strides = array<i32>} : memref<78x2x128xi32, #tpu.memory_space<vmem>>, vector<16xi32>,
        %get3A_136 = arith.constant 1 : i32
        %get3A_137 = arith.index_cast %add3A_66 : i32 to index
        %get3A_138 = arith.index_cast %get3A_136 : i32 to index
        %get3A_139 = arith.constant 96 : index
        %get3A_140 = tpu.vector_load %arg7[%get3A_137, %get3A_138, %get3A_139] {strides = array<i32>} : memref<78x2x128xi32, #tpu.memory_space<vmem>>, vector<16xi32>,
        %get3A_141 = arith.constant 1 : i32
        %get3A_142 = arith.index_cast %add3A_66 : i32 to index
        %get3A_143 = arith.index_cast %get3A_141 : i32 to index
        %get3A_144 = arith.constant 112 : index
        %get3A_145 = tpu.vector_load %arg7[%get3A_142, %get3A_143, %get3A_144] {strides = array<i32>} : memref<78x2x128xi32, #tpu.memory_space<vmem>>, vector<16xi32>,
        %gather3A = tpu.vector_load_idx %arg5[%get3A_70] : memref<50000xf32, #tpu.memory_space<vmem>>[vector<16xi32>], vector<16xf32>,
        %gather3A_146 = tpu.vector_load_idx %arg5[%get3A_75] : memref<50000xf32, #tpu.memory_space<vmem>>[vector<16xi32>], vector<16xf32>,
        %gather3A_147 = tpu.vector_load_idx %arg5[%get3A_80] : memref<50000xf32, #tpu.memory_space<vmem>>[vector<16xi32>], vector<16xf32>,
        %gather3A_148 = tpu.vector_load_idx %arg5[%get3A_85] : memref<50000xf32, #tpu.memory_space<vmem>>[vector<16xi32>], vector<16xf32>,
        %gather3A_149 = tpu.vector_load_idx %arg5[%get3A_90] : memref<50000xf32, #tpu.memory_space<vmem>>[vector<16xi32>], vector<16xf32>,
        %gather3A_150 = tpu.vector_load_idx %arg5[%get3A_95] : memref<50000xf32, #tpu.memory_space<vmem>>[vector<16xi32>], vector<16xf32>,
        %gather3A_151 = tpu.vector_load_idx %arg5[%get3A_100] : memref<50000xf32, #tpu.memory_space<vmem>>[vector<16xi32>], vector<16xf32>,
        %gather3A_152 = tpu.vector_load_idx %arg5[%get3A_105] : memref<50000xf32, #tpu.memory_space<vmem>>[vector<16xi32>], vector<16xf32>,
        %gather3A_153 = tpu.vector_load_idx %arg6[%get3A_110] : memref<50176xf32, #tpu.memory_space<vmem>>[vector<16xi32>], vector<16xf32>,
        %gather3A_154 = tpu.vector_load_idx %arg6[%get3A_115] : memref<50176xf32, #tpu.memory_space<vmem>>[vector<16xi32>], vector<16xf32>,
        %gather3A_155 = tpu.vector_load_idx %arg6[%get3A_120] : memref<50176xf32, #tpu.memory_space<vmem>>[vector<16xi32>], vector<16xf32>,
        %gather3A_156 = tpu.vector_load_idx %arg6[%get3A_125] : memref<50176xf32, #tpu.memory_space<vmem>>[vector<16xi32>], vector<16xf32>,
        %gather3A_157 = tpu.vector_load_idx %arg6[%get3A_130] : memref<50176xf32, #tpu.memory_space<vmem>>[vector<16xi32>], vector<16xf32>,
        %gather3A_158 = tpu.vector_load_idx %arg6[%get3A_135] : memref<50176xf32, #tpu.memory_space<vmem>>[vector<16xi32>], vector<16xf32>,
        %gather3A_159 = tpu.vector_load_idx %arg6[%get3A_140] : memref<50176xf32, #tpu.memory_space<vmem>>[vector<16xi32>], vector<16xf32>,
        %gather3A_160 = tpu.vector_load_idx %arg6[%get3A_145] : memref<50176xf32, #tpu.memory_space<vmem>>[vector<16xi32>], vector<16xf32>,
        %min3A_161 = arith.minimumf %gather3A_153, %gather3A : vector<16xf32>
        tpu.vector_store_idx %arg6[%get3A_110], %min3A_161 : memref<50176xf32, #tpu.memory_space<vmem>>[vector<16xi32>], vector<16xf32>,
        %min3A_162 = arith.minimumf %gather3A_154, %gather3A_146 : vector<16xf32>
        tpu.vector_store_idx %arg6[%get3A_115], %min3A_162 : memref<50176xf32, #tpu.memory_space<vmem>>[vector<16xi32>], vector<16xf32>,
        %min3A_163 = arith.minimumf %gather3A_155, %gather3A_147 : vector<16xf32>
        tpu.vector_store_idx %arg6[%get3A_120], %min3A_163 : memref<50176xf32, #tpu.memory_space<vmem>>[vector<16xi32>], vector<16xf32>,
        %min3A_164 = arith.minimumf %gather3A_156, %gather3A_148 : vector<16xf32>
        tpu.vector_store_idx %arg6[%get3A_125], %min3A_164 : memref<50176xf32, #tpu.memory_space<vmem>>[vector<16xi32>], vector<16xf32>,
        %min3A_165 = arith.minimumf %gather3A_157, %gather3A_149 : vector<16xf32>
        tpu.vector_store_idx %arg6[%get3A_130], %min3A_165 : memref<50176xf32, #tpu.memory_space<vmem>>[vector<16xi32>], vector<16xf32>,
        %min3A_166 = arith.minimumf %gather3A_158, %gather3A_150 : vector<16xf32>
        tpu.vector_store_idx %arg6[%get3A_135], %min3A_166 : memref<50176xf32, #tpu.memory_space<vmem>>[vector<16xi32>], vector<16xf32>,
        %min3A_167 = arith.minimumf %gather3A_159, %gather3A_151 : vector<16xf32>
        tpu.vector_store_idx %arg6[%get3A_140], %min3A_167 : memref<50176xf32, #tpu.memory_space<vmem>>[vector<16xi32>], vector<16xf32>,
        %min3A_168 = arith.minimumf %gather3A_160, %gather3A_152 : vector<16xf32>
        tpu.vector_store_idx %arg6[%get3A_145], %min3A_168 : memref<50176xf32, #tpu.memory_space<vmem>>[vector<16xi32>], vector<16xf32>,
        %gather3A_169 = tpu.vector_load_idx %arg6[%get3A_110] : memref<50176xf32, #tpu.memory_space<vmem>>[vector<16xi32>], vector<16xf32>,
        %gather3A_170 = tpu.vector_load_idx %arg6[%get3A_115] : memref<50176xf32, #tpu.memory_space<vmem>>[vector<16xi32>], vector<16xf32>,
        %gather3A_171 = tpu.vector_load_idx %arg6[%get3A_120] : memref<50176xf32, #tpu.memory_space<vmem>>[vector<16xi32>], vector<16xf32>,
        %gather3A_172 = tpu.vector_load_idx %arg6[%get3A_125] : memref<50176xf32, #tpu.memory_space<vmem>>[vector<16xi32>], vector<16xf32>,
        %gather3A_173 = tpu.vector_load_idx %arg6[%get3A_130] : memref<50176xf32, #tpu.memory_space<vmem>>[vector<16xi32>], vector<16xf32>,
        %gather3A_174 = tpu.vector_load_idx %arg6[%get3A_135] : memref<50176xf32, #tpu.memory_space<vmem>>[vector<16xi32>], vector<16xf32>,
        %gather3A_175 = tpu.vector_load_idx %arg6[%get3A_140] : memref<50176xf32, #tpu.memory_space<vmem>>[vector<16xi32>], vector<16xf32>,
        %gather3A_176 = tpu.vector_load_idx %arg6[%get3A_145] : memref<50176xf32, #tpu.memory_space<vmem>>[vector<16xi32>], vector<16xf32>,
        %lt3A_177 = arith.cmpf olt, %gather3A, %gather3A_169 : vector<16xf32>
        %lt3A_178 = arith.cmpf olt, %gather3A_146, %gather3A_170 : vector<16xf32>
        %lt3A_179 = arith.cmpf olt, %gather3A_147, %gather3A_171 : vector<16xf32>
        %lt3A_180 = arith.cmpf olt, %gather3A_148, %gather3A_172 : vector<16xf32>
        %lt3A_181 = arith.cmpf olt, %gather3A_149, %gather3A_173 : vector<16xf32>
        %lt3A_182 = arith.cmpf olt, %gather3A_150, %gather3A_174 : vector<16xf32>
        %lt3A_183 = arith.cmpf olt, %gather3A_151, %gather3A_175 : vector<16xf32>
        %lt3A_184 = arith.cmpf olt, %gather3A_152, %gather3A_176 : vector<16xf32>
        %or3A = arith.ori %lt3A_177, %lt3A_178 : vector<16xi1>
        %or3A_185 = arith.ori %or3A, %lt3A_179 : vector<16xi1>
        %or3A_186 = arith.ori %or3A_185, %lt3A_180 : vector<16xi1>
        %or3A_187 = arith.ori %or3A_186, %lt3A_181 : vector<16xi1>
        %or3A_188 = arith.ori %or3A_187, %lt3A_182 : vector<16xi1>
        %or3A_189 = arith.ori %or3A_188, %lt3A_183 : vector<16xi1>
        %or3A_190 = arith.ori %or3A_189, %lt3A_184 : vector<16xi1>
        %reduce_or3A = arith.constant 1.000000e+00 : f32
        %reduce_or3A_191 = arith.constant 0.000000e+00 : f32
        %reduce_or3A_192 = vector.broadcast %reduce_or3A : f32 to vector<16xf32>
        %reduce_or3A_193 = vector.broadcast %reduce_or3A_191 : f32 to vector<16xf32>
        %reduce_or3A_194 = arith.select %or3A_190, %reduce_or3A_192, %reduce_or3A_193 : vector<16xi1>, vector<16xf32>
        %reduce_or3A_195 = arith.constant true
        %reduce_or3A_196 = vector.broadcast %reduce_or3A_195 : i1 to vector<16xi1>
        %reduce_or3A_197 = tpu.scan <max>, %reduce_or3A_194 masked %reduce_or3A_196 : vector<16xf32>, vector<16xi1> -> vector<16xf32>
        %reduce_or3A_198 = vector.extract %reduce_or3A_197[15] : f32 from vector<16xf32>
        %reduce_or3A_199 = arith.constant 0.000000e+00 : f32
        %reduce_or3A_200 = arith.cmpf ogt, %reduce_or3A_198, %reduce_or3A_199 : f32
        %convert_element_type3A_201 = arith.extui %reduce_or3A_200 : i1 to i32
        %cond3A_202 = arith.constant 0 : i32
        %cond3A_203 = arith.cmpi ne, %convert_element_type3A_201, %cond3A_202 : i32
        scf.if %cond3A_203 {
          %while3A:8 = scf.while (%while3A_204 = %lt3A_177, %while3A_205 = %lt3A_178, %while3A_206 = %lt3A_179, %while3A_207 = %lt3A_180, %while3A_208 = %lt3A_181, %while3A_209 = %lt3A_182, %while3A_210 = %lt3A_183, %while3A_211 = %lt3A_184) : (vector<16xi1>, vector<16xi1>, vector<16xi1>, vector<16xi1>, vector<16xi1>, vector<16xi1>, vector<16xi1>, vector<16xi1>) -> (vector<16xi1>, vector<16xi1>, vector<16xi1>, vector<16xi1>, vector<16xi1>, vector<16xi1>, vector<16xi1>, vector<16xi1>) {
            %or3A_212 = arith.ori %while3A_204, %while3A_205 : vector<16xi1>
            %or3A_213 = arith.ori %or3A_212, %while3A_206 : vector<16xi1>
            %or3A_214 = arith.ori %or3A_213, %while3A_207 : vector<16xi1>
            %or3A_215 = arith.ori %or3A_214, %while3A_208 : vector<16xi1>
            %or3A_216 = arith.ori %or3A_215, %while3A_209 : vector<16xi1>
            %or3A_217 = arith.ori %or3A_216, %while3A_210 : vector<16xi1>
            %or3A_218 = arith.ori %or3A_217, %while3A_211 : vector<16xi1>
            %reduce_or3A_219 = arith.constant 1.000000e+00 : f32
            %reduce_or3A_220 = arith.constant 0.000000e+00 : f32
            %reduce_or3A_221 = vector.broadcast %reduce_or3A_219 : f32 to vector<16xf32>
            %reduce_or3A_222 = vector.broadcast %reduce_or3A_220 : f32 to vector<16xf32>
            %reduce_or3A_223 = arith.select %or3A_218, %reduce_or3A_221, %reduce_or3A_222 : vector<16xi1>, vector<16xf32>
            %reduce_or3A_224 = arith.constant true
            %reduce_or3A_225 = vector.broadcast %reduce_or3A_224 : i1 to vector<16xi1>
            %reduce_or3A_226 = tpu.scan <max>, %reduce_or3A_223 masked %reduce_or3A_225 : vector<16xf32>, vector<16xi1> -> vector<16xf32>
            %reduce_or3A_227 = vector.extract %reduce_or3A_226[15] : f32 from vector<16xf32>
            %reduce_or3A_228 = arith.constant 0.000000e+00 : f32
            %reduce_or3A_229 = arith.cmpf ogt, %reduce_or3A_227, %reduce_or3A_228 : f32
            scf.condition(%reduce_or3A_229) %while3A_204, %while3A_205, %while3A_206, %while3A_207, %while3A_208, %while3A_209, %while3A_210, %while3A_211 : vector<16xi1>, vector<16xi1>, vector<16xi1>, vector<16xi1>, vector<16xi1>, vector<16xi1>, vector<16xi1>, vector<16xi1>
          } do {
          ^bb0(%while3A_204: vector<16xi1>, %while3A_205: vector<16xi1>, %while3A_206: vector<16xi1>, %while3A_207: vector<16xi1>, %while3A_208: vector<16xi1>, %while3A_209: vector<16xi1>, %while3A_210: vector<16xi1>, %while3A_211: vector<16xi1>):
            %gather3A_212 = tpu.vector_load_idx %arg6[%get3A_110] : memref<50176xf32, #tpu.memory_space<vmem>>[vector<16xi32>], vector<16xf32>,
            %min3A_213 = arith.minimumf %gather3A_212, %gather3A : vector<16xf32>
            tpu.vector_store_idx %arg6[%get3A_110], %min3A_213 masked %while3A_204 : memref<50176xf32, #tpu.memory_space<vmem>>[vector<16xi32>], vector<16xf32>, vector<16xi1>
            %gather3A_214 = tpu.vector_load_idx %arg6[%get3A_110] : memref<50176xf32, #tpu.memory_space<vmem>>[vector<16xi32>], vector<16xf32>,
            %lt3A_215 = arith.cmpf olt, %gather3A, %gather3A_214 : vector<16xf32>
            %gather3A_216 = tpu.vector_load_idx %arg6[%get3A_115] : memref<50176xf32, #tpu.memory_space<vmem>>[vector<16xi32>], vector<16xf32>,
            %min3A_217 = arith.minimumf %gather3A_216, %gather3A_146 : vector<16xf32>
            tpu.vector_store_idx %arg6[%get3A_115], %min3A_217 masked %while3A_205 : memref<50176xf32, #tpu.memory_space<vmem>>[vector<16xi32>], vector<16xf32>, vector<16xi1>
            %gather3A_218 = tpu.vector_load_idx %arg6[%get3A_115] : memref<50176xf32, #tpu.memory_space<vmem>>[vector<16xi32>], vector<16xf32>,
            %lt3A_219 = arith.cmpf olt, %gather3A_146, %gather3A_218 : vector<16xf32>
            %gather3A_220 = tpu.vector_load_idx %arg6[%get3A_120] : memref<50176xf32, #tpu.memory_space<vmem>>[vector<16xi32>], vector<16xf32>,
            %min3A_221 = arith.minimumf %gather3A_220, %gather3A_147 : vector<16xf32>
            tpu.vector_store_idx %arg6[%get3A_120], %min3A_221 masked %while3A_206 : memref<50176xf32, #tpu.memory_space<vmem>>[vector<16xi32>], vector<16xf32>, vector<16xi1>
            %gather3A_222 = tpu.vector_load_idx %arg6[%get3A_120] : memref<50176xf32, #tpu.memory_space<vmem>>[vector<16xi32>], vector<16xf32>,
            %lt3A_223 = arith.cmpf olt, %gather3A_147, %gather3A_222 : vector<16xf32>
            %gather3A_224 = tpu.vector_load_idx %arg6[%get3A_125] : memref<50176xf32, #tpu.memory_space<vmem>>[vector<16xi32>], vector<16xf32>,
            %min3A_225 = arith.minimumf %gather3A_224, %gather3A_148 : vector<16xf32>
            tpu.vector_store_idx %arg6[%get3A_125], %min3A_225 masked %while3A_207 : memref<50176xf32, #tpu.memory_space<vmem>>[vector<16xi32>], vector<16xf32>, vector<16xi1>
            %gather3A_226 = tpu.vector_load_idx %arg6[%get3A_125] : memref<50176xf32, #tpu.memory_space<vmem>>[vector<16xi32>], vector<16xf32>,
            %lt3A_227 = arith.cmpf olt, %gather3A_148, %gather3A_226 : vector<16xf32>
            %gather3A_228 = tpu.vector_load_idx %arg6[%get3A_130] : memref<50176xf32, #tpu.memory_space<vmem>>[vector<16xi32>], vector<16xf32>,
            %min3A_229 = arith.minimumf %gather3A_228, %gather3A_149 : vector<16xf32>
            tpu.vector_store_idx %arg6[%get3A_130], %min3A_229 masked %while3A_208 : memref<50176xf32, #tpu.memory_space<vmem>>[vector<16xi32>], vector<16xf32>, vector<16xi1>
            %gather3A_230 = tpu.vector_load_idx %arg6[%get3A_130] : memref<50176xf32, #tpu.memory_space<vmem>>[vector<16xi32>], vector<16xf32>,
            %lt3A_231 = arith.cmpf olt, %gather3A_149, %gather3A_230 : vector<16xf32>
            %gather3A_232 = tpu.vector_load_idx %arg6[%get3A_135] : memref<50176xf32, #tpu.memory_space<vmem>>[vector<16xi32>], vector<16xf32>,
            %min3A_233 = arith.minimumf %gather3A_232, %gather3A_150 : vector<16xf32>
            tpu.vector_store_idx %arg6[%get3A_135], %min3A_233 masked %while3A_209 : memref<50176xf32, #tpu.memory_space<vmem>>[vector<16xi32>], vector<16xf32>, vector<16xi1>
            %gather3A_234 = tpu.vector_load_idx %arg6[%get3A_135] : memref<50176xf32, #tpu.memory_space<vmem>>[vector<16xi32>], vector<16xf32>,
            %lt3A_235 = arith.cmpf olt, %gather3A_150, %gather3A_234 : vector<16xf32>
            %gather3A_236 = tpu.vector_load_idx %arg6[%get3A_140] : memref<50176xf32, #tpu.memory_space<vmem>>[vector<16xi32>], vector<16xf32>,
            %min3A_237 = arith.minimumf %gather3A_236, %gather3A_151 : vector<16xf32>
            tpu.vector_store_idx %arg6[%get3A_140], %min3A_237 masked %while3A_210 : memref<50176xf32, #tpu.memory_space<vmem>>[vector<16xi32>], vector<16xf32>, vector<16xi1>
            %gather3A_238 = tpu.vector_load_idx %arg6[%get3A_140] : memref<50176xf32, #tpu.memory_space<vmem>>[vector<16xi32>], vector<16xf32>,
            %lt3A_239 = arith.cmpf olt, %gather3A_151, %gather3A_238 : vector<16xf32>
            %gather3A_240 = tpu.vector_load_idx %arg6[%get3A_145] : memref<50176xf32, #tpu.memory_space<vmem>>[vector<16xi32>], vector<16xf32>,
            %min3A_241 = arith.minimumf %gather3A_240, %gather3A_152 : vector<16xf32>
            tpu.vector_store_idx %arg6[%get3A_145], %min3A_241 masked %while3A_211 : memref<50176xf32, #tpu.memory_space<vmem>>[vector<16xi32>], vector<16xf32>, vector<16xi1>
            %gather3A_242 = tpu.vector_load_idx %arg6[%get3A_145] : memref<50176xf32, #tpu.memory_space<vmem>>[vector<16xi32>], vector<16xf32>,
            %lt3A_243 = arith.cmpf olt, %gather3A_152, %gather3A_242 : vector<16xf32>
            scf.yield %lt3A_215, %lt3A_219, %lt3A_223, %lt3A_227, %lt3A_231, %lt3A_235, %lt3A_239, %lt3A_243 : vector<16xi1>, vector<16xi1>, vector<16xi1>, vector<16xi1>, vector<16xi1>, vector<16xi1>, vector<16xi1>, vector<16xi1>
          }
        } else {
        }
      }
      %scan3A_64 = arith.constant 39 : i32
    }
    %scan3A_29 = arith.constant 10 : i32
    %lt3A = arith.constant 20 : i32
    %lt3A_30 = arith.cmpi slt, %add3A, %lt3A : i32
    %convert_element_type3A = arith.extui %lt3A_30 : i1 to i32
    %cond3A = arith.constant 0 : i32
    %cond3A_31 = arith.cmpi ne, %convert_element_type3A, %cond3A : i32
    scf.if %cond3A_31 {
      %add3A_34 = arith.constant 390 : i32
      %add3A_35 = arith.addi %add3A_4, %add3A_34 : i32
      "tpu.region"() ({
        %run_scoped3A = tpu.sem_alloc : memref<!tpu.dma_semaphore, #tpu.memory_space<semaphore_mem>>
        %dma_start3A_189 = arith.constant 0 : i32
        %dma_start3A_190 = arith.constant 0 : i32
        %dma_start3A_191 = arith.constant 0 : i32
        %dma_start3A_192 = tpu.memref_slice %arg7[%dma_start3A_189, %dma_start3A_190, %dma_start3A_191] : memref<78x2x128xi32, #tpu.memory_space<vmem>> -> memref<1x2x128xi32, #tpu.memory_space<vmem>>
        %dma_start3A_193 = arith.constant 0 : i32
        %dma_start3A_194 = arith.constant 0 : i32
        %dma_start3A_195 = tpu.memref_slice %arg3[%add3A_35, %dma_start3A_193, %dma_start3A_194] : memref<12500x2x128xi32, #tpu.memory_space<hbm>> -> memref<1x2x128xi32, #tpu.memory_space<hbm>>
        %dma_start3A_196 = arith.constant 0 : i32
        %dma_start3A_197 = arith.constant 0 : i32
        %dma_start3A_198 = arith.constant 0 : i32
        %dma_start3A_199 = tpu.memref_slice %arg7[%dma_start3A_196, %dma_start3A_197, %dma_start3A_198] : memref<78x2x128xi32, #tpu.memory_space<vmem>> -> memref<1x2x128xi32, #tpu.memory_space<vmem>>
        %dma_start3A_200 = arith.constant 0 : i32
        %dma_start3A_201 = arith.constant 0 : i32
        %dma_start3A_202 = tpu.memref_slice %arg3[%add3A_35, %dma_start3A_200, %dma_start3A_201] : memref<12500x2x128xi32, #tpu.memory_space<hbm>> -> memref<1x2x128xi32, #tpu.memory_space<hbm>>
        tpu.enqueue_dma source(%dma_start3A_202 : memref<1x2x128xi32, #tpu.memory_space<hbm>>) target(%dma_start3A_199 : memref<1x2x128xi32, #tpu.memory_space<vmem>>) target_semaphore(%run_scoped3A : memref<!tpu.dma_semaphore, #tpu.memory_space<semaphore_mem>>)
        %dma_wait3A = arith.constant 0 : i32
        %dma_wait3A_203 = arith.constant 0 : i32
        %dma_wait3A_204 = arith.constant 0 : i32
        %dma_wait3A_205 = tpu.memref_slice %arg7[%dma_wait3A, %dma_wait3A_203, %dma_wait3A_204] : memref<78x2x128xi32, #tpu.memory_space<vmem>> -> memref<1x2x128xi32, #tpu.memory_space<vmem>>
        %dma_wait3A_206 = arith.constant 0 : i32
        %dma_wait3A_207 = arith.constant 0 : i32
        %dma_wait3A_208 = tpu.memref_slice %arg3[%add3A_35, %dma_wait3A_206, %dma_wait3A_207] : memref<12500x2x128xi32, #tpu.memory_space<hbm>> -> memref<1x2x128xi32, #tpu.memory_space<hbm>>
        %dma_wait3A_209 = arith.constant 0 : i32
        %dma_wait3A_210 = arith.constant 0 : i32
        %dma_wait3A_211 = arith.constant 0 : i32
        %dma_wait3A_212 = tpu.memref_slice %arg7[%dma_wait3A_209, %dma_wait3A_210, %dma_wait3A_211] : memref<78x2x128xi32, #tpu.memory_space<vmem>> -> memref<1x2x128xi32, #tpu.memory_space<vmem>>
        %dma_wait3A_213 = arith.constant 0 : i32
        %dma_wait3A_214 = arith.constant 0 : i32
        %dma_wait3A_215 = tpu.memref_slice %arg3[%add3A_35, %dma_wait3A_213, %dma_wait3A_214] : memref<12500x2x128xi32, #tpu.memory_space<hbm>> -> memref<1x2x128xi32, #tpu.memory_space<hbm>>
        tpu.wait_dma2 semaphore(%run_scoped3A : memref<!tpu.dma_semaphore, #tpu.memory_space<semaphore_mem>>) src(%dma_wait3A_215 : memref<1x2x128xi32, #tpu.memory_space<hbm>>) dst(%dma_wait3A_212 : memref<1x2x128xi32, #tpu.memory_space<vmem>>)
        tpu.yield
      }) : () -> ()
      %get3A = arith.constant 0 : i32
      %get3A_36 = arith.constant 0 : i32
      %get3A_37 = arith.index_cast %get3A : i32 to index
      %get3A_38 = arith.index_cast %get3A_36 : i32 to index
      %get3A_39 = arith.constant 0 : index
      %get3A_40 = tpu.vector_load %arg7[%get3A_37, %get3A_38, %get3A_39] {strides = array<i32>} : memref<78x2x128xi32, #tpu.memory_space<vmem>>, vector<16xi32>,
      %get3A_41 = arith.constant 0 : i32
      %get3A_42 = arith.constant 0 : i32
      %get3A_43 = arith.index_cast %get3A_41 : i32 to index
      %get3A_44 = arith.index_cast %get3A_42 : i32 to index
      %get3A_45 = arith.constant 16 : index
      %get3A_46 = tpu.vector_load %arg7[%get3A_43, %get3A_44, %get3A_45] {strides = array<i32>} : memref<78x2x128xi32, #tpu.memory_space<vmem>>, vector<16xi32>,
      %get3A_47 = arith.constant 0 : i32
      %get3A_48 = arith.constant 0 : i32
      %get3A_49 = arith.index_cast %get3A_47 : i32 to index
      %get3A_50 = arith.index_cast %get3A_48 : i32 to index
      %get3A_51 = arith.constant 32 : index
      %get3A_52 = tpu.vector_load %arg7[%get3A_49, %get3A_50, %get3A_51] {strides = array<i32>} : memref<78x2x128xi32, #tpu.memory_space<vmem>>, vector<16xi32>,
      %get3A_53 = arith.constant 0 : i32
      %get3A_54 = arith.constant 0 : i32
      %get3A_55 = arith.index_cast %get3A_53 : i32 to index
      %get3A_56 = arith.index_cast %get3A_54 : i32 to index
      %get3A_57 = arith.constant 48 : index
      %get3A_58 = tpu.vector_load %arg7[%get3A_55, %get3A_56, %get3A_57] {strides = array<i32>} : memref<78x2x128xi32, #tpu.memory_space<vmem>>, vector<16xi32>,
      %get3A_59 = arith.constant 0 : i32
      %get3A_60 = arith.constant 0 : i32
      %get3A_61 = arith.index_cast %get3A_59 : i32 to index
      %get3A_62 = arith.index_cast %get3A_60 : i32 to index
      %get3A_63 = arith.constant 64 : index
      %get3A_64 = tpu.vector_load %arg7[%get3A_61, %get3A_62, %get3A_63] {strides = array<i32>} : memref<78x2x128xi32, #tpu.memory_space<vmem>>, vector<16xi32>,
      %get3A_65 = arith.constant 0 : i32
      %get3A_66 = arith.constant 0 : i32
      %get3A_67 = arith.index_cast %get3A_65 : i32 to index
      %get3A_68 = arith.index_cast %get3A_66 : i32 to index
      %get3A_69 = arith.constant 80 : index
      %get3A_70 = tpu.vector_load %arg7[%get3A_67, %get3A_68, %get3A_69] {strides = array<i32>} : memref<78x2x128xi32, #tpu.memory_space<vmem>>, vector<16xi32>,
      %get3A_71 = arith.constant 0 : i32
      %get3A_72 = arith.constant 0 : i32
      %get3A_73 = arith.index_cast %get3A_71 : i32 to index
      %get3A_74 = arith.index_cast %get3A_72 : i32 to index
      %get3A_75 = arith.constant 96 : index
      %get3A_76 = tpu.vector_load %arg7[%get3A_73, %get3A_74, %get3A_75] {strides = array<i32>} : memref<78x2x128xi32, #tpu.memory_space<vmem>>, vector<16xi32>,
      %get3A_77 = arith.constant 0 : i32
      %get3A_78 = arith.constant 0 : i32
      %get3A_79 = arith.index_cast %get3A_77 : i32 to index
      %get3A_80 = arith.index_cast %get3A_78 : i32 to index
      %get3A_81 = arith.constant 112 : index
      %get3A_82 = tpu.vector_load %arg7[%get3A_79, %get3A_80, %get3A_81] {strides = array<i32>} : memref<78x2x128xi32, #tpu.memory_space<vmem>>, vector<16xi32>,
      %get3A_83 = arith.constant 0 : i32
      %get3A_84 = arith.constant 1 : i32
      %get3A_85 = arith.index_cast %get3A_83 : i32 to index
      %get3A_86 = arith.index_cast %get3A_84 : i32 to index
      %get3A_87 = arith.constant 0 : index
      %get3A_88 = tpu.vector_load %arg7[%get3A_85, %get3A_86, %get3A_87] {strides = array<i32>} : memref<78x2x128xi32, #tpu.memory_space<vmem>>, vector<16xi32>,
      %get3A_89 = arith.constant 0 : i32
      %get3A_90 = arith.constant 1 : i32
      %get3A_91 = arith.index_cast %get3A_89 : i32 to index
      %get3A_92 = arith.index_cast %get3A_90 : i32 to index
      %get3A_93 = arith.constant 16 : index
      %get3A_94 = tpu.vector_load %arg7[%get3A_91, %get3A_92, %get3A_93] {strides = array<i32>} : memref<78x2x128xi32, #tpu.memory_space<vmem>>, vector<16xi32>,
      %get3A_95 = arith.constant 0 : i32
      %get3A_96 = arith.constant 1 : i32
      %get3A_97 = arith.index_cast %get3A_95 : i32 to index
      %get3A_98 = arith.index_cast %get3A_96 : i32 to index
      %get3A_99 = arith.constant 32 : index
      %get3A_100 = tpu.vector_load %arg7[%get3A_97, %get3A_98, %get3A_99] {strides = array<i32>} : memref<78x2x128xi32, #tpu.memory_space<vmem>>, vector<16xi32>,
      %get3A_101 = arith.constant 0 : i32
      %get3A_102 = arith.constant 1 : i32
      %get3A_103 = arith.index_cast %get3A_101 : i32 to index
      %get3A_104 = arith.index_cast %get3A_102 : i32 to index
      %get3A_105 = arith.constant 48 : index
      %get3A_106 = tpu.vector_load %arg7[%get3A_103, %get3A_104, %get3A_105] {strides = array<i32>} : memref<78x2x128xi32, #tpu.memory_space<vmem>>, vector<16xi32>,
      %get3A_107 = arith.constant 0 : i32
      %get3A_108 = arith.constant 1 : i32
      %get3A_109 = arith.index_cast %get3A_107 : i32 to index
      %get3A_110 = arith.index_cast %get3A_108 : i32 to index
      %get3A_111 = arith.constant 64 : index
      %get3A_112 = tpu.vector_load %arg7[%get3A_109, %get3A_110, %get3A_111] {strides = array<i32>} : memref<78x2x128xi32, #tpu.memory_space<vmem>>, vector<16xi32>,
      %get3A_113 = arith.constant 0 : i32
      %get3A_114 = arith.constant 1 : i32
      %get3A_115 = arith.index_cast %get3A_113 : i32 to index
      %get3A_116 = arith.index_cast %get3A_114 : i32 to index
      %get3A_117 = arith.constant 80 : index
      %get3A_118 = tpu.vector_load %arg7[%get3A_115, %get3A_116, %get3A_117] {strides = array<i32>} : memref<78x2x128xi32, #tpu.memory_space<vmem>>, vector<16xi32>,
      %get3A_119 = arith.constant 0 : i32
      %get3A_120 = arith.constant 1 : i32
      %get3A_121 = arith.index_cast %get3A_119 : i32 to index
      %get3A_122 = arith.index_cast %get3A_120 : i32 to index
      %get3A_123 = arith.constant 96 : index
      %get3A_124 = tpu.vector_load %arg7[%get3A_121, %get3A_122, %get3A_123] {strides = array<i32>} : memref<78x2x128xi32, #tpu.memory_space<vmem>>, vector<16xi32>,
      %get3A_125 = arith.constant 0 : i32
      %get3A_126 = arith.constant 1 : i32
      %get3A_127 = arith.index_cast %get3A_125 : i32 to index
      %get3A_128 = arith.index_cast %get3A_126 : i32 to index
      %get3A_129 = arith.constant 112 : index
      %get3A_130 = tpu.vector_load %arg7[%get3A_127, %get3A_128, %get3A_129] {strides = array<i32>} : memref<78x2x128xi32, #tpu.memory_space<vmem>>, vector<16xi32>,
      %gather3A = tpu.vector_load_idx %arg5[%get3A_40] : memref<50000xf32, #tpu.memory_space<vmem>>[vector<16xi32>], vector<16xf32>,
      %gather3A_131 = tpu.vector_load_idx %arg5[%get3A_46] : memref<50000xf32, #tpu.memory_space<vmem>>[vector<16xi32>], vector<16xf32>,
      %gather3A_132 = tpu.vector_load_idx %arg5[%get3A_52] : memref<50000xf32, #tpu.memory_space<vmem>>[vector<16xi32>], vector<16xf32>,
      %gather3A_133 = tpu.vector_load_idx %arg5[%get3A_58] : memref<50000xf32, #tpu.memory_space<vmem>>[vector<16xi32>], vector<16xf32>,
      %gather3A_134 = tpu.vector_load_idx %arg5[%get3A_64] : memref<50000xf32, #tpu.memory_space<vmem>>[vector<16xi32>], vector<16xf32>,
      %gather3A_135 = tpu.vector_load_idx %arg5[%get3A_70] : memref<50000xf32, #tpu.memory_space<vmem>>[vector<16xi32>], vector<16xf32>,
      %gather3A_136 = tpu.vector_load_idx %arg5[%get3A_76] : memref<50000xf32, #tpu.memory_space<vmem>>[vector<16xi32>], vector<16xf32>,
      %gather3A_137 = tpu.vector_load_idx %arg5[%get3A_82] : memref<50000xf32, #tpu.memory_space<vmem>>[vector<16xi32>], vector<16xf32>,
      %gather3A_138 = tpu.vector_load_idx %arg6[%get3A_88] : memref<50176xf32, #tpu.memory_space<vmem>>[vector<16xi32>], vector<16xf32>,
      %gather3A_139 = tpu.vector_load_idx %arg6[%get3A_94] : memref<50176xf32, #tpu.memory_space<vmem>>[vector<16xi32>], vector<16xf32>,
      %gather3A_140 = tpu.vector_load_idx %arg6[%get3A_100] : memref<50176xf32, #tpu.memory_space<vmem>>[vector<16xi32>], vector<16xf32>,
      %gather3A_141 = tpu.vector_load_idx %arg6[%get3A_106] : memref<50176xf32, #tpu.memory_space<vmem>>[vector<16xi32>], vector<16xf32>,
      %gather3A_142 = tpu.vector_load_idx %arg6[%get3A_112] : memref<50176xf32, #tpu.memory_space<vmem>>[vector<16xi32>], vector<16xf32>,
      %gather3A_143 = tpu.vector_load_idx %arg6[%get3A_118] : memref<50176xf32, #tpu.memory_space<vmem>>[vector<16xi32>], vector<16xf32>,
      %gather3A_144 = tpu.vector_load_idx %arg6[%get3A_124] : memref<50176xf32, #tpu.memory_space<vmem>>[vector<16xi32>], vector<16xf32>,
      %gather3A_145 = tpu.vector_load_idx %arg6[%get3A_130] : memref<50176xf32, #tpu.memory_space<vmem>>[vector<16xi32>], vector<16xf32>,
      %min3A_146 = arith.minimumf %gather3A_138, %gather3A : vector<16xf32>
      tpu.vector_store_idx %arg6[%get3A_88], %min3A_146 : memref<50176xf32, #tpu.memory_space<vmem>>[vector<16xi32>], vector<16xf32>,
      %min3A_147 = arith.minimumf %gather3A_139, %gather3A_131 : vector<16xf32>
      tpu.vector_store_idx %arg6[%get3A_94], %min3A_147 : memref<50176xf32, #tpu.memory_space<vmem>>[vector<16xi32>], vector<16xf32>,
      %min3A_148 = arith.minimumf %gather3A_140, %gather3A_132 : vector<16xf32>
      tpu.vector_store_idx %arg6[%get3A_100], %min3A_148 : memref<50176xf32, #tpu.memory_space<vmem>>[vector<16xi32>], vector<16xf32>,
      %min3A_149 = arith.minimumf %gather3A_141, %gather3A_133 : vector<16xf32>
      tpu.vector_store_idx %arg6[%get3A_106], %min3A_149 : memref<50176xf32, #tpu.memory_space<vmem>>[vector<16xi32>], vector<16xf32>,
      %min3A_150 = arith.minimumf %gather3A_142, %gather3A_134 : vector<16xf32>
      tpu.vector_store_idx %arg6[%get3A_112], %min3A_150 : memref<50176xf32, #tpu.memory_space<vmem>>[vector<16xi32>], vector<16xf32>,
      %min3A_151 = arith.minimumf %gather3A_143, %gather3A_135 : vector<16xf32>
      tpu.vector_store_idx %arg6[%get3A_118], %min3A_151 : memref<50176xf32, #tpu.memory_space<vmem>>[vector<16xi32>], vector<16xf32>,
      %min3A_152 = arith.minimumf %gather3A_144, %gather3A_136 : vector<16xf32>
      tpu.vector_store_idx %arg6[%get3A_124], %min3A_152 : memref<50176xf32, #tpu.memory_space<vmem>>[vector<16xi32>], vector<16xf32>,
      %min3A_153 = arith.minimumf %gather3A_145, %gather3A_137 : vector<16xf32>
      tpu.vector_store_idx %arg6[%get3A_130], %min3A_153 : memref<50176xf32, #tpu.memory_space<vmem>>[vector<16xi32>], vector<16xf32>,
      %gather3A_154 = tpu.vector_load_idx %arg6[%get3A_88] : memref<50176xf32, #tpu.memory_space<vmem>>[vector<16xi32>], vector<16xf32>,
      %gather3A_155 = tpu.vector_load_idx %arg6[%get3A_94] : memref<50176xf32, #tpu.memory_space<vmem>>[vector<16xi32>], vector<16xf32>,
      %gather3A_156 = tpu.vector_load_idx %arg6[%get3A_100] : memref<50176xf32, #tpu.memory_space<vmem>>[vector<16xi32>], vector<16xf32>,
      %gather3A_157 = tpu.vector_load_idx %arg6[%get3A_106] : memref<50176xf32, #tpu.memory_space<vmem>>[vector<16xi32>], vector<16xf32>,
      %gather3A_158 = tpu.vector_load_idx %arg6[%get3A_112] : memref<50176xf32, #tpu.memory_space<vmem>>[vector<16xi32>], vector<16xf32>,
      %gather3A_159 = tpu.vector_load_idx %arg6[%get3A_118] : memref<50176xf32, #tpu.memory_space<vmem>>[vector<16xi32>], vector<16xf32>,
      %gather3A_160 = tpu.vector_load_idx %arg6[%get3A_124] : memref<50176xf32, #tpu.memory_space<vmem>>[vector<16xi32>], vector<16xf32>,
      %gather3A_161 = tpu.vector_load_idx %arg6[%get3A_130] : memref<50176xf32, #tpu.memory_space<vmem>>[vector<16xi32>], vector<16xf32>,
      %lt3A_162 = arith.cmpf olt, %gather3A, %gather3A_154 : vector<16xf32>
      %lt3A_163 = arith.cmpf olt, %gather3A_131, %gather3A_155 : vector<16xf32>
      %lt3A_164 = arith.cmpf olt, %gather3A_132, %gather3A_156 : vector<16xf32>
      %lt3A_165 = arith.cmpf olt, %gather3A_133, %gather3A_157 : vector<16xf32>
      %lt3A_166 = arith.cmpf olt, %gather3A_134, %gather3A_158 : vector<16xf32>
      %lt3A_167 = arith.cmpf olt, %gather3A_135, %gather3A_159 : vector<16xf32>
      %lt3A_168 = arith.cmpf olt, %gather3A_136, %gather3A_160 : vector<16xf32>
      %lt3A_169 = arith.cmpf olt, %gather3A_137, %gather3A_161 : vector<16xf32>
      %or3A = arith.ori %lt3A_162, %lt3A_163 : vector<16xi1>
      %or3A_170 = arith.ori %or3A, %lt3A_164 : vector<16xi1>
      %or3A_171 = arith.ori %or3A_170, %lt3A_165 : vector<16xi1>
      %or3A_172 = arith.ori %or3A_171, %lt3A_166 : vector<16xi1>
      %or3A_173 = arith.ori %or3A_172, %lt3A_167 : vector<16xi1>
      %or3A_174 = arith.ori %or3A_173, %lt3A_168 : vector<16xi1>
      %or3A_175 = arith.ori %or3A_174, %lt3A_169 : vector<16xi1>
      %reduce_or3A = arith.constant 1.000000e+00 : f32
      %reduce_or3A_176 = arith.constant 0.000000e+00 : f32
      %reduce_or3A_177 = vector.broadcast %reduce_or3A : f32 to vector<16xf32>
      %reduce_or3A_178 = vector.broadcast %reduce_or3A_176 : f32 to vector<16xf32>
      %reduce_or3A_179 = arith.select %or3A_175, %reduce_or3A_177, %reduce_or3A_178 : vector<16xi1>, vector<16xf32>
      %reduce_or3A_180 = arith.constant true
      %reduce_or3A_181 = vector.broadcast %reduce_or3A_180 : i1 to vector<16xi1>
      %reduce_or3A_182 = tpu.scan <max>, %reduce_or3A_179 masked %reduce_or3A_181 : vector<16xf32>, vector<16xi1> -> vector<16xf32>
      %reduce_or3A_183 = vector.extract %reduce_or3A_182[15] : f32 from vector<16xf32>
      %reduce_or3A_184 = arith.constant 0.000000e+00 : f32
      %reduce_or3A_185 = arith.cmpf ogt, %reduce_or3A_183, %reduce_or3A_184 : f32
      %convert_element_type3A_186 = arith.extui %reduce_or3A_185 : i1 to i32
      %cond3A_187 = arith.constant 0 : i32
      %cond3A_188 = arith.cmpi ne, %convert_element_type3A_186, %cond3A_187 : i32
      scf.if %cond3A_188 {
        %while3A:8 = scf.while (%while3A_189 = %lt3A_162, %while3A_190 = %lt3A_163, %while3A_191 = %lt3A_164, %while3A_192 = %lt3A_165, %while3A_193 = %lt3A_166, %while3A_194 = %lt3A_167, %while3A_195 = %lt3A_168, %while3A_196 = %lt3A_169) : (vector<16xi1>, vector<16xi1>, vector<16xi1>, vector<16xi1>, vector<16xi1>, vector<16xi1>, vector<16xi1>, vector<16xi1>) -> (vector<16xi1>, vector<16xi1>, vector<16xi1>, vector<16xi1>, vector<16xi1>, vector<16xi1>, vector<16xi1>, vector<16xi1>) {
          %or3A_197 = arith.ori %while3A_189, %while3A_190 : vector<16xi1>
          %or3A_198 = arith.ori %or3A_197, %while3A_191 : vector<16xi1>
          %or3A_199 = arith.ori %or3A_198, %while3A_192 : vector<16xi1>
          %or3A_200 = arith.ori %or3A_199, %while3A_193 : vector<16xi1>
          %or3A_201 = arith.ori %or3A_200, %while3A_194 : vector<16xi1>
          %or3A_202 = arith.ori %or3A_201, %while3A_195 : vector<16xi1>
          %or3A_203 = arith.ori %or3A_202, %while3A_196 : vector<16xi1>
          %reduce_or3A_204 = arith.constant 1.000000e+00 : f32
          %reduce_or3A_205 = arith.constant 0.000000e+00 : f32
          %reduce_or3A_206 = vector.broadcast %reduce_or3A_204 : f32 to vector<16xf32>
          %reduce_or3A_207 = vector.broadcast %reduce_or3A_205 : f32 to vector<16xf32>
          %reduce_or3A_208 = arith.select %or3A_203, %reduce_or3A_206, %reduce_or3A_207 : vector<16xi1>, vector<16xf32>
          %reduce_or3A_209 = arith.constant true
          %reduce_or3A_210 = vector.broadcast %reduce_or3A_209 : i1 to vector<16xi1>
          %reduce_or3A_211 = tpu.scan <max>, %reduce_or3A_208 masked %reduce_or3A_210 : vector<16xf32>, vector<16xi1> -> vector<16xf32>
          %reduce_or3A_212 = vector.extract %reduce_or3A_211[15] : f32 from vector<16xf32>
          %reduce_or3A_213 = arith.constant 0.000000e+00 : f32
          %reduce_or3A_214 = arith.cmpf ogt, %reduce_or3A_212, %reduce_or3A_213 : f32
          scf.condition(%reduce_or3A_214) %while3A_189, %while3A_190, %while3A_191, %while3A_192, %while3A_193, %while3A_194, %while3A_195, %while3A_196 : vector<16xi1>, vector<16xi1>, vector<16xi1>, vector<16xi1>, vector<16xi1>, vector<16xi1>, vector<16xi1>, vector<16xi1>
        } do {
        ^bb0(%while3A_189: vector<16xi1>, %while3A_190: vector<16xi1>, %while3A_191: vector<16xi1>, %while3A_192: vector<16xi1>, %while3A_193: vector<16xi1>, %while3A_194: vector<16xi1>, %while3A_195: vector<16xi1>, %while3A_196: vector<16xi1>):
          %gather3A_197 = tpu.vector_load_idx %arg6[%get3A_88] : memref<50176xf32, #tpu.memory_space<vmem>>[vector<16xi32>], vector<16xf32>,
          %min3A_198 = arith.minimumf %gather3A_197, %gather3A : vector<16xf32>
          tpu.vector_store_idx %arg6[%get3A_88], %min3A_198 masked %while3A_189 : memref<50176xf32, #tpu.memory_space<vmem>>[vector<16xi32>], vector<16xf32>, vector<16xi1>
          %gather3A_199 = tpu.vector_load_idx %arg6[%get3A_88] : memref<50176xf32, #tpu.memory_space<vmem>>[vector<16xi32>], vector<16xf32>,
          %lt3A_200 = arith.cmpf olt, %gather3A, %gather3A_199 : vector<16xf32>
          %gather3A_201 = tpu.vector_load_idx %arg6[%get3A_94] : memref<50176xf32, #tpu.memory_space<vmem>>[vector<16xi32>], vector<16xf32>,
          %min3A_202 = arith.minimumf %gather3A_201, %gather3A_131 : vector<16xf32>
          tpu.vector_store_idx %arg6[%get3A_94], %min3A_202 masked %while3A_190 : memref<50176xf32, #tpu.memory_space<vmem>>[vector<16xi32>], vector<16xf32>, vector<16xi1>
          %gather3A_203 = tpu.vector_load_idx %arg6[%get3A_94] : memref<50176xf32, #tpu.memory_space<vmem>>[vector<16xi32>], vector<16xf32>,
          %lt3A_204 = arith.cmpf olt, %gather3A_131, %gather3A_203 : vector<16xf32>
          %gather3A_205 = tpu.vector_load_idx %arg6[%get3A_100] : memref<50176xf32, #tpu.memory_space<vmem>>[vector<16xi32>], vector<16xf32>,
          %min3A_206 = arith.minimumf %gather3A_205, %gather3A_132 : vector<16xf32>
          tpu.vector_store_idx %arg6[%get3A_100], %min3A_206 masked %while3A_191 : memref<50176xf32, #tpu.memory_space<vmem>>[vector<16xi32>], vector<16xf32>, vector<16xi1>
          %gather3A_207 = tpu.vector_load_idx %arg6[%get3A_100] : memref<50176xf32, #tpu.memory_space<vmem>>[vector<16xi32>], vector<16xf32>,
          %lt3A_208 = arith.cmpf olt, %gather3A_132, %gather3A_207 : vector<16xf32>
          %gather3A_209 = tpu.vector_load_idx %arg6[%get3A_106] : memref<50176xf32, #tpu.memory_space<vmem>>[vector<16xi32>], vector<16xf32>,
          %min3A_210 = arith.minimumf %gather3A_209, %gather3A_133 : vector<16xf32>
          tpu.vector_store_idx %arg6[%get3A_106], %min3A_210 masked %while3A_192 : memref<50176xf32, #tpu.memory_space<vmem>>[vector<16xi32>], vector<16xf32>, vector<16xi1>
          %gather3A_211 = tpu.vector_load_idx %arg6[%get3A_106] : memref<50176xf32, #tpu.memory_space<vmem>>[vector<16xi32>], vector<16xf32>,
          %lt3A_212 = arith.cmpf olt, %gather3A_133, %gather3A_211 : vector<16xf32>
          %gather3A_213 = tpu.vector_load_idx %arg6[%get3A_112] : memref<50176xf32, #tpu.memory_space<vmem>>[vector<16xi32>], vector<16xf32>,
          %min3A_214 = arith.minimumf %gather3A_213, %gather3A_134 : vector<16xf32>
          tpu.vector_store_idx %arg6[%get3A_112], %min3A_214 masked %while3A_193 : memref<50176xf32, #tpu.memory_space<vmem>>[vector<16xi32>], vector<16xf32>, vector<16xi1>
          %gather3A_215 = tpu.vector_load_idx %arg6[%get3A_112] : memref<50176xf32, #tpu.memory_space<vmem>>[vector<16xi32>], vector<16xf32>,
          %lt3A_216 = arith.cmpf olt, %gather3A_134, %gather3A_215 : vector<16xf32>
          %gather3A_217 = tpu.vector_load_idx %arg6[%get3A_118] : memref<50176xf32, #tpu.memory_space<vmem>>[vector<16xi32>], vector<16xf32>,
          %min3A_218 = arith.minimumf %gather3A_217, %gather3A_135 : vector<16xf32>
          tpu.vector_store_idx %arg6[%get3A_118], %min3A_218 masked %while3A_194 : memref<50176xf32, #tpu.memory_space<vmem>>[vector<16xi32>], vector<16xf32>, vector<16xi1>
          %gather3A_219 = tpu.vector_load_idx %arg6[%get3A_118] : memref<50176xf32, #tpu.memory_space<vmem>>[vector<16xi32>], vector<16xf32>,
          %lt3A_220 = arith.cmpf olt, %gather3A_135, %gather3A_219 : vector<16xf32>
          %gather3A_221 = tpu.vector_load_idx %arg6[%get3A_124] : memref<50176xf32, #tpu.memory_space<vmem>>[vector<16xi32>], vector<16xf32>,
          %min3A_222 = arith.minimumf %gather3A_221, %gather3A_136 : vector<16xf32>
          tpu.vector_store_idx %arg6[%get3A_124], %min3A_222 masked %while3A_195 : memref<50176xf32, #tpu.memory_space<vmem>>[vector<16xi32>], vector<16xf32>, vector<16xi1>
          %gather3A_223 = tpu.vector_load_idx %arg6[%get3A_124] : memref<50176xf32, #tpu.memory_space<vmem>>[vector<16xi32>], vector<16xf32>,
          %lt3A_224 = arith.cmpf olt, %gather3A_136, %gather3A_223 : vector<16xf32>
          %gather3A_225 = tpu.vector_load_idx %arg6[%get3A_130] : memref<50176xf32, #tpu.memory_space<vmem>>[vector<16xi32>], vector<16xf32>,
          %min3A_226 = arith.minimumf %gather3A_225, %gather3A_137 : vector<16xf32>
          tpu.vector_store_idx %arg6[%get3A_130], %min3A_226 masked %while3A_196 : memref<50176xf32, #tpu.memory_space<vmem>>[vector<16xi32>], vector<16xf32>, vector<16xi1>
          %gather3A_227 = tpu.vector_load_idx %arg6[%get3A_130] : memref<50176xf32, #tpu.memory_space<vmem>>[vector<16xi32>], vector<16xf32>,
          %lt3A_228 = arith.cmpf olt, %gather3A_137, %gather3A_227 : vector<16xf32>
          scf.yield %lt3A_200, %lt3A_204, %lt3A_208, %lt3A_212, %lt3A_216, %lt3A_220, %lt3A_224, %lt3A_228 : vector<16xi1>, vector<16xi1>, vector<16xi1>, vector<16xi1>, vector<16xi1>, vector<16xi1>, vector<16xi1>, vector<16xi1>
        }
      } else {
      }
    } else {
    }
    %mul3A_32 = arith.constant 50176 : i32
    %mul3A_33 = arith.muli %add3A, %mul3A_32 : i32
    "tpu.region"() ({
      %run_scoped3A = tpu.sem_alloc : memref<!tpu.dma_semaphore, #tpu.memory_space<semaphore_mem>>
      %dma_start3A_34 = tpu.memref_slice %arg4[%mul3A_33] : memref<1605632xf32, #tpu.memory_space<hbm>> -> memref<50176xf32, #tpu.memory_space<hbm>>
      %dma_start3A_35 = tpu.memref_slice %arg4[%mul3A_33] : memref<1605632xf32, #tpu.memory_space<hbm>> -> memref<50176xf32, #tpu.memory_space<hbm>>
      tpu.enqueue_dma source(%arg6 : memref<50176xf32, #tpu.memory_space<vmem>>) target(%dma_start3A_35 : memref<50176xf32, #tpu.memory_space<hbm>>) target_semaphore(%run_scoped3A : memref<!tpu.dma_semaphore, #tpu.memory_space<semaphore_mem>>)
      %dma_wait3A = tpu.memref_slice %arg4[%mul3A_33] : memref<1605632xf32, #tpu.memory_space<hbm>> -> memref<50176xf32, #tpu.memory_space<hbm>>
      %dma_wait3A_36 = tpu.memref_slice %arg4[%mul3A_33] : memref<1605632xf32, #tpu.memory_space<hbm>> -> memref<50176xf32, #tpu.memory_space<hbm>>
      tpu.wait_dma2 semaphore(%run_scoped3A : memref<!tpu.dma_semaphore, #tpu.memory_space<semaphore_mem>>) src(%arg6 : memref<50176xf32, #tpu.memory_space<vmem>>) dst(%dma_wait3A_36 : memref<50176xf32, #tpu.memory_space<hbm>>)
      tpu.yield
    }) : () -> ()
    return
  }
}

#map = affine_map<(d0, d1) -> (0)>
module attributes {stable_mosaic.version = 14 : i64} {
  func.func @_merge_kernel(%arg0: i32, %arg1: i32, %arg2: memref<1605632xf32, #tpu.memory_space<hbm>>, %arg3: memref<50176xf32, #tpu.memory_space<hbm>>, %arg4: memref<16xf32, #tpu.memory_space<hbm>>, %arg5: memref<50000xf32, #tpu.memory_space<hbm>>, %arg6: memref<50000xf32, #tpu.memory_space<hbm>>, %arg7: memref<50000xf32, #tpu.memory_space<hbm>>, %arg8: memref<50176xf32, #tpu.memory_space<vmem>>, %arg9: memref<1568xf32, #tpu.memory_space<vmem>>, %arg10: memref<1568xf32, #tpu.memory_space<vmem>>, %arg11: memref<1568xf32, #tpu.memory_space<vmem>>, %arg12: memref<1568xf32, #tpu.memory_space<vmem>>, %arg13: memref<16xf32, #tpu.memory_space<vmem>>, %arg14: memref<!tpu.dma_semaphore, #tpu.memory_space<semaphore_mem>>) attributes {dimension_semantics = [#tpu.dimension_semantics<core_parallel>, #tpu.dimension_semantics<subcore_parallel>], iteration_bounds = array<i64: 2, 16>, scalar_prefetch = 0 : i64, scratch_operands = 7 : i64, tpu.core_type = #tpu.core_type<sc_vector_subcore>, window_params = [{transform_indices = #map}, {transform_indices = #map}, {transform_indices = #map}, {transform_indices = #map}, {transform_indices = #map}, {transform_indices = #map}]} {
    %mul3A = arith.constant 2 : i32
    %mul3A_0 = arith.muli %arg1, %mul3A : i32
    %add3A = arith.addi %mul3A_0, %arg0 : i32
    %mul3A_1 = arith.constant 1568 : i32
    %mul3A_2 = arith.muli %add3A, %mul3A_1 : i32
    %add3A_3 = arith.constant 0 : i32
    %add3A_4 = arith.addi %add3A_3, %mul3A_2 : i32
    %dma_start3A = arith.constant 0 : i32
    %dma_start3A_5 = tpu.memref_slice %arg8[%dma_start3A] : memref<50176xf32, #tpu.memory_space<vmem>> -> memref<1568xf32, #tpu.memory_space<vmem>>
    %dma_start3A_6 = tpu.memref_slice %arg2[%add3A_4] : memref<1605632xf32, #tpu.memory_space<hbm>> -> memref<1568xf32, #tpu.memory_space<hbm>>
    %dma_start3A_7 = arith.constant 0 : i32
    %dma_start3A_8 = tpu.memref_slice %arg8[%dma_start3A_7] : memref<50176xf32, #tpu.memory_space<vmem>> -> memref<1568xf32, #tpu.memory_space<vmem>>
    %dma_start3A_9 = tpu.memref_slice %arg2[%add3A_4] : memref<1605632xf32, #tpu.memory_space<hbm>> -> memref<1568xf32, #tpu.memory_space<hbm>>
    tpu.enqueue_dma source(%dma_start3A_9 : memref<1568xf32, #tpu.memory_space<hbm>>) target(%dma_start3A_8 : memref<1568xf32, #tpu.memory_space<vmem>>) target_semaphore(%arg14 : memref<!tpu.dma_semaphore, #tpu.memory_space<semaphore_mem>>)
    %add3A_10 = arith.constant 50176 : i32
    %add3A_11 = arith.addi %add3A_10, %mul3A_2 : i32
    %dma_start3A_12 = arith.constant 1568 : i32
    %dma_start3A_13 = tpu.memref_slice %arg8[%dma_start3A_12] : memref<50176xf32, #tpu.memory_space<vmem>> -> memref<1568xf32, #tpu.memory_space<vmem>>
    %dma_start3A_14 = tpu.memref_slice %arg2[%add3A_11] : memref<1605632xf32, #tpu.memory_space<hbm>> -> memref<1568xf32, #tpu.memory_space<hbm>>
    %dma_start3A_15 = arith.constant 1568 : i32
    %dma_start3A_16 = tpu.memref_slice %arg8[%dma_start3A_15] : memref<50176xf32, #tpu.memory_space<vmem>> -> memref<1568xf32, #tpu.memory_space<vmem>>
    %dma_start3A_17 = tpu.memref_slice %arg2[%add3A_11] : memref<1605632xf32, #tpu.memory_space<hbm>> -> memref<1568xf32, #tpu.memory_space<hbm>>
    tpu.enqueue_dma source(%dma_start3A_17 : memref<1568xf32, #tpu.memory_space<hbm>>) target(%dma_start3A_16 : memref<1568xf32, #tpu.memory_space<vmem>>) target_semaphore(%arg14 : memref<!tpu.dma_semaphore, #tpu.memory_space<semaphore_mem>>)
    %add3A_18 = arith.constant 100352 : i32
    %add3A_19 = arith.addi %add3A_18, %mul3A_2 : i32
    %dma_start3A_20 = arith.constant 3136 : i32
    %dma_start3A_21 = tpu.memref_slice %arg8[%dma_start3A_20] : memref<50176xf32, #tpu.memory_space<vmem>> -> memref<1568xf32, #tpu.memory_space<vmem>>
    %dma_start3A_22 = tpu.memref_slice %arg2[%add3A_19] : memref<1605632xf32, #tpu.memory_space<hbm>> -> memref<1568xf32, #tpu.memory_space<hbm>>
    %dma_start3A_23 = arith.constant 3136 : i32
    %dma_start3A_24 = tpu.memref_slice %arg8[%dma_start3A_23] : memref<50176xf32, #tpu.memory_space<vmem>> -> memref<1568xf32, #tpu.memory_space<vmem>>
    %dma_start3A_25 = tpu.memref_slice %arg2[%add3A_19] : memref<1605632xf32, #tpu.memory_space<hbm>> -> memref<1568xf32, #tpu.memory_space<hbm>>
    tpu.enqueue_dma source(%dma_start3A_25 : memref<1568xf32, #tpu.memory_space<hbm>>) target(%dma_start3A_24 : memref<1568xf32, #tpu.memory_space<vmem>>) target_semaphore(%arg14 : memref<!tpu.dma_semaphore, #tpu.memory_space<semaphore_mem>>)
    %add3A_26 = arith.constant 150528 : i32
    %add3A_27 = arith.addi %add3A_26, %mul3A_2 : i32
    %dma_start3A_28 = arith.constant 4704 : i32
    %dma_start3A_29 = tpu.memref_slice %arg8[%dma_start3A_28] : memref<50176xf32, #tpu.memory_space<vmem>> -> memref<1568xf32, #tpu.memory_space<vmem>>
    %dma_start3A_30 = tpu.memref_slice %arg2[%add3A_27] : memref<1605632xf32, #tpu.memory_space<hbm>> -> memref<1568xf32, #tpu.memory_space<hbm>>
    %dma_start3A_31 = arith.constant 4704 : i32
    %dma_start3A_32 = tpu.memref_slice %arg8[%dma_start3A_31] : memref<50176xf32, #tpu.memory_space<vmem>> -> memref<1568xf32, #tpu.memory_space<vmem>>
    %dma_start3A_33 = tpu.memref_slice %arg2[%add3A_27] : memref<1605632xf32, #tpu.memory_space<hbm>> -> memref<1568xf32, #tpu.memory_space<hbm>>
    tpu.enqueue_dma source(%dma_start3A_33 : memref<1568xf32, #tpu.memory_space<hbm>>) target(%dma_start3A_32 : memref<1568xf32, #tpu.memory_space<vmem>>) target_semaphore(%arg14 : memref<!tpu.dma_semaphore, #tpu.memory_space<semaphore_mem>>)
    %add3A_34 = arith.constant 200704 : i32
    %add3A_35 = arith.addi %add3A_34, %mul3A_2 : i32
    %dma_start3A_36 = arith.constant 6272 : i32
    %dma_start3A_37 = tpu.memref_slice %arg8[%dma_start3A_36] : memref<50176xf32, #tpu.memory_space<vmem>> -> memref<1568xf32, #tpu.memory_space<vmem>>
    %dma_start3A_38 = tpu.memref_slice %arg2[%add3A_35] : memref<1605632xf32, #tpu.memory_space<hbm>> -> memref<1568xf32, #tpu.memory_space<hbm>>
    %dma_start3A_39 = arith.constant 6272 : i32
    %dma_start3A_40 = tpu.memref_slice %arg8[%dma_start3A_39] : memref<50176xf32, #tpu.memory_space<vmem>> -> memref<1568xf32, #tpu.memory_space<vmem>>
    %dma_start3A_41 = tpu.memref_slice %arg2[%add3A_35] : memref<1605632xf32, #tpu.memory_space<hbm>> -> memref<1568xf32, #tpu.memory_space<hbm>>
    tpu.enqueue_dma source(%dma_start3A_41 : memref<1568xf32, #tpu.memory_space<hbm>>) target(%dma_start3A_40 : memref<1568xf32, #tpu.memory_space<vmem>>) target_semaphore(%arg14 : memref<!tpu.dma_semaphore, #tpu.memory_space<semaphore_mem>>)
    %add3A_42 = arith.constant 250880 : i32
    %add3A_43 = arith.addi %add3A_42, %mul3A_2 : i32
    %dma_start3A_44 = arith.constant 7840 : i32
    %dma_start3A_45 = tpu.memref_slice %arg8[%dma_start3A_44] : memref<50176xf32, #tpu.memory_space<vmem>> -> memref<1568xf32, #tpu.memory_space<vmem>>
    %dma_start3A_46 = tpu.memref_slice %arg2[%add3A_43] : memref<1605632xf32, #tpu.memory_space<hbm>> -> memref<1568xf32, #tpu.memory_space<hbm>>
    %dma_start3A_47 = arith.constant 7840 : i32
    %dma_start3A_48 = tpu.memref_slice %arg8[%dma_start3A_47] : memref<50176xf32, #tpu.memory_space<vmem>> -> memref<1568xf32, #tpu.memory_space<vmem>>
    %dma_start3A_49 = tpu.memref_slice %arg2[%add3A_43] : memref<1605632xf32, #tpu.memory_space<hbm>> -> memref<1568xf32, #tpu.memory_space<hbm>>
    tpu.enqueue_dma source(%dma_start3A_49 : memref<1568xf32, #tpu.memory_space<hbm>>) target(%dma_start3A_48 : memref<1568xf32, #tpu.memory_space<vmem>>) target_semaphore(%arg14 : memref<!tpu.dma_semaphore, #tpu.memory_space<semaphore_mem>>)
    %add3A_50 = arith.constant 301056 : i32
    %add3A_51 = arith.addi %add3A_50, %mul3A_2 : i32
    %dma_start3A_52 = arith.constant 9408 : i32
    %dma_start3A_53 = tpu.memref_slice %arg8[%dma_start3A_52] : memref<50176xf32, #tpu.memory_space<vmem>> -> memref<1568xf32, #tpu.memory_space<vmem>>
    %dma_start3A_54 = tpu.memref_slice %arg2[%add3A_51] : memref<1605632xf32, #tpu.memory_space<hbm>> -> memref<1568xf32, #tpu.memory_space<hbm>>
    %dma_start3A_55 = arith.constant 9408 : i32
    %dma_start3A_56 = tpu.memref_slice %arg8[%dma_start3A_55] : memref<50176xf32, #tpu.memory_space<vmem>> -> memref<1568xf32, #tpu.memory_space<vmem>>
    %dma_start3A_57 = tpu.memref_slice %arg2[%add3A_51] : memref<1605632xf32, #tpu.memory_space<hbm>> -> memref<1568xf32, #tpu.memory_space<hbm>>
    tpu.enqueue_dma source(%dma_start3A_57 : memref<1568xf32, #tpu.memory_space<hbm>>) target(%dma_start3A_56 : memref<1568xf32, #tpu.memory_space<vmem>>) target_semaphore(%arg14 : memref<!tpu.dma_semaphore, #tpu.memory_space<semaphore_mem>>)
    %add3A_58 = arith.constant 351232 : i32
    %add3A_59 = arith.addi %add3A_58, %mul3A_2 : i32
    %dma_start3A_60 = arith.constant 10976 : i32
    %dma_start3A_61 = tpu.memref_slice %arg8[%dma_start3A_60] : memref<50176xf32, #tpu.memory_space<vmem>> -> memref<1568xf32, #tpu.memory_space<vmem>>
    %dma_start3A_62 = tpu.memref_slice %arg2[%add3A_59] : memref<1605632xf32, #tpu.memory_space<hbm>> -> memref<1568xf32, #tpu.memory_space<hbm>>
    %dma_start3A_63 = arith.constant 10976 : i32
    %dma_start3A_64 = tpu.memref_slice %arg8[%dma_start3A_63] : memref<50176xf32, #tpu.memory_space<vmem>> -> memref<1568xf32, #tpu.memory_space<vmem>>
    %dma_start3A_65 = tpu.memref_slice %arg2[%add3A_59] : memref<1605632xf32, #tpu.memory_space<hbm>> -> memref<1568xf32, #tpu.memory_space<hbm>>
    tpu.enqueue_dma source(%dma_start3A_65 : memref<1568xf32, #tpu.memory_space<hbm>>) target(%dma_start3A_64 : memref<1568xf32, #tpu.memory_space<vmem>>) target_semaphore(%arg14 : memref<!tpu.dma_semaphore, #tpu.memory_space<semaphore_mem>>)
    %add3A_66 = arith.constant 401408 : i32
    %add3A_67 = arith.addi %add3A_66, %mul3A_2 : i32
    %dma_start3A_68 = arith.constant 12544 : i32
    %dma_start3A_69 = tpu.memref_slice %arg8[%dma_start3A_68] : memref<50176xf32, #tpu.memory_space<vmem>> -> memref<1568xf32, #tpu.memory_space<vmem>>
    %dma_start3A_70 = tpu.memref_slice %arg2[%add3A_67] : memref<1605632xf32, #tpu.memory_space<hbm>> -> memref<1568xf32, #tpu.memory_space<hbm>>
    %dma_start3A_71 = arith.constant 12544 : i32
    %dma_start3A_72 = tpu.memref_slice %arg8[%dma_start3A_71] : memref<50176xf32, #tpu.memory_space<vmem>> -> memref<1568xf32, #tpu.memory_space<vmem>>
    %dma_start3A_73 = tpu.memref_slice %arg2[%add3A_67] : memref<1605632xf32, #tpu.memory_space<hbm>> -> memref<1568xf32, #tpu.memory_space<hbm>>
    tpu.enqueue_dma source(%dma_start3A_73 : memref<1568xf32, #tpu.memory_space<hbm>>) target(%dma_start3A_72 : memref<1568xf32, #tpu.memory_space<vmem>>) target_semaphore(%arg14 : memref<!tpu.dma_semaphore, #tpu.memory_space<semaphore_mem>>)
    %add3A_74 = arith.constant 451584 : i32
    %add3A_75 = arith.addi %add3A_74, %mul3A_2 : i32
    %dma_start3A_76 = arith.constant 14112 : i32
    %dma_start3A_77 = tpu.memref_slice %arg8[%dma_start3A_76] : memref<50176xf32, #tpu.memory_space<vmem>> -> memref<1568xf32, #tpu.memory_space<vmem>>
    %dma_start3A_78 = tpu.memref_slice %arg2[%add3A_75] : memref<1605632xf32, #tpu.memory_space<hbm>> -> memref<1568xf32, #tpu.memory_space<hbm>>
    %dma_start3A_79 = arith.constant 14112 : i32
    %dma_start3A_80 = tpu.memref_slice %arg8[%dma_start3A_79] : memref<50176xf32, #tpu.memory_space<vmem>> -> memref<1568xf32, #tpu.memory_space<vmem>>
    %dma_start3A_81 = tpu.memref_slice %arg2[%add3A_75] : memref<1605632xf32, #tpu.memory_space<hbm>> -> memref<1568xf32, #tpu.memory_space<hbm>>
    tpu.enqueue_dma source(%dma_start3A_81 : memref<1568xf32, #tpu.memory_space<hbm>>) target(%dma_start3A_80 : memref<1568xf32, #tpu.memory_space<vmem>>) target_semaphore(%arg14 : memref<!tpu.dma_semaphore, #tpu.memory_space<semaphore_mem>>)
    %add3A_82 = arith.constant 501760 : i32
    %add3A_83 = arith.addi %add3A_82, %mul3A_2 : i32
    %dma_start3A_84 = arith.constant 15680 : i32
    %dma_start3A_85 = tpu.memref_slice %arg8[%dma_start3A_84] : memref<50176xf32, #tpu.memory_space<vmem>> -> memref<1568xf32, #tpu.memory_space<vmem>>
    %dma_start3A_86 = tpu.memref_slice %arg2[%add3A_83] : memref<1605632xf32, #tpu.memory_space<hbm>> -> memref<1568xf32, #tpu.memory_space<hbm>>
    %dma_start3A_87 = arith.constant 15680 : i32
    %dma_start3A_88 = tpu.memref_slice %arg8[%dma_start3A_87] : memref<50176xf32, #tpu.memory_space<vmem>> -> memref<1568xf32, #tpu.memory_space<vmem>>
    %dma_start3A_89 = tpu.memref_slice %arg2[%add3A_83] : memref<1605632xf32, #tpu.memory_space<hbm>> -> memref<1568xf32, #tpu.memory_space<hbm>>
    tpu.enqueue_dma source(%dma_start3A_89 : memref<1568xf32, #tpu.memory_space<hbm>>) target(%dma_start3A_88 : memref<1568xf32, #tpu.memory_space<vmem>>) target_semaphore(%arg14 : memref<!tpu.dma_semaphore, #tpu.memory_space<semaphore_mem>>)
    %add3A_90 = arith.constant 551936 : i32
    %add3A_91 = arith.addi %add3A_90, %mul3A_2 : i32
    %dma_start3A_92 = arith.constant 17248 : i32
    %dma_start3A_93 = tpu.memref_slice %arg8[%dma_start3A_92] : memref<50176xf32, #tpu.memory_space<vmem>> -> memref<1568xf32, #tpu.memory_space<vmem>>
    %dma_start3A_94 = tpu.memref_slice %arg2[%add3A_91] : memref<1605632xf32, #tpu.memory_space<hbm>> -> memref<1568xf32, #tpu.memory_space<hbm>>
    %dma_start3A_95 = arith.constant 17248 : i32
    %dma_start3A_96 = tpu.memref_slice %arg8[%dma_start3A_95] : memref<50176xf32, #tpu.memory_space<vmem>> -> memref<1568xf32, #tpu.memory_space<vmem>>
    %dma_start3A_97 = tpu.memref_slice %arg2[%add3A_91] : memref<1605632xf32, #tpu.memory_space<hbm>> -> memref<1568xf32, #tpu.memory_space<hbm>>
    tpu.enqueue_dma source(%dma_start3A_97 : memref<1568xf32, #tpu.memory_space<hbm>>) target(%dma_start3A_96 : memref<1568xf32, #tpu.memory_space<vmem>>) target_semaphore(%arg14 : memref<!tpu.dma_semaphore, #tpu.memory_space<semaphore_mem>>)
    %add3A_98 = arith.constant 602112 : i32
    %add3A_99 = arith.addi %add3A_98, %mul3A_2 : i32
    %dma_start3A_100 = arith.constant 18816 : i32
    %dma_start3A_101 = tpu.memref_slice %arg8[%dma_start3A_100] : memref<50176xf32, #tpu.memory_space<vmem>> -> memref<1568xf32, #tpu.memory_space<vmem>>
    %dma_start3A_102 = tpu.memref_slice %arg2[%add3A_99] : memref<1605632xf32, #tpu.memory_space<hbm>> -> memref<1568xf32, #tpu.memory_space<hbm>>
    %dma_start3A_103 = arith.constant 18816 : i32
    %dma_start3A_104 = tpu.memref_slice %arg8[%dma_start3A_103] : memref<50176xf32, #tpu.memory_space<vmem>> -> memref<1568xf32, #tpu.memory_space<vmem>>
    %dma_start3A_105 = tpu.memref_slice %arg2[%add3A_99] : memref<1605632xf32, #tpu.memory_space<hbm>> -> memref<1568xf32, #tpu.memory_space<hbm>>
    tpu.enqueue_dma source(%dma_start3A_105 : memref<1568xf32, #tpu.memory_space<hbm>>) target(%dma_start3A_104 : memref<1568xf32, #tpu.memory_space<vmem>>) target_semaphore(%arg14 : memref<!tpu.dma_semaphore, #tpu.memory_space<semaphore_mem>>)
    %add3A_106 = arith.constant 652288 : i32
    %add3A_107 = arith.addi %add3A_106, %mul3A_2 : i32
    %dma_start3A_108 = arith.constant 20384 : i32
    %dma_start3A_109 = tpu.memref_slice %arg8[%dma_start3A_108] : memref<50176xf32, #tpu.memory_space<vmem>> -> memref<1568xf32, #tpu.memory_space<vmem>>
    %dma_start3A_110 = tpu.memref_slice %arg2[%add3A_107] : memref<1605632xf32, #tpu.memory_space<hbm>> -> memref<1568xf32, #tpu.memory_space<hbm>>
    %dma_start3A_111 = arith.constant 20384 : i32
    %dma_start3A_112 = tpu.memref_slice %arg8[%dma_start3A_111] : memref<50176xf32, #tpu.memory_space<vmem>> -> memref<1568xf32, #tpu.memory_space<vmem>>
    %dma_start3A_113 = tpu.memref_slice %arg2[%add3A_107] : memref<1605632xf32, #tpu.memory_space<hbm>> -> memref<1568xf32, #tpu.memory_space<hbm>>
    tpu.enqueue_dma source(%dma_start3A_113 : memref<1568xf32, #tpu.memory_space<hbm>>) target(%dma_start3A_112 : memref<1568xf32, #tpu.memory_space<vmem>>) target_semaphore(%arg14 : memref<!tpu.dma_semaphore, #tpu.memory_space<semaphore_mem>>)
    %add3A_114 = arith.constant 702464 : i32
    %add3A_115 = arith.addi %add3A_114, %mul3A_2 : i32
    %dma_start3A_116 = arith.constant 21952 : i32
    %dma_start3A_117 = tpu.memref_slice %arg8[%dma_start3A_116] : memref<50176xf32, #tpu.memory_space<vmem>> -> memref<1568xf32, #tpu.memory_space<vmem>>
    %dma_start3A_118 = tpu.memref_slice %arg2[%add3A_115] : memref<1605632xf32, #tpu.memory_space<hbm>> -> memref<1568xf32, #tpu.memory_space<hbm>>
    %dma_start3A_119 = arith.constant 21952 : i32
    %dma_start3A_120 = tpu.memref_slice %arg8[%dma_start3A_119] : memref<50176xf32, #tpu.memory_space<vmem>> -> memref<1568xf32, #tpu.memory_space<vmem>>
    %dma_start3A_121 = tpu.memref_slice %arg2[%add3A_115] : memref<1605632xf32, #tpu.memory_space<hbm>> -> memref<1568xf32, #tpu.memory_space<hbm>>
    tpu.enqueue_dma source(%dma_start3A_121 : memref<1568xf32, #tpu.memory_space<hbm>>) target(%dma_start3A_120 : memref<1568xf32, #tpu.memory_space<vmem>>) target_semaphore(%arg14 : memref<!tpu.dma_semaphore, #tpu.memory_space<semaphore_mem>>)
    %add3A_122 = arith.constant 752640 : i32
    %add3A_123 = arith.addi %add3A_122, %mul3A_2 : i32
    %dma_start3A_124 = arith.constant 23520 : i32
    %dma_start3A_125 = tpu.memref_slice %arg8[%dma_start3A_124] : memref<50176xf32, #tpu.memory_space<vmem>> -> memref<1568xf32, #tpu.memory_space<vmem>>
    %dma_start3A_126 = tpu.memref_slice %arg2[%add3A_123] : memref<1605632xf32, #tpu.memory_space<hbm>> -> memref<1568xf32, #tpu.memory_space<hbm>>
    %dma_start3A_127 = arith.constant 23520 : i32
    %dma_start3A_128 = tpu.memref_slice %arg8[%dma_start3A_127] : memref<50176xf32, #tpu.memory_space<vmem>> -> memref<1568xf32, #tpu.memory_space<vmem>>
    %dma_start3A_129 = tpu.memref_slice %arg2[%add3A_123] : memref<1605632xf32, #tpu.memory_space<hbm>> -> memref<1568xf32, #tpu.memory_space<hbm>>
    tpu.enqueue_dma source(%dma_start3A_129 : memref<1568xf32, #tpu.memory_space<hbm>>) target(%dma_start3A_128 : memref<1568xf32, #tpu.memory_space<vmem>>) target_semaphore(%arg14 : memref<!tpu.dma_semaphore, #tpu.memory_space<semaphore_mem>>)
    %add3A_130 = arith.constant 802816 : i32
    %add3A_131 = arith.addi %add3A_130, %mul3A_2 : i32
    %dma_start3A_132 = arith.constant 25088 : i32
    %dma_start3A_133 = tpu.memref_slice %arg8[%dma_start3A_132] : memref<50176xf32, #tpu.memory_space<vmem>> -> memref<1568xf32, #tpu.memory_space<vmem>>
    %dma_start3A_134 = tpu.memref_slice %arg2[%add3A_131] : memref<1605632xf32, #tpu.memory_space<hbm>> -> memref<1568xf32, #tpu.memory_space<hbm>>
    %dma_start3A_135 = arith.constant 25088 : i32
    %dma_start3A_136 = tpu.memref_slice %arg8[%dma_start3A_135] : memref<50176xf32, #tpu.memory_space<vmem>> -> memref<1568xf32, #tpu.memory_space<vmem>>
    %dma_start3A_137 = tpu.memref_slice %arg2[%add3A_131] : memref<1605632xf32, #tpu.memory_space<hbm>> -> memref<1568xf32, #tpu.memory_space<hbm>>
    tpu.enqueue_dma source(%dma_start3A_137 : memref<1568xf32, #tpu.memory_space<hbm>>) target(%dma_start3A_136 : memref<1568xf32, #tpu.memory_space<vmem>>) target_semaphore(%arg14 : memref<!tpu.dma_semaphore, #tpu.memory_space<semaphore_mem>>)
    %add3A_138 = arith.constant 852992 : i32
    %add3A_139 = arith.addi %add3A_138, %mul3A_2 : i32
    %dma_start3A_140 = arith.constant 26656 : i32
    %dma_start3A_141 = tpu.memref_slice %arg8[%dma_start3A_140] : memref<50176xf32, #tpu.memory_space<vmem>> -> memref<1568xf32, #tpu.memory_space<vmem>>
    %dma_start3A_142 = tpu.memref_slice %arg2[%add3A_139] : memref<1605632xf32, #tpu.memory_space<hbm>> -> memref<1568xf32, #tpu.memory_space<hbm>>
    %dma_start3A_143 = arith.constant 26656 : i32
    %dma_start3A_144 = tpu.memref_slice %arg8[%dma_start3A_143] : memref<50176xf32, #tpu.memory_space<vmem>> -> memref<1568xf32, #tpu.memory_space<vmem>>
    %dma_start3A_145 = tpu.memref_slice %arg2[%add3A_139] : memref<1605632xf32, #tpu.memory_space<hbm>> -> memref<1568xf32, #tpu.memory_space<hbm>>
    tpu.enqueue_dma source(%dma_start3A_145 : memref<1568xf32, #tpu.memory_space<hbm>>) target(%dma_start3A_144 : memref<1568xf32, #tpu.memory_space<vmem>>) target_semaphore(%arg14 : memref<!tpu.dma_semaphore, #tpu.memory_space<semaphore_mem>>)
    %add3A_146 = arith.constant 903168 : i32
    %add3A_147 = arith.addi %add3A_146, %mul3A_2 : i32
    %dma_start3A_148 = arith.constant 28224 : i32
    %dma_start3A_149 = tpu.memref_slice %arg8[%dma_start3A_148] : memref<50176xf32, #tpu.memory_space<vmem>> -> memref<1568xf32, #tpu.memory_space<vmem>>
    %dma_start3A_150 = tpu.memref_slice %arg2[%add3A_147] : memref<1605632xf32, #tpu.memory_space<hbm>> -> memref<1568xf32, #tpu.memory_space<hbm>>
    %dma_start3A_151 = arith.constant 28224 : i32
    %dma_start3A_152 = tpu.memref_slice %arg8[%dma_start3A_151] : memref<50176xf32, #tpu.memory_space<vmem>> -> memref<1568xf32, #tpu.memory_space<vmem>>
    %dma_start3A_153 = tpu.memref_slice %arg2[%add3A_147] : memref<1605632xf32, #tpu.memory_space<hbm>> -> memref<1568xf32, #tpu.memory_space<hbm>>
    tpu.enqueue_dma source(%dma_start3A_153 : memref<1568xf32, #tpu.memory_space<hbm>>) target(%dma_start3A_152 : memref<1568xf32, #tpu.memory_space<vmem>>) target_semaphore(%arg14 : memref<!tpu.dma_semaphore, #tpu.memory_space<semaphore_mem>>)
    %add3A_154 = arith.constant 953344 : i32
    %add3A_155 = arith.addi %add3A_154, %mul3A_2 : i32
    %dma_start3A_156 = arith.constant 29792 : i32
    %dma_start3A_157 = tpu.memref_slice %arg8[%dma_start3A_156] : memref<50176xf32, #tpu.memory_space<vmem>> -> memref<1568xf32, #tpu.memory_space<vmem>>
    %dma_start3A_158 = tpu.memref_slice %arg2[%add3A_155] : memref<1605632xf32, #tpu.memory_space<hbm>> -> memref<1568xf32, #tpu.memory_space<hbm>>
    %dma_start3A_159 = arith.constant 29792 : i32
    %dma_start3A_160 = tpu.memref_slice %arg8[%dma_start3A_159] : memref<50176xf32, #tpu.memory_space<vmem>> -> memref<1568xf32, #tpu.memory_space<vmem>>
    %dma_start3A_161 = tpu.memref_slice %arg2[%add3A_155] : memref<1605632xf32, #tpu.memory_space<hbm>> -> memref<1568xf32, #tpu.memory_space<hbm>>
    tpu.enqueue_dma source(%dma_start3A_161 : memref<1568xf32, #tpu.memory_space<hbm>>) target(%dma_start3A_160 : memref<1568xf32, #tpu.memory_space<vmem>>) target_semaphore(%arg14 : memref<!tpu.dma_semaphore, #tpu.memory_space<semaphore_mem>>)
    %add3A_162 = arith.constant 1003520 : i32
    %add3A_163 = arith.addi %add3A_162, %mul3A_2 : i32
    %dma_start3A_164 = arith.constant 31360 : i32
    %dma_start3A_165 = tpu.memref_slice %arg8[%dma_start3A_164] : memref<50176xf32, #tpu.memory_space<vmem>> -> memref<1568xf32, #tpu.memory_space<vmem>>
    %dma_start3A_166 = tpu.memref_slice %arg2[%add3A_163] : memref<1605632xf32, #tpu.memory_space<hbm>> -> memref<1568xf32, #tpu.memory_space<hbm>>
    %dma_start3A_167 = arith.constant 31360 : i32
    %dma_start3A_168 = tpu.memref_slice %arg8[%dma_start3A_167] : memref<50176xf32, #tpu.memory_space<vmem>> -> memref<1568xf32, #tpu.memory_space<vmem>>
    %dma_start3A_169 = tpu.memref_slice %arg2[%add3A_163] : memref<1605632xf32, #tpu.memory_space<hbm>> -> memref<1568xf32, #tpu.memory_space<hbm>>
    tpu.enqueue_dma source(%dma_start3A_169 : memref<1568xf32, #tpu.memory_space<hbm>>) target(%dma_start3A_168 : memref<1568xf32, #tpu.memory_space<vmem>>) target_semaphore(%arg14 : memref<!tpu.dma_semaphore, #tpu.memory_space<semaphore_mem>>)
    %add3A_170 = arith.constant 1053696 : i32
    %add3A_171 = arith.addi %add3A_170, %mul3A_2 : i32
    %dma_start3A_172 = arith.constant 32928 : i32
    %dma_start3A_173 = tpu.memref_slice %arg8[%dma_start3A_172] : memref<50176xf32, #tpu.memory_space<vmem>> -> memref<1568xf32, #tpu.memory_space<vmem>>
    %dma_start3A_174 = tpu.memref_slice %arg2[%add3A_171] : memref<1605632xf32, #tpu.memory_space<hbm>> -> memref<1568xf32, #tpu.memory_space<hbm>>
    %dma_start3A_175 = arith.constant 32928 : i32
    %dma_start3A_176 = tpu.memref_slice %arg8[%dma_start3A_175] : memref<50176xf32, #tpu.memory_space<vmem>> -> memref<1568xf32, #tpu.memory_space<vmem>>
    %dma_start3A_177 = tpu.memref_slice %arg2[%add3A_171] : memref<1605632xf32, #tpu.memory_space<hbm>> -> memref<1568xf32, #tpu.memory_space<hbm>>
    tpu.enqueue_dma source(%dma_start3A_177 : memref<1568xf32, #tpu.memory_space<hbm>>) target(%dma_start3A_176 : memref<1568xf32, #tpu.memory_space<vmem>>) target_semaphore(%arg14 : memref<!tpu.dma_semaphore, #tpu.memory_space<semaphore_mem>>)
    %add3A_178 = arith.constant 1103872 : i32
    %add3A_179 = arith.addi %add3A_178, %mul3A_2 : i32
    %dma_start3A_180 = arith.constant 34496 : i32
    %dma_start3A_181 = tpu.memref_slice %arg8[%dma_start3A_180] : memref<50176xf32, #tpu.memory_space<vmem>> -> memref<1568xf32, #tpu.memory_space<vmem>>
    %dma_start3A_182 = tpu.memref_slice %arg2[%add3A_179] : memref<1605632xf32, #tpu.memory_space<hbm>> -> memref<1568xf32, #tpu.memory_space<hbm>>
    %dma_start3A_183 = arith.constant 34496 : i32
    %dma_start3A_184 = tpu.memref_slice %arg8[%dma_start3A_183] : memref<50176xf32, #tpu.memory_space<vmem>> -> memref<1568xf32, #tpu.memory_space<vmem>>
    %dma_start3A_185 = tpu.memref_slice %arg2[%add3A_179] : memref<1605632xf32, #tpu.memory_space<hbm>> -> memref<1568xf32, #tpu.memory_space<hbm>>
    tpu.enqueue_dma source(%dma_start3A_185 : memref<1568xf32, #tpu.memory_space<hbm>>) target(%dma_start3A_184 : memref<1568xf32, #tpu.memory_space<vmem>>) target_semaphore(%arg14 : memref<!tpu.dma_semaphore, #tpu.memory_space<semaphore_mem>>)
    %add3A_186 = arith.constant 1154048 : i32
    %add3A_187 = arith.addi %add3A_186, %mul3A_2 : i32
    %dma_start3A_188 = arith.constant 36064 : i32
    %dma_start3A_189 = tpu.memref_slice %arg8[%dma_start3A_188] : memref<50176xf32, #tpu.memory_space<vmem>> -> memref<1568xf32, #tpu.memory_space<vmem>>
    %dma_start3A_190 = tpu.memref_slice %arg2[%add3A_187] : memref<1605632xf32, #tpu.memory_space<hbm>> -> memref<1568xf32, #tpu.memory_space<hbm>>
    %dma_start3A_191 = arith.constant 36064 : i32
    %dma_start3A_192 = tpu.memref_slice %arg8[%dma_start3A_191] : memref<50176xf32, #tpu.memory_space<vmem>> -> memref<1568xf32, #tpu.memory_space<vmem>>
    %dma_start3A_193 = tpu.memref_slice %arg2[%add3A_187] : memref<1605632xf32, #tpu.memory_space<hbm>> -> memref<1568xf32, #tpu.memory_space<hbm>>
    tpu.enqueue_dma source(%dma_start3A_193 : memref<1568xf32, #tpu.memory_space<hbm>>) target(%dma_start3A_192 : memref<1568xf32, #tpu.memory_space<vmem>>) target_semaphore(%arg14 : memref<!tpu.dma_semaphore, #tpu.memory_space<semaphore_mem>>)
    %add3A_194 = arith.constant 1204224 : i32
    %add3A_195 = arith.addi %add3A_194, %mul3A_2 : i32
    %dma_start3A_196 = arith.constant 37632 : i32
    %dma_start3A_197 = tpu.memref_slice %arg8[%dma_start3A_196] : memref<50176xf32, #tpu.memory_space<vmem>> -> memref<1568xf32, #tpu.memory_space<vmem>>
    %dma_start3A_198 = tpu.memref_slice %arg2[%add3A_195] : memref<1605632xf32, #tpu.memory_space<hbm>> -> memref<1568xf32, #tpu.memory_space<hbm>>
    %dma_start3A_199 = arith.constant 37632 : i32
    %dma_start3A_200 = tpu.memref_slice %arg8[%dma_start3A_199] : memref<50176xf32, #tpu.memory_space<vmem>> -> memref<1568xf32, #tpu.memory_space<vmem>>
    %dma_start3A_201 = tpu.memref_slice %arg2[%add3A_195] : memref<1605632xf32, #tpu.memory_space<hbm>> -> memref<1568xf32, #tpu.memory_space<hbm>>
    tpu.enqueue_dma source(%dma_start3A_201 : memref<1568xf32, #tpu.memory_space<hbm>>) target(%dma_start3A_200 : memref<1568xf32, #tpu.memory_space<vmem>>) target_semaphore(%arg14 : memref<!tpu.dma_semaphore, #tpu.memory_space<semaphore_mem>>)
    %add3A_202 = arith.constant 1254400 : i32
    %add3A_203 = arith.addi %add3A_202, %mul3A_2 : i32
    %dma_start3A_204 = arith.constant 39200 : i32
    %dma_start3A_205 = tpu.memref_slice %arg8[%dma_start3A_204] : memref<50176xf32, #tpu.memory_space<vmem>> -> memref<1568xf32, #tpu.memory_space<vmem>>
    %dma_start3A_206 = tpu.memref_slice %arg2[%add3A_203] : memref<1605632xf32, #tpu.memory_space<hbm>> -> memref<1568xf32, #tpu.memory_space<hbm>>
    %dma_start3A_207 = arith.constant 39200 : i32
    %dma_start3A_208 = tpu.memref_slice %arg8[%dma_start3A_207] : memref<50176xf32, #tpu.memory_space<vmem>> -> memref<1568xf32, #tpu.memory_space<vmem>>
    %dma_start3A_209 = tpu.memref_slice %arg2[%add3A_203] : memref<1605632xf32, #tpu.memory_space<hbm>> -> memref<1568xf32, #tpu.memory_space<hbm>>
    tpu.enqueue_dma source(%dma_start3A_209 : memref<1568xf32, #tpu.memory_space<hbm>>) target(%dma_start3A_208 : memref<1568xf32, #tpu.memory_space<vmem>>) target_semaphore(%arg14 : memref<!tpu.dma_semaphore, #tpu.memory_space<semaphore_mem>>)
    %add3A_210 = arith.constant 1304576 : i32
    %add3A_211 = arith.addi %add3A_210, %mul3A_2 : i32
    %dma_start3A_212 = arith.constant 40768 : i32
    %dma_start3A_213 = tpu.memref_slice %arg8[%dma_start3A_212] : memref<50176xf32, #tpu.memory_space<vmem>> -> memref<1568xf32, #tpu.memory_space<vmem>>
    %dma_start3A_214 = tpu.memref_slice %arg2[%add3A_211] : memref<1605632xf32, #tpu.memory_space<hbm>> -> memref<1568xf32, #tpu.memory_space<hbm>>
    %dma_start3A_215 = arith.constant 40768 : i32
    %dma_start3A_216 = tpu.memref_slice %arg8[%dma_start3A_215] : memref<50176xf32, #tpu.memory_space<vmem>> -> memref<1568xf32, #tpu.memory_space<vmem>>
    %dma_start3A_217 = tpu.memref_slice %arg2[%add3A_211] : memref<1605632xf32, #tpu.memory_space<hbm>> -> memref<1568xf32, #tpu.memory_space<hbm>>
    tpu.enqueue_dma source(%dma_start3A_217 : memref<1568xf32, #tpu.memory_space<hbm>>) target(%dma_start3A_216 : memref<1568xf32, #tpu.memory_space<vmem>>) target_semaphore(%arg14 : memref<!tpu.dma_semaphore, #tpu.memory_space<semaphore_mem>>)
    %add3A_218 = arith.constant 1354752 : i32
    %add3A_219 = arith.addi %add3A_218, %mul3A_2 : i32
    %dma_start3A_220 = arith.constant 42336 : i32
    %dma_start3A_221 = tpu.memref_slice %arg8[%dma_start3A_220] : memref<50176xf32, #tpu.memory_space<vmem>> -> memref<1568xf32, #tpu.memory_space<vmem>>
    %dma_start3A_222 = tpu.memref_slice %arg2[%add3A_219] : memref<1605632xf32, #tpu.memory_space<hbm>> -> memref<1568xf32, #tpu.memory_space<hbm>>
    %dma_start3A_223 = arith.constant 42336 : i32
    %dma_start3A_224 = tpu.memref_slice %arg8[%dma_start3A_223] : memref<50176xf32, #tpu.memory_space<vmem>> -> memref<1568xf32, #tpu.memory_space<vmem>>
    %dma_start3A_225 = tpu.memref_slice %arg2[%add3A_219] : memref<1605632xf32, #tpu.memory_space<hbm>> -> memref<1568xf32, #tpu.memory_space<hbm>>
    tpu.enqueue_dma source(%dma_start3A_225 : memref<1568xf32, #tpu.memory_space<hbm>>) target(%dma_start3A_224 : memref<1568xf32, #tpu.memory_space<vmem>>) target_semaphore(%arg14 : memref<!tpu.dma_semaphore, #tpu.memory_space<semaphore_mem>>)
    %add3A_226 = arith.constant 1404928 : i32
    %add3A_227 = arith.addi %add3A_226, %mul3A_2 : i32
    %dma_start3A_228 = arith.constant 43904 : i32
    %dma_start3A_229 = tpu.memref_slice %arg8[%dma_start3A_228] : memref<50176xf32, #tpu.memory_space<vmem>> -> memref<1568xf32, #tpu.memory_space<vmem>>
    %dma_start3A_230 = tpu.memref_slice %arg2[%add3A_227] : memref<1605632xf32, #tpu.memory_space<hbm>> -> memref<1568xf32, #tpu.memory_space<hbm>>
    %dma_start3A_231 = arith.constant 43904 : i32
    %dma_start3A_232 = tpu.memref_slice %arg8[%dma_start3A_231] : memref<50176xf32, #tpu.memory_space<vmem>> -> memref<1568xf32, #tpu.memory_space<vmem>>
    %dma_start3A_233 = tpu.memref_slice %arg2[%add3A_227] : memref<1605632xf32, #tpu.memory_space<hbm>> -> memref<1568xf32, #tpu.memory_space<hbm>>
    tpu.enqueue_dma source(%dma_start3A_233 : memref<1568xf32, #tpu.memory_space<hbm>>) target(%dma_start3A_232 : memref<1568xf32, #tpu.memory_space<vmem>>) target_semaphore(%arg14 : memref<!tpu.dma_semaphore, #tpu.memory_space<semaphore_mem>>)
    %add3A_234 = arith.constant 1455104 : i32
    %add3A_235 = arith.addi %add3A_234, %mul3A_2 : i32
    %dma_start3A_236 = arith.constant 45472 : i32
    %dma_start3A_237 = tpu.memref_slice %arg8[%dma_start3A_236] : memref<50176xf32, #tpu.memory_space<vmem>> -> memref<1568xf32, #tpu.memory_space<vmem>>
    %dma_start3A_238 = tpu.memref_slice %arg2[%add3A_235] : memref<1605632xf32, #tpu.memory_space<hbm>> -> memref<1568xf32, #tpu.memory_space<hbm>>
    %dma_start3A_239 = arith.constant 45472 : i32
    %dma_start3A_240 = tpu.memref_slice %arg8[%dma_start3A_239] : memref<50176xf32, #tpu.memory_space<vmem>> -> memref<1568xf32, #tpu.memory_space<vmem>>
    %dma_start3A_241 = tpu.memref_slice %arg2[%add3A_235] : memref<1605632xf32, #tpu.memory_space<hbm>> -> memref<1568xf32, #tpu.memory_space<hbm>>
    tpu.enqueue_dma source(%dma_start3A_241 : memref<1568xf32, #tpu.memory_space<hbm>>) target(%dma_start3A_240 : memref<1568xf32, #tpu.memory_space<vmem>>) target_semaphore(%arg14 : memref<!tpu.dma_semaphore, #tpu.memory_space<semaphore_mem>>)
    %add3A_242 = arith.constant 1505280 : i32
    %add3A_243 = arith.addi %add3A_242, %mul3A_2 : i32
    %dma_start3A_244 = arith.constant 47040 : i32
    %dma_start3A_245 = tpu.memref_slice %arg8[%dma_start3A_244] : memref<50176xf32, #tpu.memory_space<vmem>> -> memref<1568xf32, #tpu.memory_space<vmem>>
    %dma_start3A_246 = tpu.memref_slice %arg2[%add3A_243] : memref<1605632xf32, #tpu.memory_space<hbm>> -> memref<1568xf32, #tpu.memory_space<hbm>>
    %dma_start3A_247 = arith.constant 47040 : i32
    %dma_start3A_248 = tpu.memref_slice %arg8[%dma_start3A_247] : memref<50176xf32, #tpu.memory_space<vmem>> -> memref<1568xf32, #tpu.memory_space<vmem>>
    %dma_start3A_249 = tpu.memref_slice %arg2[%add3A_243] : memref<1605632xf32, #tpu.memory_space<hbm>> -> memref<1568xf32, #tpu.memory_space<hbm>>
    tpu.enqueue_dma source(%dma_start3A_249 : memref<1568xf32, #tpu.memory_space<hbm>>) target(%dma_start3A_248 : memref<1568xf32, #tpu.memory_space<vmem>>) target_semaphore(%arg14 : memref<!tpu.dma_semaphore, #tpu.memory_space<semaphore_mem>>)
    %add3A_250 = arith.constant 1555456 : i32
    %add3A_251 = arith.addi %add3A_250, %mul3A_2 : i32
    %dma_start3A_252 = arith.constant 48608 : i32
    %dma_start3A_253 = tpu.memref_slice %arg8[%dma_start3A_252] : memref<50176xf32, #tpu.memory_space<vmem>> -> memref<1568xf32, #tpu.memory_space<vmem>>
    %dma_start3A_254 = tpu.memref_slice %arg2[%add3A_251] : memref<1605632xf32, #tpu.memory_space<hbm>> -> memref<1568xf32, #tpu.memory_space<hbm>>
    %dma_start3A_255 = arith.constant 48608 : i32
    %dma_start3A_256 = tpu.memref_slice %arg8[%dma_start3A_255] : memref<50176xf32, #tpu.memory_space<vmem>> -> memref<1568xf32, #tpu.memory_space<vmem>>
    %dma_start3A_257 = tpu.memref_slice %arg2[%add3A_251] : memref<1605632xf32, #tpu.memory_space<hbm>> -> memref<1568xf32, #tpu.memory_space<hbm>>
    tpu.enqueue_dma source(%dma_start3A_257 : memref<1568xf32, #tpu.memory_space<hbm>>) target(%dma_start3A_256 : memref<1568xf32, #tpu.memory_space<vmem>>) target_semaphore(%arg14 : memref<!tpu.dma_semaphore, #tpu.memory_space<semaphore_mem>>)
    %dma_start3A_258 = tpu.memref_slice %arg3[%mul3A_2] : memref<50176xf32, #tpu.memory_space<hbm>> -> memref<1568xf32, #tpu.memory_space<hbm>>
    %dma_start3A_259 = tpu.memref_slice %arg3[%mul3A_2] : memref<50176xf32, #tpu.memory_space<hbm>> -> memref<1568xf32, #tpu.memory_space<hbm>>
    tpu.enqueue_dma source(%dma_start3A_259 : memref<1568xf32, #tpu.memory_space<hbm>>) target(%arg9 : memref<1568xf32, #tpu.memory_space<vmem>>) target_semaphore(%arg14 : memref<!tpu.dma_semaphore, #tpu.memory_space<semaphore_mem>>)
    tpu.enqueue_dma source(%arg4 : memref<16xf32, #tpu.memory_space<hbm>>) target(%arg13 : memref<16xf32, #tpu.memory_space<vmem>>) target_semaphore(%arg14 : memref<!tpu.dma_semaphore, #tpu.memory_space<semaphore_mem>>)
    %dma_wait3A = arith.constant 0 : i32
    %dma_wait3A_260 = tpu.memref_slice %arg8[%dma_wait3A] : memref<50176xf32, #tpu.memory_space<vmem>> -> memref<1568xf32, #tpu.memory_space<vmem>>
    %dma_wait3A_261 = tpu.memref_slice %arg2[%add3A_4] : memref<1605632xf32, #tpu.memory_space<hbm>> -> memref<1568xf32, #tpu.memory_space<hbm>>
    %dma_wait3A_262 = arith.constant 0 : i32
    %dma_wait3A_263 = tpu.memref_slice %arg8[%dma_wait3A_262] : memref<50176xf32, #tpu.memory_space<vmem>> -> memref<1568xf32, #tpu.memory_space<vmem>>
    %dma_wait3A_264 = tpu.memref_slice %arg2[%add3A_4] : memref<1605632xf32, #tpu.memory_space<hbm>> -> memref<1568xf32, #tpu.memory_space<hbm>>
    tpu.wait_dma2 semaphore(%arg14 : memref<!tpu.dma_semaphore, #tpu.memory_space<semaphore_mem>>) src(%dma_wait3A_264 : memref<1568xf32, #tpu.memory_space<hbm>>) dst(%dma_wait3A_263 : memref<1568xf32, #tpu.memory_space<vmem>>)
    %dma_wait3A_265 = arith.constant 1568 : i32
    %dma_wait3A_266 = tpu.memref_slice %arg8[%dma_wait3A_265] : memref<50176xf32, #tpu.memory_space<vmem>> -> memref<1568xf32, #tpu.memory_space<vmem>>
    %dma_wait3A_267 = tpu.memref_slice %arg2[%add3A_11] : memref<1605632xf32, #tpu.memory_space<hbm>> -> memref<1568xf32, #tpu.memory_space<hbm>>
    %dma_wait3A_268 = arith.constant 1568 : i32
    %dma_wait3A_269 = tpu.memref_slice %arg8[%dma_wait3A_268] : memref<50176xf32, #tpu.memory_space<vmem>> -> memref<1568xf32, #tpu.memory_space<vmem>>
    %dma_wait3A_270 = tpu.memref_slice %arg2[%add3A_11] : memref<1605632xf32, #tpu.memory_space<hbm>> -> memref<1568xf32, #tpu.memory_space<hbm>>
    tpu.wait_dma2 semaphore(%arg14 : memref<!tpu.dma_semaphore, #tpu.memory_space<semaphore_mem>>) src(%dma_wait3A_270 : memref<1568xf32, #tpu.memory_space<hbm>>) dst(%dma_wait3A_269 : memref<1568xf32, #tpu.memory_space<vmem>>)
    %dma_wait3A_271 = arith.constant 3136 : i32
    %dma_wait3A_272 = tpu.memref_slice %arg8[%dma_wait3A_271] : memref<50176xf32, #tpu.memory_space<vmem>> -> memref<1568xf32, #tpu.memory_space<vmem>>
    %dma_wait3A_273 = tpu.memref_slice %arg2[%add3A_19] : memref<1605632xf32, #tpu.memory_space<hbm>> -> memref<1568xf32, #tpu.memory_space<hbm>>
    %dma_wait3A_274 = arith.constant 3136 : i32
    %dma_wait3A_275 = tpu.memref_slice %arg8[%dma_wait3A_274] : memref<50176xf32, #tpu.memory_space<vmem>> -> memref<1568xf32, #tpu.memory_space<vmem>>
    %dma_wait3A_276 = tpu.memref_slice %arg2[%add3A_19] : memref<1605632xf32, #tpu.memory_space<hbm>> -> memref<1568xf32, #tpu.memory_space<hbm>>
    tpu.wait_dma2 semaphore(%arg14 : memref<!tpu.dma_semaphore, #tpu.memory_space<semaphore_mem>>) src(%dma_wait3A_276 : memref<1568xf32, #tpu.memory_space<hbm>>) dst(%dma_wait3A_275 : memref<1568xf32, #tpu.memory_space<vmem>>)
    %dma_wait3A_277 = arith.constant 4704 : i32
    %dma_wait3A_278 = tpu.memref_slice %arg8[%dma_wait3A_277] : memref<50176xf32, #tpu.memory_space<vmem>> -> memref<1568xf32, #tpu.memory_space<vmem>>
    %dma_wait3A_279 = tpu.memref_slice %arg2[%add3A_27] : memref<1605632xf32, #tpu.memory_space<hbm>> -> memref<1568xf32, #tpu.memory_space<hbm>>
    %dma_wait3A_280 = arith.constant 4704 : i32
    %dma_wait3A_281 = tpu.memref_slice %arg8[%dma_wait3A_280] : memref<50176xf32, #tpu.memory_space<vmem>> -> memref<1568xf32, #tpu.memory_space<vmem>>
    %dma_wait3A_282 = tpu.memref_slice %arg2[%add3A_27] : memref<1605632xf32, #tpu.memory_space<hbm>> -> memref<1568xf32, #tpu.memory_space<hbm>>
    tpu.wait_dma2 semaphore(%arg14 : memref<!tpu.dma_semaphore, #tpu.memory_space<semaphore_mem>>) src(%dma_wait3A_282 : memref<1568xf32, #tpu.memory_space<hbm>>) dst(%dma_wait3A_281 : memref<1568xf32, #tpu.memory_space<vmem>>)
    %dma_wait3A_283 = arith.constant 6272 : i32
    %dma_wait3A_284 = tpu.memref_slice %arg8[%dma_wait3A_283] : memref<50176xf32, #tpu.memory_space<vmem>> -> memref<1568xf32, #tpu.memory_space<vmem>>
    %dma_wait3A_285 = tpu.memref_slice %arg2[%add3A_35] : memref<1605632xf32, #tpu.memory_space<hbm>> -> memref<1568xf32, #tpu.memory_space<hbm>>
    %dma_wait3A_286 = arith.constant 6272 : i32
    %dma_wait3A_287 = tpu.memref_slice %arg8[%dma_wait3A_286] : memref<50176xf32, #tpu.memory_space<vmem>> -> memref<1568xf32, #tpu.memory_space<vmem>>
    %dma_wait3A_288 = tpu.memref_slice %arg2[%add3A_35] : memref<1605632xf32, #tpu.memory_space<hbm>> -> memref<1568xf32, #tpu.memory_space<hbm>>
    tpu.wait_dma2 semaphore(%arg14 : memref<!tpu.dma_semaphore, #tpu.memory_space<semaphore_mem>>) src(%dma_wait3A_288 : memref<1568xf32, #tpu.memory_space<hbm>>) dst(%dma_wait3A_287 : memref<1568xf32, #tpu.memory_space<vmem>>)
    %dma_wait3A_289 = arith.constant 7840 : i32
    %dma_wait3A_290 = tpu.memref_slice %arg8[%dma_wait3A_289] : memref<50176xf32, #tpu.memory_space<vmem>> -> memref<1568xf32, #tpu.memory_space<vmem>>
    %dma_wait3A_291 = tpu.memref_slice %arg2[%add3A_43] : memref<1605632xf32, #tpu.memory_space<hbm>> -> memref<1568xf32, #tpu.memory_space<hbm>>
    %dma_wait3A_292 = arith.constant 7840 : i32
    %dma_wait3A_293 = tpu.memref_slice %arg8[%dma_wait3A_292] : memref<50176xf32, #tpu.memory_space<vmem>> -> memref<1568xf32, #tpu.memory_space<vmem>>
    %dma_wait3A_294 = tpu.memref_slice %arg2[%add3A_43] : memref<1605632xf32, #tpu.memory_space<hbm>> -> memref<1568xf32, #tpu.memory_space<hbm>>
    tpu.wait_dma2 semaphore(%arg14 : memref<!tpu.dma_semaphore, #tpu.memory_space<semaphore_mem>>) src(%dma_wait3A_294 : memref<1568xf32, #tpu.memory_space<hbm>>) dst(%dma_wait3A_293 : memref<1568xf32, #tpu.memory_space<vmem>>)
    %dma_wait3A_295 = arith.constant 9408 : i32
    %dma_wait3A_296 = tpu.memref_slice %arg8[%dma_wait3A_295] : memref<50176xf32, #tpu.memory_space<vmem>> -> memref<1568xf32, #tpu.memory_space<vmem>>
    %dma_wait3A_297 = tpu.memref_slice %arg2[%add3A_51] : memref<1605632xf32, #tpu.memory_space<hbm>> -> memref<1568xf32, #tpu.memory_space<hbm>>
    %dma_wait3A_298 = arith.constant 9408 : i32
    %dma_wait3A_299 = tpu.memref_slice %arg8[%dma_wait3A_298] : memref<50176xf32, #tpu.memory_space<vmem>> -> memref<1568xf32, #tpu.memory_space<vmem>>
    %dma_wait3A_300 = tpu.memref_slice %arg2[%add3A_51] : memref<1605632xf32, #tpu.memory_space<hbm>> -> memref<1568xf32, #tpu.memory_space<hbm>>
    tpu.wait_dma2 semaphore(%arg14 : memref<!tpu.dma_semaphore, #tpu.memory_space<semaphore_mem>>) src(%dma_wait3A_300 : memref<1568xf32, #tpu.memory_space<hbm>>) dst(%dma_wait3A_299 : memref<1568xf32, #tpu.memory_space<vmem>>)
    %dma_wait3A_301 = arith.constant 10976 : i32
    %dma_wait3A_302 = tpu.memref_slice %arg8[%dma_wait3A_301] : memref<50176xf32, #tpu.memory_space<vmem>> -> memref<1568xf32, #tpu.memory_space<vmem>>
    %dma_wait3A_303 = tpu.memref_slice %arg2[%add3A_59] : memref<1605632xf32, #tpu.memory_space<hbm>> -> memref<1568xf32, #tpu.memory_space<hbm>>
    %dma_wait3A_304 = arith.constant 10976 : i32
    %dma_wait3A_305 = tpu.memref_slice %arg8[%dma_wait3A_304] : memref<50176xf32, #tpu.memory_space<vmem>> -> memref<1568xf32, #tpu.memory_space<vmem>>
    %dma_wait3A_306 = tpu.memref_slice %arg2[%add3A_59] : memref<1605632xf32, #tpu.memory_space<hbm>> -> memref<1568xf32, #tpu.memory_space<hbm>>
    tpu.wait_dma2 semaphore(%arg14 : memref<!tpu.dma_semaphore, #tpu.memory_space<semaphore_mem>>) src(%dma_wait3A_306 : memref<1568xf32, #tpu.memory_space<hbm>>) dst(%dma_wait3A_305 : memref<1568xf32, #tpu.memory_space<vmem>>)
    %dma_wait3A_307 = arith.constant 12544 : i32
    %dma_wait3A_308 = tpu.memref_slice %arg8[%dma_wait3A_307] : memref<50176xf32, #tpu.memory_space<vmem>> -> memref<1568xf32, #tpu.memory_space<vmem>>
    %dma_wait3A_309 = tpu.memref_slice %arg2[%add3A_67] : memref<1605632xf32, #tpu.memory_space<hbm>> -> memref<1568xf32, #tpu.memory_space<hbm>>
    %dma_wait3A_310 = arith.constant 12544 : i32
    %dma_wait3A_311 = tpu.memref_slice %arg8[%dma_wait3A_310] : memref<50176xf32, #tpu.memory_space<vmem>> -> memref<1568xf32, #tpu.memory_space<vmem>>
    %dma_wait3A_312 = tpu.memref_slice %arg2[%add3A_67] : memref<1605632xf32, #tpu.memory_space<hbm>> -> memref<1568xf32, #tpu.memory_space<hbm>>
    tpu.wait_dma2 semaphore(%arg14 : memref<!tpu.dma_semaphore, #tpu.memory_space<semaphore_mem>>) src(%dma_wait3A_312 : memref<1568xf32, #tpu.memory_space<hbm>>) dst(%dma_wait3A_311 : memref<1568xf32, #tpu.memory_space<vmem>>)
    %dma_wait3A_313 = arith.constant 14112 : i32
    %dma_wait3A_314 = tpu.memref_slice %arg8[%dma_wait3A_313] : memref<50176xf32, #tpu.memory_space<vmem>> -> memref<1568xf32, #tpu.memory_space<vmem>>
    %dma_wait3A_315 = tpu.memref_slice %arg2[%add3A_75] : memref<1605632xf32, #tpu.memory_space<hbm>> -> memref<1568xf32, #tpu.memory_space<hbm>>
    %dma_wait3A_316 = arith.constant 14112 : i32
    %dma_wait3A_317 = tpu.memref_slice %arg8[%dma_wait3A_316] : memref<50176xf32, #tpu.memory_space<vmem>> -> memref<1568xf32, #tpu.memory_space<vmem>>
    %dma_wait3A_318 = tpu.memref_slice %arg2[%add3A_75] : memref<1605632xf32, #tpu.memory_space<hbm>> -> memref<1568xf32, #tpu.memory_space<hbm>>
    tpu.wait_dma2 semaphore(%arg14 : memref<!tpu.dma_semaphore, #tpu.memory_space<semaphore_mem>>) src(%dma_wait3A_318 : memref<1568xf32, #tpu.memory_space<hbm>>) dst(%dma_wait3A_317 : memref<1568xf32, #tpu.memory_space<vmem>>)
    %dma_wait3A_319 = arith.constant 15680 : i32
    %dma_wait3A_320 = tpu.memref_slice %arg8[%dma_wait3A_319] : memref<50176xf32, #tpu.memory_space<vmem>> -> memref<1568xf32, #tpu.memory_space<vmem>>
    %dma_wait3A_321 = tpu.memref_slice %arg2[%add3A_83] : memref<1605632xf32, #tpu.memory_space<hbm>> -> memref<1568xf32, #tpu.memory_space<hbm>>
    %dma_wait3A_322 = arith.constant 15680 : i32
    %dma_wait3A_323 = tpu.memref_slice %arg8[%dma_wait3A_322] : memref<50176xf32, #tpu.memory_space<vmem>> -> memref<1568xf32, #tpu.memory_space<vmem>>
    %dma_wait3A_324 = tpu.memref_slice %arg2[%add3A_83] : memref<1605632xf32, #tpu.memory_space<hbm>> -> memref<1568xf32, #tpu.memory_space<hbm>>
    tpu.wait_dma2 semaphore(%arg14 : memref<!tpu.dma_semaphore, #tpu.memory_space<semaphore_mem>>) src(%dma_wait3A_324 : memref<1568xf32, #tpu.memory_space<hbm>>) dst(%dma_wait3A_323 : memref<1568xf32, #tpu.memory_space<vmem>>)
    %dma_wait3A_325 = arith.constant 17248 : i32
    %dma_wait3A_326 = tpu.memref_slice %arg8[%dma_wait3A_325] : memref<50176xf32, #tpu.memory_space<vmem>> -> memref<1568xf32, #tpu.memory_space<vmem>>
    %dma_wait3A_327 = tpu.memref_slice %arg2[%add3A_91] : memref<1605632xf32, #tpu.memory_space<hbm>> -> memref<1568xf32, #tpu.memory_space<hbm>>
    %dma_wait3A_328 = arith.constant 17248 : i32
    %dma_wait3A_329 = tpu.memref_slice %arg8[%dma_wait3A_328] : memref<50176xf32, #tpu.memory_space<vmem>> -> memref<1568xf32, #tpu.memory_space<vmem>>
    %dma_wait3A_330 = tpu.memref_slice %arg2[%add3A_91] : memref<1605632xf32, #tpu.memory_space<hbm>> -> memref<1568xf32, #tpu.memory_space<hbm>>
    tpu.wait_dma2 semaphore(%arg14 : memref<!tpu.dma_semaphore, #tpu.memory_space<semaphore_mem>>) src(%dma_wait3A_330 : memref<1568xf32, #tpu.memory_space<hbm>>) dst(%dma_wait3A_329 : memref<1568xf32, #tpu.memory_space<vmem>>)
    %dma_wait3A_331 = arith.constant 18816 : i32
    %dma_wait3A_332 = tpu.memref_slice %arg8[%dma_wait3A_331] : memref<50176xf32, #tpu.memory_space<vmem>> -> memref<1568xf32, #tpu.memory_space<vmem>>
    %dma_wait3A_333 = tpu.memref_slice %arg2[%add3A_99] : memref<1605632xf32, #tpu.memory_space<hbm>> -> memref<1568xf32, #tpu.memory_space<hbm>>
    %dma_wait3A_334 = arith.constant 18816 : i32
    %dma_wait3A_335 = tpu.memref_slice %arg8[%dma_wait3A_334] : memref<50176xf32, #tpu.memory_space<vmem>> -> memref<1568xf32, #tpu.memory_space<vmem>>
    %dma_wait3A_336 = tpu.memref_slice %arg2[%add3A_99] : memref<1605632xf32, #tpu.memory_space<hbm>> -> memref<1568xf32, #tpu.memory_space<hbm>>
    tpu.wait_dma2 semaphore(%arg14 : memref<!tpu.dma_semaphore, #tpu.memory_space<semaphore_mem>>) src(%dma_wait3A_336 : memref<1568xf32, #tpu.memory_space<hbm>>) dst(%dma_wait3A_335 : memref<1568xf32, #tpu.memory_space<vmem>>)
    %dma_wait3A_337 = arith.constant 20384 : i32
    %dma_wait3A_338 = tpu.memref_slice %arg8[%dma_wait3A_337] : memref<50176xf32, #tpu.memory_space<vmem>> -> memref<1568xf32, #tpu.memory_space<vmem>>
    %dma_wait3A_339 = tpu.memref_slice %arg2[%add3A_107] : memref<1605632xf32, #tpu.memory_space<hbm>> -> memref<1568xf32, #tpu.memory_space<hbm>>
    %dma_wait3A_340 = arith.constant 20384 : i32
    %dma_wait3A_341 = tpu.memref_slice %arg8[%dma_wait3A_340] : memref<50176xf32, #tpu.memory_space<vmem>> -> memref<1568xf32, #tpu.memory_space<vmem>>
    %dma_wait3A_342 = tpu.memref_slice %arg2[%add3A_107] : memref<1605632xf32, #tpu.memory_space<hbm>> -> memref<1568xf32, #tpu.memory_space<hbm>>
    tpu.wait_dma2 semaphore(%arg14 : memref<!tpu.dma_semaphore, #tpu.memory_space<semaphore_mem>>) src(%dma_wait3A_342 : memref<1568xf32, #tpu.memory_space<hbm>>) dst(%dma_wait3A_341 : memref<1568xf32, #tpu.memory_space<vmem>>)
    %dma_wait3A_343 = arith.constant 21952 : i32
    %dma_wait3A_344 = tpu.memref_slice %arg8[%dma_wait3A_343] : memref<50176xf32, #tpu.memory_space<vmem>> -> memref<1568xf32, #tpu.memory_space<vmem>>
    %dma_wait3A_345 = tpu.memref_slice %arg2[%add3A_115] : memref<1605632xf32, #tpu.memory_space<hbm>> -> memref<1568xf32, #tpu.memory_space<hbm>>
    %dma_wait3A_346 = arith.constant 21952 : i32
    %dma_wait3A_347 = tpu.memref_slice %arg8[%dma_wait3A_346] : memref<50176xf32, #tpu.memory_space<vmem>> -> memref<1568xf32, #tpu.memory_space<vmem>>
    %dma_wait3A_348 = tpu.memref_slice %arg2[%add3A_115] : memref<1605632xf32, #tpu.memory_space<hbm>> -> memref<1568xf32, #tpu.memory_space<hbm>>
    tpu.wait_dma2 semaphore(%arg14 : memref<!tpu.dma_semaphore, #tpu.memory_space<semaphore_mem>>) src(%dma_wait3A_348 : memref<1568xf32, #tpu.memory_space<hbm>>) dst(%dma_wait3A_347 : memref<1568xf32, #tpu.memory_space<vmem>>)
    %dma_wait3A_349 = arith.constant 23520 : i32
    %dma_wait3A_350 = tpu.memref_slice %arg8[%dma_wait3A_349] : memref<50176xf32, #tpu.memory_space<vmem>> -> memref<1568xf32, #tpu.memory_space<vmem>>
    %dma_wait3A_351 = tpu.memref_slice %arg2[%add3A_123] : memref<1605632xf32, #tpu.memory_space<hbm>> -> memref<1568xf32, #tpu.memory_space<hbm>>
    %dma_wait3A_352 = arith.constant 23520 : i32
    %dma_wait3A_353 = tpu.memref_slice %arg8[%dma_wait3A_352] : memref<50176xf32, #tpu.memory_space<vmem>> -> memref<1568xf32, #tpu.memory_space<vmem>>
    %dma_wait3A_354 = tpu.memref_slice %arg2[%add3A_123] : memref<1605632xf32, #tpu.memory_space<hbm>> -> memref<1568xf32, #tpu.memory_space<hbm>>
    tpu.wait_dma2 semaphore(%arg14 : memref<!tpu.dma_semaphore, #tpu.memory_space<semaphore_mem>>) src(%dma_wait3A_354 : memref<1568xf32, #tpu.memory_space<hbm>>) dst(%dma_wait3A_353 : memref<1568xf32, #tpu.memory_space<vmem>>)
    %dma_wait3A_355 = arith.constant 25088 : i32
    %dma_wait3A_356 = tpu.memref_slice %arg8[%dma_wait3A_355] : memref<50176xf32, #tpu.memory_space<vmem>> -> memref<1568xf32, #tpu.memory_space<vmem>>
    %dma_wait3A_357 = tpu.memref_slice %arg2[%add3A_131] : memref<1605632xf32, #tpu.memory_space<hbm>> -> memref<1568xf32, #tpu.memory_space<hbm>>
    %dma_wait3A_358 = arith.constant 25088 : i32
    %dma_wait3A_359 = tpu.memref_slice %arg8[%dma_wait3A_358] : memref<50176xf32, #tpu.memory_space<vmem>> -> memref<1568xf32, #tpu.memory_space<vmem>>
    %dma_wait3A_360 = tpu.memref_slice %arg2[%add3A_131] : memref<1605632xf32, #tpu.memory_space<hbm>> -> memref<1568xf32, #tpu.memory_space<hbm>>
    tpu.wait_dma2 semaphore(%arg14 : memref<!tpu.dma_semaphore, #tpu.memory_space<semaphore_mem>>) src(%dma_wait3A_360 : memref<1568xf32, #tpu.memory_space<hbm>>) dst(%dma_wait3A_359 : memref<1568xf32, #tpu.memory_space<vmem>>)
    %dma_wait3A_361 = arith.constant 26656 : i32
    %dma_wait3A_362 = tpu.memref_slice %arg8[%dma_wait3A_361] : memref<50176xf32, #tpu.memory_space<vmem>> -> memref<1568xf32, #tpu.memory_space<vmem>>
    %dma_wait3A_363 = tpu.memref_slice %arg2[%add3A_139] : memref<1605632xf32, #tpu.memory_space<hbm>> -> memref<1568xf32, #tpu.memory_space<hbm>>
    %dma_wait3A_364 = arith.constant 26656 : i32
    %dma_wait3A_365 = tpu.memref_slice %arg8[%dma_wait3A_364] : memref<50176xf32, #tpu.memory_space<vmem>> -> memref<1568xf32, #tpu.memory_space<vmem>>
    %dma_wait3A_366 = tpu.memref_slice %arg2[%add3A_139] : memref<1605632xf32, #tpu.memory_space<hbm>> -> memref<1568xf32, #tpu.memory_space<hbm>>
    tpu.wait_dma2 semaphore(%arg14 : memref<!tpu.dma_semaphore, #tpu.memory_space<semaphore_mem>>) src(%dma_wait3A_366 : memref<1568xf32, #tpu.memory_space<hbm>>) dst(%dma_wait3A_365 : memref<1568xf32, #tpu.memory_space<vmem>>)
    %dma_wait3A_367 = arith.constant 28224 : i32
    %dma_wait3A_368 = tpu.memref_slice %arg8[%dma_wait3A_367] : memref<50176xf32, #tpu.memory_space<vmem>> -> memref<1568xf32, #tpu.memory_space<vmem>>
    %dma_wait3A_369 = tpu.memref_slice %arg2[%add3A_147] : memref<1605632xf32, #tpu.memory_space<hbm>> -> memref<1568xf32, #tpu.memory_space<hbm>>
    %dma_wait3A_370 = arith.constant 28224 : i32
    %dma_wait3A_371 = tpu.memref_slice %arg8[%dma_wait3A_370] : memref<50176xf32, #tpu.memory_space<vmem>> -> memref<1568xf32, #tpu.memory_space<vmem>>
    %dma_wait3A_372 = tpu.memref_slice %arg2[%add3A_147] : memref<1605632xf32, #tpu.memory_space<hbm>> -> memref<1568xf32, #tpu.memory_space<hbm>>
    tpu.wait_dma2 semaphore(%arg14 : memref<!tpu.dma_semaphore, #tpu.memory_space<semaphore_mem>>) src(%dma_wait3A_372 : memref<1568xf32, #tpu.memory_space<hbm>>) dst(%dma_wait3A_371 : memref<1568xf32, #tpu.memory_space<vmem>>)
    %dma_wait3A_373 = arith.constant 29792 : i32
    %dma_wait3A_374 = tpu.memref_slice %arg8[%dma_wait3A_373] : memref<50176xf32, #tpu.memory_space<vmem>> -> memref<1568xf32, #tpu.memory_space<vmem>>
    %dma_wait3A_375 = tpu.memref_slice %arg2[%add3A_155] : memref<1605632xf32, #tpu.memory_space<hbm>> -> memref<1568xf32, #tpu.memory_space<hbm>>
    %dma_wait3A_376 = arith.constant 29792 : i32
    %dma_wait3A_377 = tpu.memref_slice %arg8[%dma_wait3A_376] : memref<50176xf32, #tpu.memory_space<vmem>> -> memref<1568xf32, #tpu.memory_space<vmem>>
    %dma_wait3A_378 = tpu.memref_slice %arg2[%add3A_155] : memref<1605632xf32, #tpu.memory_space<hbm>> -> memref<1568xf32, #tpu.memory_space<hbm>>
    tpu.wait_dma2 semaphore(%arg14 : memref<!tpu.dma_semaphore, #tpu.memory_space<semaphore_mem>>) src(%dma_wait3A_378 : memref<1568xf32, #tpu.memory_space<hbm>>) dst(%dma_wait3A_377 : memref<1568xf32, #tpu.memory_space<vmem>>)
    %dma_wait3A_379 = arith.constant 31360 : i32
    %dma_wait3A_380 = tpu.memref_slice %arg8[%dma_wait3A_379] : memref<50176xf32, #tpu.memory_space<vmem>> -> memref<1568xf32, #tpu.memory_space<vmem>>
    %dma_wait3A_381 = tpu.memref_slice %arg2[%add3A_163] : memref<1605632xf32, #tpu.memory_space<hbm>> -> memref<1568xf32, #tpu.memory_space<hbm>>
    %dma_wait3A_382 = arith.constant 31360 : i32
    %dma_wait3A_383 = tpu.memref_slice %arg8[%dma_wait3A_382] : memref<50176xf32, #tpu.memory_space<vmem>> -> memref<1568xf32, #tpu.memory_space<vmem>>
    %dma_wait3A_384 = tpu.memref_slice %arg2[%add3A_163] : memref<1605632xf32, #tpu.memory_space<hbm>> -> memref<1568xf32, #tpu.memory_space<hbm>>
    tpu.wait_dma2 semaphore(%arg14 : memref<!tpu.dma_semaphore, #tpu.memory_space<semaphore_mem>>) src(%dma_wait3A_384 : memref<1568xf32, #tpu.memory_space<hbm>>) dst(%dma_wait3A_383 : memref<1568xf32, #tpu.memory_space<vmem>>)
    %dma_wait3A_385 = arith.constant 32928 : i32
    %dma_wait3A_386 = tpu.memref_slice %arg8[%dma_wait3A_385] : memref<50176xf32, #tpu.memory_space<vmem>> -> memref<1568xf32, #tpu.memory_space<vmem>>
    %dma_wait3A_387 = tpu.memref_slice %arg2[%add3A_171] : memref<1605632xf32, #tpu.memory_space<hbm>> -> memref<1568xf32, #tpu.memory_space<hbm>>
    %dma_wait3A_388 = arith.constant 32928 : i32
    %dma_wait3A_389 = tpu.memref_slice %arg8[%dma_wait3A_388] : memref<50176xf32, #tpu.memory_space<vmem>> -> memref<1568xf32, #tpu.memory_space<vmem>>
    %dma_wait3A_390 = tpu.memref_slice %arg2[%add3A_171] : memref<1605632xf32, #tpu.memory_space<hbm>> -> memref<1568xf32, #tpu.memory_space<hbm>>
    tpu.wait_dma2 semaphore(%arg14 : memref<!tpu.dma_semaphore, #tpu.memory_space<semaphore_mem>>) src(%dma_wait3A_390 : memref<1568xf32, #tpu.memory_space<hbm>>) dst(%dma_wait3A_389 : memref<1568xf32, #tpu.memory_space<vmem>>)
    %dma_wait3A_391 = arith.constant 34496 : i32
    %dma_wait3A_392 = tpu.memref_slice %arg8[%dma_wait3A_391] : memref<50176xf32, #tpu.memory_space<vmem>> -> memref<1568xf32, #tpu.memory_space<vmem>>
    %dma_wait3A_393 = tpu.memref_slice %arg2[%add3A_179] : memref<1605632xf32, #tpu.memory_space<hbm>> -> memref<1568xf32, #tpu.memory_space<hbm>>
    %dma_wait3A_394 = arith.constant 34496 : i32
    %dma_wait3A_395 = tpu.memref_slice %arg8[%dma_wait3A_394] : memref<50176xf32, #tpu.memory_space<vmem>> -> memref<1568xf32, #tpu.memory_space<vmem>>
    %dma_wait3A_396 = tpu.memref_slice %arg2[%add3A_179] : memref<1605632xf32, #tpu.memory_space<hbm>> -> memref<1568xf32, #tpu.memory_space<hbm>>
    tpu.wait_dma2 semaphore(%arg14 : memref<!tpu.dma_semaphore, #tpu.memory_space<semaphore_mem>>) src(%dma_wait3A_396 : memref<1568xf32, #tpu.memory_space<hbm>>) dst(%dma_wait3A_395 : memref<1568xf32, #tpu.memory_space<vmem>>)
    %dma_wait3A_397 = arith.constant 36064 : i32
    %dma_wait3A_398 = tpu.memref_slice %arg8[%dma_wait3A_397] : memref<50176xf32, #tpu.memory_space<vmem>> -> memref<1568xf32, #tpu.memory_space<vmem>>
    %dma_wait3A_399 = tpu.memref_slice %arg2[%add3A_187] : memref<1605632xf32, #tpu.memory_space<hbm>> -> memref<1568xf32, #tpu.memory_space<hbm>>
    %dma_wait3A_400 = arith.constant 36064 : i32
    %dma_wait3A_401 = tpu.memref_slice %arg8[%dma_wait3A_400] : memref<50176xf32, #tpu.memory_space<vmem>> -> memref<1568xf32, #tpu.memory_space<vmem>>
    %dma_wait3A_402 = tpu.memref_slice %arg2[%add3A_187] : memref<1605632xf32, #tpu.memory_space<hbm>> -> memref<1568xf32, #tpu.memory_space<hbm>>
    tpu.wait_dma2 semaphore(%arg14 : memref<!tpu.dma_semaphore, #tpu.memory_space<semaphore_mem>>) src(%dma_wait3A_402 : memref<1568xf32, #tpu.memory_space<hbm>>) dst(%dma_wait3A_401 : memref<1568xf32, #tpu.memory_space<vmem>>)
    %dma_wait3A_403 = arith.constant 37632 : i32
    %dma_wait3A_404 = tpu.memref_slice %arg8[%dma_wait3A_403] : memref<50176xf32, #tpu.memory_space<vmem>> -> memref<1568xf32, #tpu.memory_space<vmem>>
    %dma_wait3A_405 = tpu.memref_slice %arg2[%add3A_195] : memref<1605632xf32, #tpu.memory_space<hbm>> -> memref<1568xf32, #tpu.memory_space<hbm>>
    %dma_wait3A_406 = arith.constant 37632 : i32
    %dma_wait3A_407 = tpu.memref_slice %arg8[%dma_wait3A_406] : memref<50176xf32, #tpu.memory_space<vmem>> -> memref<1568xf32, #tpu.memory_space<vmem>>
    %dma_wait3A_408 = tpu.memref_slice %arg2[%add3A_195] : memref<1605632xf32, #tpu.memory_space<hbm>> -> memref<1568xf32, #tpu.memory_space<hbm>>
    tpu.wait_dma2 semaphore(%arg14 : memref<!tpu.dma_semaphore, #tpu.memory_space<semaphore_mem>>) src(%dma_wait3A_408 : memref<1568xf32, #tpu.memory_space<hbm>>) dst(%dma_wait3A_407 : memref<1568xf32, #tpu.memory_space<vmem>>)
    %dma_wait3A_409 = arith.constant 39200 : i32
    %dma_wait3A_410 = tpu.memref_slice %arg8[%dma_wait3A_409] : memref<50176xf32, #tpu.memory_space<vmem>> -> memref<1568xf32, #tpu.memory_space<vmem>>
    %dma_wait3A_411 = tpu.memref_slice %arg2[%add3A_203] : memref<1605632xf32, #tpu.memory_space<hbm>> -> memref<1568xf32, #tpu.memory_space<hbm>>
    %dma_wait3A_412 = arith.constant 39200 : i32
    %dma_wait3A_413 = tpu.memref_slice %arg8[%dma_wait3A_412] : memref<50176xf32, #tpu.memory_space<vmem>> -> memref<1568xf32, #tpu.memory_space<vmem>>
    %dma_wait3A_414 = tpu.memref_slice %arg2[%add3A_203] : memref<1605632xf32, #tpu.memory_space<hbm>> -> memref<1568xf32, #tpu.memory_space<hbm>>
    tpu.wait_dma2 semaphore(%arg14 : memref<!tpu.dma_semaphore, #tpu.memory_space<semaphore_mem>>) src(%dma_wait3A_414 : memref<1568xf32, #tpu.memory_space<hbm>>) dst(%dma_wait3A_413 : memref<1568xf32, #tpu.memory_space<vmem>>)
    %dma_wait3A_415 = arith.constant 40768 : i32
    %dma_wait3A_416 = tpu.memref_slice %arg8[%dma_wait3A_415] : memref<50176xf32, #tpu.memory_space<vmem>> -> memref<1568xf32, #tpu.memory_space<vmem>>
    %dma_wait3A_417 = tpu.memref_slice %arg2[%add3A_211] : memref<1605632xf32, #tpu.memory_space<hbm>> -> memref<1568xf32, #tpu.memory_space<hbm>>
    %dma_wait3A_418 = arith.constant 40768 : i32
    %dma_wait3A_419 = tpu.memref_slice %arg8[%dma_wait3A_418] : memref<50176xf32, #tpu.memory_space<vmem>> -> memref<1568xf32, #tpu.memory_space<vmem>>
    %dma_wait3A_420 = tpu.memref_slice %arg2[%add3A_211] : memref<1605632xf32, #tpu.memory_space<hbm>> -> memref<1568xf32, #tpu.memory_space<hbm>>
    tpu.wait_dma2 semaphore(%arg14 : memref<!tpu.dma_semaphore, #tpu.memory_space<semaphore_mem>>) src(%dma_wait3A_420 : memref<1568xf32, #tpu.memory_space<hbm>>) dst(%dma_wait3A_419 : memref<1568xf32, #tpu.memory_space<vmem>>)
    %dma_wait3A_421 = arith.constant 42336 : i32
    %dma_wait3A_422 = tpu.memref_slice %arg8[%dma_wait3A_421] : memref<50176xf32, #tpu.memory_space<vmem>> -> memref<1568xf32, #tpu.memory_space<vmem>>
    %dma_wait3A_423 = tpu.memref_slice %arg2[%add3A_219] : memref<1605632xf32, #tpu.memory_space<hbm>> -> memref<1568xf32, #tpu.memory_space<hbm>>
    %dma_wait3A_424 = arith.constant 42336 : i32
    %dma_wait3A_425 = tpu.memref_slice %arg8[%dma_wait3A_424] : memref<50176xf32, #tpu.memory_space<vmem>> -> memref<1568xf32, #tpu.memory_space<vmem>>
    %dma_wait3A_426 = tpu.memref_slice %arg2[%add3A_219] : memref<1605632xf32, #tpu.memory_space<hbm>> -> memref<1568xf32, #tpu.memory_space<hbm>>
    tpu.wait_dma2 semaphore(%arg14 : memref<!tpu.dma_semaphore, #tpu.memory_space<semaphore_mem>>) src(%dma_wait3A_426 : memref<1568xf32, #tpu.memory_space<hbm>>) dst(%dma_wait3A_425 : memref<1568xf32, #tpu.memory_space<vmem>>)
    %dma_wait3A_427 = arith.constant 43904 : i32
    %dma_wait3A_428 = tpu.memref_slice %arg8[%dma_wait3A_427] : memref<50176xf32, #tpu.memory_space<vmem>> -> memref<1568xf32, #tpu.memory_space<vmem>>
    %dma_wait3A_429 = tpu.memref_slice %arg2[%add3A_227] : memref<1605632xf32, #tpu.memory_space<hbm>> -> memref<1568xf32, #tpu.memory_space<hbm>>
    %dma_wait3A_430 = arith.constant 43904 : i32
    %dma_wait3A_431 = tpu.memref_slice %arg8[%dma_wait3A_430] : memref<50176xf32, #tpu.memory_space<vmem>> -> memref<1568xf32, #tpu.memory_space<vmem>>
    %dma_wait3A_432 = tpu.memref_slice %arg2[%add3A_227] : memref<1605632xf32, #tpu.memory_space<hbm>> -> memref<1568xf32, #tpu.memory_space<hbm>>
    tpu.wait_dma2 semaphore(%arg14 : memref<!tpu.dma_semaphore, #tpu.memory_space<semaphore_mem>>) src(%dma_wait3A_432 : memref<1568xf32, #tpu.memory_space<hbm>>) dst(%dma_wait3A_431 : memref<1568xf32, #tpu.memory_space<vmem>>)
    %dma_wait3A_433 = arith.constant 45472 : i32
    %dma_wait3A_434 = tpu.memref_slice %arg8[%dma_wait3A_433] : memref<50176xf32, #tpu.memory_space<vmem>> -> memref<1568xf32, #tpu.memory_space<vmem>>
    %dma_wait3A_435 = tpu.memref_slice %arg2[%add3A_235] : memref<1605632xf32, #tpu.memory_space<hbm>> -> memref<1568xf32, #tpu.memory_space<hbm>>
    %dma_wait3A_436 = arith.constant 45472 : i32
    %dma_wait3A_437 = tpu.memref_slice %arg8[%dma_wait3A_436] : memref<50176xf32, #tpu.memory_space<vmem>> -> memref<1568xf32, #tpu.memory_space<vmem>>
    %dma_wait3A_438 = tpu.memref_slice %arg2[%add3A_235] : memref<1605632xf32, #tpu.memory_space<hbm>> -> memref<1568xf32, #tpu.memory_space<hbm>>
    tpu.wait_dma2 semaphore(%arg14 : memref<!tpu.dma_semaphore, #tpu.memory_space<semaphore_mem>>) src(%dma_wait3A_438 : memref<1568xf32, #tpu.memory_space<hbm>>) dst(%dma_wait3A_437 : memref<1568xf32, #tpu.memory_space<vmem>>)
    %dma_wait3A_439 = arith.constant 47040 : i32
    %dma_wait3A_440 = tpu.memref_slice %arg8[%dma_wait3A_439] : memref<50176xf32, #tpu.memory_space<vmem>> -> memref<1568xf32, #tpu.memory_space<vmem>>
    %dma_wait3A_441 = tpu.memref_slice %arg2[%add3A_243] : memref<1605632xf32, #tpu.memory_space<hbm>> -> memref<1568xf32, #tpu.memory_space<hbm>>
    %dma_wait3A_442 = arith.constant 47040 : i32
    %dma_wait3A_443 = tpu.memref_slice %arg8[%dma_wait3A_442] : memref<50176xf32, #tpu.memory_space<vmem>> -> memref<1568xf32, #tpu.memory_space<vmem>>
    %dma_wait3A_444 = tpu.memref_slice %arg2[%add3A_243] : memref<1605632xf32, #tpu.memory_space<hbm>> -> memref<1568xf32, #tpu.memory_space<hbm>>
    tpu.wait_dma2 semaphore(%arg14 : memref<!tpu.dma_semaphore, #tpu.memory_space<semaphore_mem>>) src(%dma_wait3A_444 : memref<1568xf32, #tpu.memory_space<hbm>>) dst(%dma_wait3A_443 : memref<1568xf32, #tpu.memory_space<vmem>>)
    %dma_wait3A_445 = arith.constant 48608 : i32
    %dma_wait3A_446 = tpu.memref_slice %arg8[%dma_wait3A_445] : memref<50176xf32, #tpu.memory_space<vmem>> -> memref<1568xf32, #tpu.memory_space<vmem>>
    %dma_wait3A_447 = tpu.memref_slice %arg2[%add3A_251] : memref<1605632xf32, #tpu.memory_space<hbm>> -> memref<1568xf32, #tpu.memory_space<hbm>>
    %dma_wait3A_448 = arith.constant 48608 : i32
    %dma_wait3A_449 = tpu.memref_slice %arg8[%dma_wait3A_448] : memref<50176xf32, #tpu.memory_space<vmem>> -> memref<1568xf32, #tpu.memory_space<vmem>>
    %dma_wait3A_450 = tpu.memref_slice %arg2[%add3A_251] : memref<1605632xf32, #tpu.memory_space<hbm>> -> memref<1568xf32, #tpu.memory_space<hbm>>
    tpu.wait_dma2 semaphore(%arg14 : memref<!tpu.dma_semaphore, #tpu.memory_space<semaphore_mem>>) src(%dma_wait3A_450 : memref<1568xf32, #tpu.memory_space<hbm>>) dst(%dma_wait3A_449 : memref<1568xf32, #tpu.memory_space<vmem>>)
    %dma_wait3A_451 = tpu.memref_slice %arg3[%mul3A_2] : memref<50176xf32, #tpu.memory_space<hbm>> -> memref<1568xf32, #tpu.memory_space<hbm>>
    %dma_wait3A_452 = tpu.memref_slice %arg3[%mul3A_2] : memref<50176xf32, #tpu.memory_space<hbm>> -> memref<1568xf32, #tpu.memory_space<hbm>>
    tpu.wait_dma2 semaphore(%arg14 : memref<!tpu.dma_semaphore, #tpu.memory_space<semaphore_mem>>) src(%dma_wait3A_452 : memref<1568xf32, #tpu.memory_space<hbm>>) dst(%arg9 : memref<1568xf32, #tpu.memory_space<vmem>>)
    tpu.wait_dma2 semaphore(%arg14 : memref<!tpu.dma_semaphore, #tpu.memory_space<semaphore_mem>>) src(%arg4 : memref<16xf32, #tpu.memory_space<hbm>>) dst(%arg13 : memref<16xf32, #tpu.memory_space<vmem>>)
    %get3A = arith.constant 0 : index
    %get3A_453 = tpu.vector_load %arg13[%get3A] {strides = array<i32>} : memref<16xf32, #tpu.memory_space<vmem>>, vector<16xf32>,
    %scan3A = arith.constant 0 : i32
    %scan3A_454 = arith.constant 0 : i32
    %scan3A_455 = arith.constant 98 : i32
    %scan3A_456 = arith.addi %scan3A_454, %scan3A_455 : i32
    %scan3A_457 = arith.constant 1 : i32
    scf.for %scan3A_465 = %scan3A_454 to %scan3A_456 step %scan3A_457  : i32 {
      %mul3A_466 = arith.constant 16 : i32
      %mul3A_467 = arith.muli %scan3A_465, %mul3A_466 : i32
      %get3A_468 = arith.index_cast %mul3A_467 : i32 to index
      %get3A_469 = tpu.vector_load %arg8[%get3A_468] {strides = array<i32>} : memref<50176xf32, #tpu.memory_space<vmem>>, vector<16xf32>,
      %mul3A_470 = arith.constant 16 : i32
      %mul3A_471 = arith.muli %scan3A_465, %mul3A_470 : i32
      %add3A_472 = arith.constant 1568 : i32
      %add3A_473 = arith.addi %add3A_472, %mul3A_471 : i32
      %get3A_474 = arith.index_cast %add3A_473 : i32 to index
      %get3A_475 = tpu.vector_load %arg8[%get3A_474] {strides = array<i32>} : memref<50176xf32, #tpu.memory_space<vmem>>, vector<16xf32>,
      %min3A = arith.minimumf %get3A_469, %get3A_475 : vector<16xf32>
      %mul3A_476 = arith.constant 16 : i32
      %mul3A_477 = arith.muli %scan3A_465, %mul3A_476 : i32
      %add3A_478 = arith.constant 3136 : i32
      %add3A_479 = arith.addi %add3A_478, %mul3A_477 : i32
      %get3A_480 = arith.index_cast %add3A_479 : i32 to index
      %get3A_481 = tpu.vector_load %arg8[%get3A_480] {strides = array<i32>} : memref<50176xf32, #tpu.memory_space<vmem>>, vector<16xf32>,
      %min3A_482 = arith.minimumf %min3A, %get3A_481 : vector<16xf32>
      %mul3A_483 = arith.constant 16 : i32
      %mul3A_484 = arith.muli %scan3A_465, %mul3A_483 : i32
      %add3A_485 = arith.constant 4704 : i32
      %add3A_486 = arith.addi %add3A_485, %mul3A_484 : i32
      %get3A_487 = arith.index_cast %add3A_486 : i32 to index
      %get3A_488 = tpu.vector_load %arg8[%get3A_487] {strides = array<i32>} : memref<50176xf32, #tpu.memory_space<vmem>>, vector<16xf32>,
      %min3A_489 = arith.minimumf %min3A_482, %get3A_488 : vector<16xf32>
      %mul3A_490 = arith.constant 16 : i32
      %mul3A_491 = arith.muli %scan3A_465, %mul3A_490 : i32
      %add3A_492 = arith.constant 6272 : i32
      %add3A_493 = arith.addi %add3A_492, %mul3A_491 : i32
      %get3A_494 = arith.index_cast %add3A_493 : i32 to index
      %get3A_495 = tpu.vector_load %arg8[%get3A_494] {strides = array<i32>} : memref<50176xf32, #tpu.memory_space<vmem>>, vector<16xf32>,
      %min3A_496 = arith.minimumf %min3A_489, %get3A_495 : vector<16xf32>
      %mul3A_497 = arith.constant 16 : i32
      %mul3A_498 = arith.muli %scan3A_465, %mul3A_497 : i32
      %add3A_499 = arith.constant 7840 : i32
      %add3A_500 = arith.addi %add3A_499, %mul3A_498 : i32
      %get3A_501 = arith.index_cast %add3A_500 : i32 to index
      %get3A_502 = tpu.vector_load %arg8[%get3A_501] {strides = array<i32>} : memref<50176xf32, #tpu.memory_space<vmem>>, vector<16xf32>,
      %min3A_503 = arith.minimumf %min3A_496, %get3A_502 : vector<16xf32>
      %mul3A_504 = arith.constant 16 : i32
      %mul3A_505 = arith.muli %scan3A_465, %mul3A_504 : i32
      %add3A_506 = arith.constant 9408 : i32
      %add3A_507 = arith.addi %add3A_506, %mul3A_505 : i32
      %get3A_508 = arith.index_cast %add3A_507 : i32 to index
      %get3A_509 = tpu.vector_load %arg8[%get3A_508] {strides = array<i32>} : memref<50176xf32, #tpu.memory_space<vmem>>, vector<16xf32>,
      %min3A_510 = arith.minimumf %min3A_503, %get3A_509 : vector<16xf32>
      %mul3A_511 = arith.constant 16 : i32
      %mul3A_512 = arith.muli %scan3A_465, %mul3A_511 : i32
      %add3A_513 = arith.constant 10976 : i32
      %add3A_514 = arith.addi %add3A_513, %mul3A_512 : i32
      %get3A_515 = arith.index_cast %add3A_514 : i32 to index
      %get3A_516 = tpu.vector_load %arg8[%get3A_515] {strides = array<i32>} : memref<50176xf32, #tpu.memory_space<vmem>>, vector<16xf32>,
      %min3A_517 = arith.minimumf %min3A_510, %get3A_516 : vector<16xf32>
      %mul3A_518 = arith.constant 16 : i32
      %mul3A_519 = arith.muli %scan3A_465, %mul3A_518 : i32
      %add3A_520 = arith.constant 12544 : i32
      %add3A_521 = arith.addi %add3A_520, %mul3A_519 : i32
      %get3A_522 = arith.index_cast %add3A_521 : i32 to index
      %get3A_523 = tpu.vector_load %arg8[%get3A_522] {strides = array<i32>} : memref<50176xf32, #tpu.memory_space<vmem>>, vector<16xf32>,
      %min3A_524 = arith.minimumf %min3A_517, %get3A_523 : vector<16xf32>
      %mul3A_525 = arith.constant 16 : i32
      %mul3A_526 = arith.muli %scan3A_465, %mul3A_525 : i32
      %add3A_527 = arith.constant 14112 : i32
      %add3A_528 = arith.addi %add3A_527, %mul3A_526 : i32
      %get3A_529 = arith.index_cast %add3A_528 : i32 to index
      %get3A_530 = tpu.vector_load %arg8[%get3A_529] {strides = array<i32>} : memref<50176xf32, #tpu.memory_space<vmem>>, vector<16xf32>,
      %min3A_531 = arith.minimumf %min3A_524, %get3A_530 : vector<16xf32>
      %mul3A_532 = arith.constant 16 : i32
      %mul3A_533 = arith.muli %scan3A_465, %mul3A_532 : i32
      %add3A_534 = arith.constant 15680 : i32
      %add3A_535 = arith.addi %add3A_534, %mul3A_533 : i32
      %get3A_536 = arith.index_cast %add3A_535 : i32 to index
      %get3A_537 = tpu.vector_load %arg8[%get3A_536] {strides = array<i32>} : memref<50176xf32, #tpu.memory_space<vmem>>, vector<16xf32>,
      %min3A_538 = arith.minimumf %min3A_531, %get3A_537 : vector<16xf32>
      %mul3A_539 = arith.constant 16 : i32
      %mul3A_540 = arith.muli %scan3A_465, %mul3A_539 : i32
      %add3A_541 = arith.constant 17248 : i32
      %add3A_542 = arith.addi %add3A_541, %mul3A_540 : i32
      %get3A_543 = arith.index_cast %add3A_542 : i32 to index
      %get3A_544 = tpu.vector_load %arg8[%get3A_543] {strides = array<i32>} : memref<50176xf32, #tpu.memory_space<vmem>>, vector<16xf32>,
      %min3A_545 = arith.minimumf %min3A_538, %get3A_544 : vector<16xf32>
      %mul3A_546 = arith.constant 16 : i32
      %mul3A_547 = arith.muli %scan3A_465, %mul3A_546 : i32
      %add3A_548 = arith.constant 18816 : i32
      %add3A_549 = arith.addi %add3A_548, %mul3A_547 : i32
      %get3A_550 = arith.index_cast %add3A_549 : i32 to index
      %get3A_551 = tpu.vector_load %arg8[%get3A_550] {strides = array<i32>} : memref<50176xf32, #tpu.memory_space<vmem>>, vector<16xf32>,
      %min3A_552 = arith.minimumf %min3A_545, %get3A_551 : vector<16xf32>
      %mul3A_553 = arith.constant 16 : i32
      %mul3A_554 = arith.muli %scan3A_465, %mul3A_553 : i32
      %add3A_555 = arith.constant 20384 : i32
      %add3A_556 = arith.addi %add3A_555, %mul3A_554 : i32
      %get3A_557 = arith.index_cast %add3A_556 : i32 to index
      %get3A_558 = tpu.vector_load %arg8[%get3A_557] {strides = array<i32>} : memref<50176xf32, #tpu.memory_space<vmem>>, vector<16xf32>,
      %min3A_559 = arith.minimumf %min3A_552, %get3A_558 : vector<16xf32>
      %mul3A_560 = arith.constant 16 : i32
      %mul3A_561 = arith.muli %scan3A_465, %mul3A_560 : i32
      %add3A_562 = arith.constant 21952 : i32
      %add3A_563 = arith.addi %add3A_562, %mul3A_561 : i32
      %get3A_564 = arith.index_cast %add3A_563 : i32 to index
      %get3A_565 = tpu.vector_load %arg8[%get3A_564] {strides = array<i32>} : memref<50176xf32, #tpu.memory_space<vmem>>, vector<16xf32>,
      %min3A_566 = arith.minimumf %min3A_559, %get3A_565 : vector<16xf32>
      %mul3A_567 = arith.constant 16 : i32
      %mul3A_568 = arith.muli %scan3A_465, %mul3A_567 : i32
      %add3A_569 = arith.constant 23520 : i32
      %add3A_570 = arith.addi %add3A_569, %mul3A_568 : i32
      %get3A_571 = arith.index_cast %add3A_570 : i32 to index
      %get3A_572 = tpu.vector_load %arg8[%get3A_571] {strides = array<i32>} : memref<50176xf32, #tpu.memory_space<vmem>>, vector<16xf32>,
      %min3A_573 = arith.minimumf %min3A_566, %get3A_572 : vector<16xf32>
      %mul3A_574 = arith.constant 16 : i32
      %mul3A_575 = arith.muli %scan3A_465, %mul3A_574 : i32
      %add3A_576 = arith.constant 25088 : i32
      %add3A_577 = arith.addi %add3A_576, %mul3A_575 : i32
      %get3A_578 = arith.index_cast %add3A_577 : i32 to index
      %get3A_579 = tpu.vector_load %arg8[%get3A_578] {strides = array<i32>} : memref<50176xf32, #tpu.memory_space<vmem>>, vector<16xf32>,
      %min3A_580 = arith.minimumf %min3A_573, %get3A_579 : vector<16xf32>
      %mul3A_581 = arith.constant 16 : i32
      %mul3A_582 = arith.muli %scan3A_465, %mul3A_581 : i32
      %add3A_583 = arith.constant 26656 : i32
      %add3A_584 = arith.addi %add3A_583, %mul3A_582 : i32
      %get3A_585 = arith.index_cast %add3A_584 : i32 to index
      %get3A_586 = tpu.vector_load %arg8[%get3A_585] {strides = array<i32>} : memref<50176xf32, #tpu.memory_space<vmem>>, vector<16xf32>,
      %min3A_587 = arith.minimumf %min3A_580, %get3A_586 : vector<16xf32>
      %mul3A_588 = arith.constant 16 : i32
      %mul3A_589 = arith.muli %scan3A_465, %mul3A_588 : i32
      %add3A_590 = arith.constant 28224 : i32
      %add3A_591 = arith.addi %add3A_590, %mul3A_589 : i32
      %get3A_592 = arith.index_cast %add3A_591 : i32 to index
      %get3A_593 = tpu.vector_load %arg8[%get3A_592] {strides = array<i32>} : memref<50176xf32, #tpu.memory_space<vmem>>, vector<16xf32>,
      %min3A_594 = arith.minimumf %min3A_587, %get3A_593 : vector<16xf32>
      %mul3A_595 = arith.constant 16 : i32
      %mul3A_596 = arith.muli %scan3A_465, %mul3A_595 : i32
      %add3A_597 = arith.constant 29792 : i32
      %add3A_598 = arith.addi %add3A_597, %mul3A_596 : i32
      %get3A_599 = arith.index_cast %add3A_598 : i32 to index
      %get3A_600 = tpu.vector_load %arg8[%get3A_599] {strides = array<i32>} : memref<50176xf32, #tpu.memory_space<vmem>>, vector<16xf32>,
      %min3A_601 = arith.minimumf %min3A_594, %get3A_600 : vector<16xf32>
      %mul3A_602 = arith.constant 16 : i32
      %mul3A_603 = arith.muli %scan3A_465, %mul3A_602 : i32
      %add3A_604 = arith.constant 31360 : i32
      %add3A_605 = arith.addi %add3A_604, %mul3A_603 : i32
      %get3A_606 = arith.index_cast %add3A_605 : i32 to index
      %get3A_607 = tpu.vector_load %arg8[%get3A_606] {strides = array<i32>} : memref<50176xf32, #tpu.memory_space<vmem>>, vector<16xf32>,
      %min3A_608 = arith.minimumf %min3A_601, %get3A_607 : vector<16xf32>
      %mul3A_609 = arith.constant 16 : i32
      %mul3A_610 = arith.muli %scan3A_465, %mul3A_609 : i32
      %add3A_611 = arith.constant 32928 : i32
      %add3A_612 = arith.addi %add3A_611, %mul3A_610 : i32
      %get3A_613 = arith.index_cast %add3A_612 : i32 to index
      %get3A_614 = tpu.vector_load %arg8[%get3A_613] {strides = array<i32>} : memref<50176xf32, #tpu.memory_space<vmem>>, vector<16xf32>,
      %min3A_615 = arith.minimumf %min3A_608, %get3A_614 : vector<16xf32>
      %mul3A_616 = arith.constant 16 : i32
      %mul3A_617 = arith.muli %scan3A_465, %mul3A_616 : i32
      %add3A_618 = arith.constant 34496 : i32
      %add3A_619 = arith.addi %add3A_618, %mul3A_617 : i32
      %get3A_620 = arith.index_cast %add3A_619 : i32 to index
      %get3A_621 = tpu.vector_load %arg8[%get3A_620] {strides = array<i32>} : memref<50176xf32, #tpu.memory_space<vmem>>, vector<16xf32>,
      %min3A_622 = arith.minimumf %min3A_615, %get3A_621 : vector<16xf32>
      %mul3A_623 = arith.constant 16 : i32
      %mul3A_624 = arith.muli %scan3A_465, %mul3A_623 : i32
      %add3A_625 = arith.constant 36064 : i32
      %add3A_626 = arith.addi %add3A_625, %mul3A_624 : i32
      %get3A_627 = arith.index_cast %add3A_626 : i32 to index
      %get3A_628 = tpu.vector_load %arg8[%get3A_627] {strides = array<i32>} : memref<50176xf32, #tpu.memory_space<vmem>>, vector<16xf32>,
      %min3A_629 = arith.minimumf %min3A_622, %get3A_628 : vector<16xf32>
      %mul3A_630 = arith.constant 16 : i32
      %mul3A_631 = arith.muli %scan3A_465, %mul3A_630 : i32
      %add3A_632 = arith.constant 37632 : i32
      %add3A_633 = arith.addi %add3A_632, %mul3A_631 : i32
      %get3A_634 = arith.index_cast %add3A_633 : i32 to index
      %get3A_635 = tpu.vector_load %arg8[%get3A_634] {strides = array<i32>} : memref<50176xf32, #tpu.memory_space<vmem>>, vector<16xf32>,
      %min3A_636 = arith.minimumf %min3A_629, %get3A_635 : vector<16xf32>
      %mul3A_637 = arith.constant 16 : i32
      %mul3A_638 = arith.muli %scan3A_465, %mul3A_637 : i32
      %add3A_639 = arith.constant 39200 : i32
      %add3A_640 = arith.addi %add3A_639, %mul3A_638 : i32
      %get3A_641 = arith.index_cast %add3A_640 : i32 to index
      %get3A_642 = tpu.vector_load %arg8[%get3A_641] {strides = array<i32>} : memref<50176xf32, #tpu.memory_space<vmem>>, vector<16xf32>,
      %min3A_643 = arith.minimumf %min3A_636, %get3A_642 : vector<16xf32>
      %mul3A_644 = arith.constant 16 : i32
      %mul3A_645 = arith.muli %scan3A_465, %mul3A_644 : i32
      %add3A_646 = arith.constant 40768 : i32
      %add3A_647 = arith.addi %add3A_646, %mul3A_645 : i32
      %get3A_648 = arith.index_cast %add3A_647 : i32 to index
      %get3A_649 = tpu.vector_load %arg8[%get3A_648] {strides = array<i32>} : memref<50176xf32, #tpu.memory_space<vmem>>, vector<16xf32>,
      %min3A_650 = arith.minimumf %min3A_643, %get3A_649 : vector<16xf32>
      %mul3A_651 = arith.constant 16 : i32
      %mul3A_652 = arith.muli %scan3A_465, %mul3A_651 : i32
      %add3A_653 = arith.constant 42336 : i32
      %add3A_654 = arith.addi %add3A_653, %mul3A_652 : i32
      %get3A_655 = arith.index_cast %add3A_654 : i32 to index
      %get3A_656 = tpu.vector_load %arg8[%get3A_655] {strides = array<i32>} : memref<50176xf32, #tpu.memory_space<vmem>>, vector<16xf32>,
      %min3A_657 = arith.minimumf %min3A_650, %get3A_656 : vector<16xf32>
      %mul3A_658 = arith.constant 16 : i32
      %mul3A_659 = arith.muli %scan3A_465, %mul3A_658 : i32
      %add3A_660 = arith.constant 43904 : i32
      %add3A_661 = arith.addi %add3A_660, %mul3A_659 : i32
      %get3A_662 = arith.index_cast %add3A_661 : i32 to index
      %get3A_663 = tpu.vector_load %arg8[%get3A_662] {strides = array<i32>} : memref<50176xf32, #tpu.memory_space<vmem>>, vector<16xf32>,
      %min3A_664 = arith.minimumf %min3A_657, %get3A_663 : vector<16xf32>
      %mul3A_665 = arith.constant 16 : i32
      %mul3A_666 = arith.muli %scan3A_465, %mul3A_665 : i32
      %add3A_667 = arith.constant 45472 : i32
      %add3A_668 = arith.addi %add3A_667, %mul3A_666 : i32
      %get3A_669 = arith.index_cast %add3A_668 : i32 to index
      %get3A_670 = tpu.vector_load %arg8[%get3A_669] {strides = array<i32>} : memref<50176xf32, #tpu.memory_space<vmem>>, vector<16xf32>,
      %min3A_671 = arith.minimumf %min3A_664, %get3A_670 : vector<16xf32>
      %mul3A_672 = arith.constant 16 : i32
      %mul3A_673 = arith.muli %scan3A_465, %mul3A_672 : i32
      %add3A_674 = arith.constant 47040 : i32
      %add3A_675 = arith.addi %add3A_674, %mul3A_673 : i32
      %get3A_676 = arith.index_cast %add3A_675 : i32 to index
      %get3A_677 = tpu.vector_load %arg8[%get3A_676] {strides = array<i32>} : memref<50176xf32, #tpu.memory_space<vmem>>, vector<16xf32>,
      %min3A_678 = arith.minimumf %min3A_671, %get3A_677 : vector<16xf32>
      %mul3A_679 = arith.constant 16 : i32
      %mul3A_680 = arith.muli %scan3A_465, %mul3A_679 : i32
      %add3A_681 = arith.constant 48608 : i32
      %add3A_682 = arith.addi %add3A_681, %mul3A_680 : i32
      %get3A_683 = arith.index_cast %add3A_682 : i32 to index
      %get3A_684 = tpu.vector_load %arg8[%get3A_683] {strides = array<i32>} : memref<50176xf32, #tpu.memory_space<vmem>>, vector<16xf32>,
      %min3A_685 = arith.minimumf %min3A_678, %get3A_684 : vector<16xf32>
      %min3A_686 = arith.constant 1.000000e+04 : f32
      %min3A_687 = vector.broadcast %min3A_686 : f32 to vector<16xf32>
      %min3A_688 = arith.minimumf %min3A_685, %min3A_687 : vector<16xf32>
      %mul3A_689 = arith.mulf %get3A_453, %min3A_688 : vector<16xf32>
      %exp3A = math.exp %mul3A_689 : vector<16xf32>
      %get3A_690 = arith.index_cast %mul3A_467 : i32 to index
      %get3A_691 = tpu.vector_load %arg9[%get3A_690] {strides = array<i32>} : memref<1568xf32, #tpu.memory_space<vmem>>, vector<16xf32>,
      %mul3A_692 = arith.mulf %exp3A, %get3A_691 : vector<16xf32>
      %ge3A = arith.constant 5.000000e-01 : f32
      %ge3A_693 = vector.broadcast %ge3A : f32 to vector<16xf32>
      %ge3A_694 = arith.cmpf oge, %mul3A_692, %ge3A_693 : vector<16xf32>
      %jit3A = arith.constant 1.000000e+00 : f32
      %jit3A_695 = arith.constant 0.000000e+00 : f32
      %broadcast_in_dim3A = vector.broadcast %jit3A : f32 to vector<16xf32>
      %broadcast_in_dim3A_696 = vector.broadcast %jit3A_695 : f32 to vector<16xf32>
      %select_n3A = arith.select %ge3A_694, %broadcast_in_dim3A, %broadcast_in_dim3A_696 : vector<16xi1>, vector<16xf32>
      %swap3A = arith.index_cast %mul3A_467 : i32 to index
      %swap3A_697 = tpu.vector_load %arg10[%swap3A] {strides = array<i32>} : memref<1568xf32, #tpu.memory_space<vmem>>, vector<16xf32>,
      tpu.vector_store %arg10[%swap3A], %exp3A {strides = array<i32>} : memref<1568xf32, #tpu.memory_space<vmem>>, vector<16xf32>,
      %swap3A_698 = arith.index_cast %mul3A_467 : i32 to index
      %swap3A_699 = tpu.vector_load %arg11[%swap3A_698] {strides = array<i32>} : memref<1568xf32, #tpu.memory_space<vmem>>, vector<16xf32>,
      tpu.vector_store %arg11[%swap3A_698], %mul3A_692 {strides = array<i32>} : memref<1568xf32, #tpu.memory_space<vmem>>, vector<16xf32>,
      %sub3A = arith.subf %select_n3A, %mul3A_692 : vector<16xf32>
      %add3A_700 = arith.addf %sub3A, %mul3A_692 : vector<16xf32>
      %swap3A_701 = arith.index_cast %mul3A_467 : i32 to index
      %swap3A_702 = tpu.vector_load %arg12[%swap3A_701] {strides = array<i32>} : memref<1568xf32, #tpu.memory_space<vmem>>, vector<16xf32>,
      tpu.vector_store %arg12[%swap3A_701], %add3A_700 {strides = array<i32>} : memref<1568xf32, #tpu.memory_space<vmem>>, vector<16xf32>,
    }
    %scan3A_458 = arith.constant 98 : i32
    %lt3A = arith.constant 31 : i32
    %lt3A_459 = arith.cmpi slt, %add3A, %lt3A : i32
    %convert_element_type3A = arith.extui %lt3A_459 : i1 to i32
    %cond3A = arith.constant 0 : i32
    %cond3A_460 = arith.cmpi ne, %convert_element_type3A, %cond3A : i32
    scf.if %cond3A_460 {
      "tpu.region"() ({
        %run_scoped3A = tpu.sem_alloc : memref<!tpu.dma_semaphore, #tpu.memory_space<semaphore_mem>>
        %dma_start3A_465 = tpu.memref_slice %arg5[%mul3A_2] : memref<50000xf32, #tpu.memory_space<hbm>> -> memref<1568xf32, #tpu.memory_space<hbm>>
        %dma_start3A_466 = tpu.memref_slice %arg5[%mul3A_2] : memref<50000xf32, #tpu.memory_space<hbm>> -> memref<1568xf32, #tpu.memory_space<hbm>>
        tpu.enqueue_dma source(%arg10 : memref<1568xf32, #tpu.memory_space<vmem>>) target(%dma_start3A_466 : memref<1568xf32, #tpu.memory_space<hbm>>) target_semaphore(%run_scoped3A : memref<!tpu.dma_semaphore, #tpu.memory_space<semaphore_mem>>)
        %dma_wait3A_467 = tpu.memref_slice %arg5[%mul3A_2] : memref<50000xf32, #tpu.memory_space<hbm>> -> memref<1568xf32, #tpu.memory_space<hbm>>
        %dma_wait3A_468 = tpu.memref_slice %arg5[%mul3A_2] : memref<50000xf32, #tpu.memory_space<hbm>> -> memref<1568xf32, #tpu.memory_space<hbm>>
        tpu.wait_dma2 semaphore(%run_scoped3A : memref<!tpu.dma_semaphore, #tpu.memory_space<semaphore_mem>>) src(%arg10 : memref<1568xf32, #tpu.memory_space<vmem>>) dst(%dma_wait3A_468 : memref<1568xf32, #tpu.memory_space<hbm>>)
        tpu.yield
      }) : () -> ()
      "tpu.region"() ({
        %run_scoped3A = tpu.sem_alloc : memref<!tpu.dma_semaphore, #tpu.memory_space<semaphore_mem>>
        %dma_start3A_465 = tpu.memref_slice %arg6[%mul3A_2] : memref<50000xf32, #tpu.memory_space<hbm>> -> memref<1568xf32, #tpu.memory_space<hbm>>
        %dma_start3A_466 = tpu.memref_slice %arg6[%mul3A_2] : memref<50000xf32, #tpu.memory_space<hbm>> -> memref<1568xf32, #tpu.memory_space<hbm>>
        tpu.enqueue_dma source(%arg11 : memref<1568xf32, #tpu.memory_space<vmem>>) target(%dma_start3A_466 : memref<1568xf32, #tpu.memory_space<hbm>>) target_semaphore(%run_scoped3A : memref<!tpu.dma_semaphore, #tpu.memory_space<semaphore_mem>>)
        %dma_wait3A_467 = tpu.memref_slice %arg6[%mul3A_2] : memref<50000xf32, #tpu.memory_space<hbm>> -> memref<1568xf32, #tpu.memory_space<hbm>>
        %dma_wait3A_468 = tpu.memref_slice %arg6[%mul3A_2] : memref<50000xf32, #tpu.memory_space<hbm>> -> memref<1568xf32, #tpu.memory_space<hbm>>
        tpu.wait_dma2 semaphore(%run_scoped3A : memref<!tpu.dma_semaphore, #tpu.memory_space<semaphore_mem>>) src(%arg11 : memref<1568xf32, #tpu.memory_space<vmem>>) dst(%dma_wait3A_468 : memref<1568xf32, #tpu.memory_space<hbm>>)
        tpu.yield
      }) : () -> ()
      "tpu.region"() ({
        %run_scoped3A = tpu.sem_alloc : memref<!tpu.dma_semaphore, #tpu.memory_space<semaphore_mem>>
        %dma_start3A_465 = tpu.memref_slice %arg7[%mul3A_2] : memref<50000xf32, #tpu.memory_space<hbm>> -> memref<1568xf32, #tpu.memory_space<hbm>>
        %dma_start3A_466 = tpu.memref_slice %arg7[%mul3A_2] : memref<50000xf32, #tpu.memory_space<hbm>> -> memref<1568xf32, #tpu.memory_space<hbm>>
        tpu.enqueue_dma source(%arg12 : memref<1568xf32, #tpu.memory_space<vmem>>) target(%dma_start3A_466 : memref<1568xf32, #tpu.memory_space<hbm>>) target_semaphore(%run_scoped3A : memref<!tpu.dma_semaphore, #tpu.memory_space<semaphore_mem>>)
        %dma_wait3A_467 = tpu.memref_slice %arg7[%mul3A_2] : memref<50000xf32, #tpu.memory_space<hbm>> -> memref<1568xf32, #tpu.memory_space<hbm>>
        %dma_wait3A_468 = tpu.memref_slice %arg7[%mul3A_2] : memref<50000xf32, #tpu.memory_space<hbm>> -> memref<1568xf32, #tpu.memory_space<hbm>>
        tpu.wait_dma2 semaphore(%run_scoped3A : memref<!tpu.dma_semaphore, #tpu.memory_space<semaphore_mem>>) src(%arg12 : memref<1568xf32, #tpu.memory_space<vmem>>) dst(%dma_wait3A_468 : memref<1568xf32, #tpu.memory_space<hbm>>)
        tpu.yield
      }) : () -> ()
    } else {
    }
    %eq3A = arith.constant 31 : i32
    %eq3A_461 = arith.cmpi eq, %add3A, %eq3A : i32
    %convert_element_type3A_462 = arith.extui %eq3A_461 : i1 to i32
    %cond3A_463 = arith.constant 0 : i32
    %cond3A_464 = arith.cmpi ne, %convert_element_type3A_462, %cond3A_463 : i32
    scf.if %cond3A_464 {
      "tpu.region"() ({
        %run_scoped3A = tpu.sem_alloc : memref<!tpu.dma_semaphore, #tpu.memory_space<semaphore_mem>>
        %dma_start3A_465 = arith.constant 0 : i32
        %dma_start3A_466 = tpu.memref_slice %arg10[%dma_start3A_465] : memref<1568xf32, #tpu.memory_space<vmem>> -> memref<1392xf32, #tpu.memory_space<vmem>>
        %dma_start3A_467 = tpu.memref_slice %arg5[%mul3A_2] : memref<50000xf32, #tpu.memory_space<hbm>> -> memref<1392xf32, #tpu.memory_space<hbm>>
        %dma_start3A_468 = tpu.memref_slice %arg5[%mul3A_2] : memref<50000xf32, #tpu.memory_space<hbm>> -> memref<1392xf32, #tpu.memory_space<hbm>>
        %dma_start3A_469 = arith.constant 0 : i32
        %dma_start3A_470 = tpu.memref_slice %arg10[%dma_start3A_469] : memref<1568xf32, #tpu.memory_space<vmem>> -> memref<1392xf32, #tpu.memory_space<vmem>>
        tpu.enqueue_dma source(%dma_start3A_470 : memref<1392xf32, #tpu.memory_space<vmem>>) target(%dma_start3A_468 : memref<1392xf32, #tpu.memory_space<hbm>>) target_semaphore(%run_scoped3A : memref<!tpu.dma_semaphore, #tpu.memory_space<semaphore_mem>>)
        %dma_wait3A_471 = arith.constant 0 : i32
        %dma_wait3A_472 = tpu.memref_slice %arg10[%dma_wait3A_471] : memref<1568xf32, #tpu.memory_space<vmem>> -> memref<1392xf32, #tpu.memory_space<vmem>>
        %dma_wait3A_473 = tpu.memref_slice %arg5[%mul3A_2] : memref<50000xf32, #tpu.memory_space<hbm>> -> memref<1392xf32, #tpu.memory_space<hbm>>
        %dma_wait3A_474 = tpu.memref_slice %arg5[%mul3A_2] : memref<50000xf32, #tpu.memory_space<hbm>> -> memref<1392xf32, #tpu.memory_space<hbm>>
        %dma_wait3A_475 = arith.constant 0 : i32
        %dma_wait3A_476 = tpu.memref_slice %arg10[%dma_wait3A_475] : memref<1568xf32, #tpu.memory_space<vmem>> -> memref<1392xf32, #tpu.memory_space<vmem>>
        tpu.wait_dma2 semaphore(%run_scoped3A : memref<!tpu.dma_semaphore, #tpu.memory_space<semaphore_mem>>) src(%dma_wait3A_476 : memref<1392xf32, #tpu.memory_space<vmem>>) dst(%dma_wait3A_474 : memref<1392xf32, #tpu.memory_space<hbm>>)
        tpu.yield
      }) : () -> ()
      "tpu.region"() ({
        %run_scoped3A = tpu.sem_alloc : memref<!tpu.dma_semaphore, #tpu.memory_space<semaphore_mem>>
        %dma_start3A_465 = arith.constant 0 : i32
        %dma_start3A_466 = tpu.memref_slice %arg11[%dma_start3A_465] : memref<1568xf32, #tpu.memory_space<vmem>> -> memref<1392xf32, #tpu.memory_space<vmem>>
        %dma_start3A_467 = tpu.memref_slice %arg6[%mul3A_2] : memref<50000xf32, #tpu.memory_space<hbm>> -> memref<1392xf32, #tpu.memory_space<hbm>>
        %dma_start3A_468 = tpu.memref_slice %arg6[%mul3A_2] : memref<50000xf32, #tpu.memory_space<hbm>> -> memref<1392xf32, #tpu.memory_space<hbm>>
        %dma_start3A_469 = arith.constant 0 : i32
        %dma_start3A_470 = tpu.memref_slice %arg11[%dma_start3A_469] : memref<1568xf32, #tpu.memory_space<vmem>> -> memref<1392xf32, #tpu.memory_space<vmem>>
        tpu.enqueue_dma source(%dma_start3A_470 : memref<1392xf32, #tpu.memory_space<vmem>>) target(%dma_start3A_468 : memref<1392xf32, #tpu.memory_space<hbm>>) target_semaphore(%run_scoped3A : memref<!tpu.dma_semaphore, #tpu.memory_space<semaphore_mem>>)
        %dma_wait3A_471 = arith.constant 0 : i32
        %dma_wait3A_472 = tpu.memref_slice %arg11[%dma_wait3A_471] : memref<1568xf32, #tpu.memory_space<vmem>> -> memref<1392xf32, #tpu.memory_space<vmem>>
        %dma_wait3A_473 = tpu.memref_slice %arg6[%mul3A_2] : memref<50000xf32, #tpu.memory_space<hbm>> -> memref<1392xf32, #tpu.memory_space<hbm>>
        %dma_wait3A_474 = tpu.memref_slice %arg6[%mul3A_2] : memref<50000xf32, #tpu.memory_space<hbm>> -> memref<1392xf32, #tpu.memory_space<hbm>>
        %dma_wait3A_475 = arith.constant 0 : i32
        %dma_wait3A_476 = tpu.memref_slice %arg11[%dma_wait3A_475] : memref<1568xf32, #tpu.memory_space<vmem>> -> memref<1392xf32, #tpu.memory_space<vmem>>
        tpu.wait_dma2 semaphore(%run_scoped3A : memref<!tpu.dma_semaphore, #tpu.memory_space<semaphore_mem>>) src(%dma_wait3A_476 : memref<1392xf32, #tpu.memory_space<vmem>>) dst(%dma_wait3A_474 : memref<1392xf32, #tpu.memory_space<hbm>>)
        tpu.yield
      }) : () -> ()
      "tpu.region"() ({
        %run_scoped3A = tpu.sem_alloc : memref<!tpu.dma_semaphore, #tpu.memory_space<semaphore_mem>>
        %dma_start3A_465 = arith.constant 0 : i32
        %dma_start3A_466 = tpu.memref_slice %arg12[%dma_start3A_465] : memref<1568xf32, #tpu.memory_space<vmem>> -> memref<1392xf32, #tpu.memory_space<vmem>>
        %dma_start3A_467 = tpu.memref_slice %arg7[%mul3A_2] : memref<50000xf32, #tpu.memory_space<hbm>> -> memref<1392xf32, #tpu.memory_space<hbm>>
        %dma_start3A_468 = tpu.memref_slice %arg7[%mul3A_2] : memref<50000xf32, #tpu.memory_space<hbm>> -> memref<1392xf32, #tpu.memory_space<hbm>>
        %dma_start3A_469 = arith.constant 0 : i32
        %dma_start3A_470 = tpu.memref_slice %arg12[%dma_start3A_469] : memref<1568xf32, #tpu.memory_space<vmem>> -> memref<1392xf32, #tpu.memory_space<vmem>>
        tpu.enqueue_dma source(%dma_start3A_470 : memref<1392xf32, #tpu.memory_space<vmem>>) target(%dma_start3A_468 : memref<1392xf32, #tpu.memory_space<hbm>>) target_semaphore(%run_scoped3A : memref<!tpu.dma_semaphore, #tpu.memory_space<semaphore_mem>>)
        %dma_wait3A_471 = arith.constant 0 : i32
        %dma_wait3A_472 = tpu.memref_slice %arg12[%dma_wait3A_471] : memref<1568xf32, #tpu.memory_space<vmem>> -> memref<1392xf32, #tpu.memory_space<vmem>>
        %dma_wait3A_473 = tpu.memref_slice %arg7[%mul3A_2] : memref<50000xf32, #tpu.memory_space<hbm>> -> memref<1392xf32, #tpu.memory_space<hbm>>
        %dma_wait3A_474 = tpu.memref_slice %arg7[%mul3A_2] : memref<50000xf32, #tpu.memory_space<hbm>> -> memref<1392xf32, #tpu.memory_space<hbm>>
        %dma_wait3A_475 = arith.constant 0 : i32
        %dma_wait3A_476 = tpu.memref_slice %arg12[%dma_wait3A_475] : memref<1568xf32, #tpu.memory_space<vmem>> -> memref<1392xf32, #tpu.memory_space<vmem>>
        tpu.wait_dma2 semaphore(%run_scoped3A : memref<!tpu.dma_semaphore, #tpu.memory_space<semaphore_mem>>) src(%dma_wait3A_476 : memref<1392xf32, #tpu.memory_space<vmem>>) dst(%dma_wait3A_474 : memref<1392xf32, #tpu.memory_space<hbm>>)
        tpu.yield
      }) : () -> ()
    } else {
    }
    return
  }
}

module attributes {stable_mosaic.version = 14 : i64} {
  func.func @_mlp_body(%arg0: i32, %arg1: memref<1024x256xf32, #tpu.memory_space<vmem>>, %arg2: memref<1024x256xf32, #tpu.memory_space<vmem>>, %arg3: memref<512x256xf32, #tpu.memory_space<vmem>>, %arg4: memref<1x256xf32, #tpu.memory_space<vmem>>, %arg5: memref<256x1xf32, #tpu.memory_space<vmem>>, %arg6: memref<1x1xf32, #tpu.memory_space<vmem>>, %arg7: memref<1x1x1024xf32, #tpu.memory_space<vmem>>) attributes {dimension_semantics = [#tpu.dimension_semantics<arbitrary>], iteration_bounds = array<i64: 49>, scalar_prefetch = 0 : i64, scratch_operands = 0 : i64, tpu.core_type = #tpu.core_type<tc>, window_params = [{transform_indices = @transform_0, window_bounds = array<i64: 1024, 256>}, {transform_indices = @transform_1, window_bounds = array<i64: 1024, 256>}, {pipeline_mode = #tpu.pipeline_mode<synchronous>, transform_indices = @transform_2, window_bounds = array<i64: 512, 256>}, {pipeline_mode = #tpu.pipeline_mode<synchronous>, transform_indices = @transform_3, window_bounds = array<i64: 1, 256>}, {pipeline_mode = #tpu.pipeline_mode<synchronous>, transform_indices = @transform_4, window_bounds = array<i64: 256, 1>}, {pipeline_mode = #tpu.pipeline_mode<synchronous>, transform_indices = @transform_5, window_bounds = array<i64: 1, 1>}, {transform_indices = @transform_6, window_bounds = array<i64: 1, 1, 1024>}]} {
    %get3A = arith.constant 0 : index
    %get3A_0 = arith.constant 0 : index
    %get3A_1 = vector.load %arg1[%get3A, %get3A_0] : memref<1024x256xf32, #tpu.memory_space<vmem>>, vector<1024x256xf32>
    %get3A_2 = arith.constant 0 : index
    %get3A_3 = arith.constant 0 : index
    %get3A_4 = vector.load %arg2[%get3A_2, %get3A_3] : memref<1024x256xf32, #tpu.memory_space<vmem>>, vector<1024x256xf32>
    %concatenate3A = tpu.concatenate %get3A_1, %get3A_4 in 1 : vector<1024x256xf32>, vector<1024x256xf32> -> vector<1024x512xf32>
    %get3A_5 = arith.constant 0 : index
    %get3A_6 = arith.constant 0 : index
    %get3A_7 = vector.load %arg3[%get3A_5, %get3A_6] : memref<512x256xf32, #tpu.memory_space<vmem>>, vector<512x256xf32>
    %dot_general3A = arith.constant dense<0.000000e+00> : vector<1024x256xf32>
    %dot_general3A_8 = tpu.matmul %concatenate3A, %get3A_7, %dot_general3A {dimension_numbers = #tpu.dot_dimension_numbers<[1], [0], [0], [1], [0, 0, 1, 1], [], []>, transpose_lhs_hint = false} : vector<1024x512xf32>, vector<512x256xf32>, vector<1024x256xf32> -> vector<1024x256xf32>
    %get3A_9 = arith.constant 0 : index
    %get3A_10 = arith.constant 0 : index
    %get3A_11 = vector.load %arg4[%get3A_9, %get3A_10] : memref<1x256xf32, #tpu.memory_space<vmem>>, vector<1x256xf32>
    %add3A = vector.broadcast %get3A_11 : vector<1x256xf32> to vector<1024x256xf32>
    %add3A_12 = arith.addf %dot_general3A_8, %add3A : vector<1024x256xf32>
    %gt3A = arith.constant 0.000000e+00 : f32
    %gt3A_13 = vector.broadcast %gt3A : f32 to vector<1024x256xf32>
    %gt3A_14 = arith.cmpf ogt, %add3A_12, %gt3A_13 : vector<1024x256xf32>
    %exp3A = math.exp %add3A_12 : vector<1024x256xf32>
    %sub3A = arith.constant 1.000000e+00 : f32
    %sub3A_15 = vector.broadcast %sub3A : f32 to vector<1024x256xf32>
    %sub3A_16 = arith.subf %exp3A, %sub3A_15 : vector<1024x256xf32>
    %select_n3A = arith.select %gt3A_14, %add3A_12, %sub3A_16 : vector<1024x256xi1>, vector<1024x256xf32>
    %get3A_17 = arith.constant 0 : index
    %get3A_18 = arith.constant 0 : index
    %get3A_19 = vector.load %arg5[%get3A_17, %get3A_18] : memref<256x1xf32, #tpu.memory_space<vmem>>, vector<256x1xf32>
    %dot_general3A_20 = arith.constant dense<0.000000e+00> : vector<1024x1xf32>
    %dot_general3A_21 = tpu.matmul %select_n3A, %get3A_19, %dot_general3A_20 {dimension_numbers = #tpu.dot_dimension_numbers<[1], [0], [0], [1], [0, 0, 1, 1], [], []>, transpose_lhs_hint = false} : vector<1024x256xf32>, vector<256x1xf32>, vector<1024x1xf32> -> vector<1024x1xf32>
    %get3A_22 = arith.constant 0 : index
    %get3A_23 = arith.constant 0 : index
    %get3A_24 = vector.load %arg6[%get3A_22, %get3A_23] : memref<1x1xf32, #tpu.memory_space<vmem>>, vector<1x1xf32>
    %add3A_25 = vector.broadcast %get3A_24 : vector<1x1xf32> to vector<1024x1xf32>
    %add3A_26 = arith.addf %dot_general3A_21, %add3A_25 : vector<1024x1xf32>
    %neg3A = arith.constant 0.000000e+00 : f32
    %neg3A_27 = vector.broadcast %neg3A : f32 to vector<1024x1xf32>
    %neg3A_28 = arith.subf %neg3A_27, %add3A_26 : vector<1024x1xf32>
    %exp3A_29 = math.exp %neg3A_28 : vector<1024x1xf32>
    %add3A_30 = arith.constant 1.000000e+00 : f32
    %add3A_31 = vector.broadcast %add3A_30 : f32 to vector<1024x1xf32>
    %add3A_32 = arith.addf %add3A_31, %exp3A_29 : vector<1024x1xf32>
    %div3A = arith.constant 1.000000e+00 : f32
    %div3A_33 = vector.broadcast %div3A : f32 to vector<1024x1xf32>
    %div3A_34 = arith.divf %div3A_33, %add3A_32 : vector<1024x1xf32>
    %transpose3A = tpu.transpose %div3A_34, [1, 0] : vector<1024x1xf32> -> vector<1x1024xf32>
    %reshape3A = vector.shape_cast %transpose3A : vector<1x1024xf32> to vector<1x1x1024xf32>
    %swap3A = arith.constant 0 : index
    %swap3A_35 = arith.constant 0 : index
    %swap3A_36 = arith.constant 0 : index
    %swap3A_37 = vector.load %arg7[%swap3A, %swap3A_35, %swap3A_36] : memref<1x1x1024xf32, #tpu.memory_space<vmem>>, vector<1x1x1024xf32>
    tpu.vector_store %arg7[%swap3A, %swap3A_35, %swap3A_36], %reshape3A {strides = array<i32>} : memref<1x1x1024xf32, #tpu.memory_space<vmem>>, vector<1x1x1024xf32>,
    return
  }
  func.func @transform_0(%arg0: i32) -> (i32, i32) {
    %c0_i32 = arith.constant 0 : i32
    %c0_i32_0 = arith.constant 0 : i32
    return %arg0, %c0_i32 : i32, i32
  }
  func.func @transform_1(%arg0: i32) -> (i32, i32) {
    %c0_i32 = arith.constant 0 : i32
    %c0_i32_0 = arith.constant 0 : i32
    return %arg0, %c0_i32 : i32, i32
  }
  func.func @transform_2(%arg0: i32) -> (i32, i32) {
    %c0_i32 = arith.constant 0 : i32
    %c0_i32_0 = arith.constant 0 : i32
    %c0_i32_1 = arith.constant 0 : i32
    return %c0_i32, %c0_i32_0 : i32, i32
  }
  func.func @transform_3(%arg0: i32) -> (i32, i32) {
    %c0_i32 = arith.constant 0 : i32
    %c0_i32_0 = arith.constant 0 : i32
    %c0_i32_1 = arith.constant 0 : i32
    return %c0_i32, %c0_i32_0 : i32, i32
  }
  func.func @transform_4(%arg0: i32) -> (i32, i32) {
    %c0_i32 = arith.constant 0 : i32
    %c0_i32_0 = arith.constant 0 : i32
    %c0_i32_1 = arith.constant 0 : i32
    return %c0_i32, %c0_i32_0 : i32, i32
  }
  func.func @transform_5(%arg0: i32) -> (i32, i32) {
    %c0_i32 = arith.constant 0 : i32
    %c0_i32_0 = arith.constant 0 : i32
    %c0_i32_1 = arith.constant 0 : i32
    return %c0_i32, %c0_i32_0 : i32, i32
  }
  func.func @transform_6(%arg0: i32) -> (i32, i32, i32) {
    %c0_i32 = arith.constant 0 : i32
    %c0_i32_0 = arith.constant 0 : i32
    %c0_i32_1 = arith.constant 0 : i32
    return %arg0, %c0_i32, %c0_i32_0 : i32, i32, i32
  }
}

</mosaic_0001>

<sc_bundles>
// kernel: kernel.5.cloned.1.call-start
scs
__scs_entry_jumppad:
0x0: {  	(pc) =	sbr.rel $0x88, $3  }
0x1: {  	(tag) =	ssettag $0x0;
	lr =	simm.s32 $0x1  }
0x2: {  	[smem:$0x3F98] =	sst lr;
	_ =	strace $0xD0000000  }
0x3: {  	_ = 	snop  }
0x4: {  	_ = 	snop  }
0x5: {  	_ = 	snop  }
0x6: {  	_ = 	snop  }
0x7: {  	_ = 	snop  }
__scs_overlays_trampoline_lowered:
0x8: {  	[smem:$0x3FA7] =	sst s0  }
0x9: {  	[smem:$0x3FA8] =	sst s1  }
0xa: {  	[smem:$0x3FA9] =	sst s2  }
0xb: {  	[smem:$0x3FAA] =	sst s3  }
0xc: {  	[smem:$0x3FAB] =	sst s4  }
0xd: {  	[smem:$0x3FAC] =	sst s5  }
0xe: {  	[smem:$0x3FAD] =	sst s6  }
0xf: {  	[smem:$0x3FAE] =	sst s7  }
0x10: {  	[smem:$0x3FAF] =	sst s8  }
0x11: {  	[smem:$0x3FB0] =	sst s9;
	s0 =	simm.s32 @!p0 $0x0  }
0x12: {  	s1 =	sld [smem:$0x3F96];
	s0 =	simm.s32 @p0 $0x1  }
0x13: {  	[smem:$0x3FB1] =	sst s0;
	s0 =	simm.s32 @!p1 $0x0  }
0x14: {  	s2 =	sld [smem:$0x3F95];
	s0 =	simm.s32 @p1 $0x1  }
0x15: {  	[smem:$0x3FB2] =	sst s0;
	s0 =	simm.s32 @!p2 $0x0  }
0x16: {  	s3 =	sld [smem:$0x3FDB];
	s0 =	simm.s32 @p2 $0x1  }
0x17: {  	s4 =	simm.s32 $0x1BF5;
	[smem:$0x3FB4] =	sst s0  }
0x18: {  	s0 =	sld [smem:$0x3F97];
	_ =	swait.ge [sflag:s4], $0x0  }
0x19: {  	s7 =	sld [smem:$0x3F98]  }
0x1a: {  	s8 =	sadd.s32 $0xFFFFE003, lr  }
0x1b: {  	s9 =	sadd.s32 $0xFFFFFEF7, lr;
	s5 =	simm.s32 $0xFFFFFFFF;
	p2 =	slt.u32 s8, $0xFFFFF086  }
0x1c: {  	p1 =	slt.u32 s9, $0xF7A;
	s5 =	simm.s32 @!p2 $0x0  }
0x1d: {  	s5 =	simm.s32 @p1 $0x1;
	p0 =	seq.s32 s7, s2  }
0x1e: {  	s7 =	smul.u32 @!p0 $0xF7A, s2;
	p2 =	seq.s32 @!p0 s5, $0x0  }
0x1f: {  	s9 =	smul.u32 $0xF7A, s1;
	s8 =	simm.s32 @!p0 $0x1BF5;
	p2 =	por !p2, p0  }
0x20: {  	[sflag:s8] =	ssyncset.s32 @!p0 $0xFFFFF086;
	s6 =	sadd.s32 @!p0 s3, s7;
	s7 =	simm.s32 @!p0 $0x108  }
0x21: {  	s3 =	sadd.s32 s3, s9;
	s6 =	sadd.s32 @!p0 $0x88, s6;
	s7 =	simm.s32 @p2 $0x1082  }
0x22: {  	[simem:s7], [sflag:s8] =	dma.local @!p0 [hbm:s6], $0xF7A  }
0x23: {  	s9 =	sor.u32 $0xD0000000, s2;
	s6 =	simm.s32 $0x108;
	_ =	swait.ge @!p0 [sflag:s8], $0x0  }
0x24: {  	s3 =	sadd.s32 $0x88, s3;
	s6 =	simm.s32 @!p1 $0x1082;
	[sflag:s4] =	ssyncset.s32 $0xFFFFF086  }
0x25: {  	[simem:s6], [sflag:s4] =	dma.local [hbm:s3], $0xF7A  }
0x26: {  	[smem:$0x3F98] =	sst s1;
	(tag) =	ssettag s2;
	_ =	strace s9  }
0x27: {  	s1 =	sld [smem:$0x3FA8]  }
0x28: {  	s2 =	sld [smem:$0x3FA9]  }
0x29: {  	s4 =	sld [smem:$0x3FAB]  }
0x2a: {  	p0 =	seq.s32 s5, $0x0;
	s5 =	sld [smem:$0x3FAC]  }
0x2b: {  	s6 =	sld [smem:$0x3FAD]  }
0x2c: {  	s7 =	sld [smem:$0x3FAE]  }
0x2d: {  	s3 =	simm.s32 $0x108;
	s8 =	sld [smem:$0x3FAF]  }
0x2e: {  	s3 =	simm.s32 @!p0 $0x1082;
	s9 =	sld [smem:$0x3FB0]  }
0x2f: {  	lr =	sadd.s32 s0, s3;
	s0 =	sld [smem:$0x3FA7]  }
0x30: {  	s3 =	sld [smem:$0x3FAA]  }
0x31: {  	[smem:$0x3FB3] =	sst s10  }
0x32: {  	s10 =	sld [smem:$0x3FB1];
	_ =	sdelay $0x3  }
0x33: {  	p0 =	seq.s32 s10, $0x1;
	s10 =	sld [smem:$0x3FB3];
	_ =	sdelay $0x3  }
0x34: {  	[smem:$0x3FB3] =	sst s10  }
0x35: {  	s10 =	sld [smem:$0x3FB2];
	_ =	sdelay $0x3  }
0x36: {  	p1 =	seq.s32 s10, $0x1;
	s10 =	sld [smem:$0x3FB3];
	_ =	sdelay $0x3  }
0x37: {  	[smem:$0x3FB3] =	sst s10  }
0x38: {  	s10 =	sld [smem:$0x3FB4]  }
0x39: {  	_ = 	snop;
	(pc) =	sbr.ind lr, $3  }
0x3a: {  	_ = 	snop  }
0x3b: {  	_ = 	snop  }
0x3c: {  	p2 =	seq.s32 s10, $0x1;
	s10 =	sld [smem:$0x3FB3]  }
0x3d: {  	_ =	shalt  }
0x3e: {  	_ =	shalt  }
0x3f: {  	_ =	shalt  }
0x40: {  	_ =	shalt  }
0x41: {  	_ =	shalt  }
0x42: {  	_ =	shalt  }
0x43: {  	_ =	shalt  }
0x44: {  	_ =	shalt  }
0x45: {  	_ =	shalt  }
0x46: {  	_ =	shalt  }
0x47: {  	_ =	shalt  }
0x48: {  	_ =	shalt  }
0x49: {  	_ =	shalt  }
0x4a: {  	_ =	shalt  }
0x4b: {  	_ =	shalt  }
0x4c: {  	_ =	shalt  }
0x4d: {  	_ =	shalt  }
0x4e: {  	_ =	shalt  }
0x4f: {  	_ =	shalt  }
0x50: {  	_ =	shalt  }
0x51: {  	_ =	shalt  }
0x52: {  	_ =	shalt  }
0x53: {  	_ =	shalt  }
0x54: {  	_ =	shalt  }
0x55: {  	_ =	shalt  }
0x56: {  	_ =	shalt  }
0x57: {  	_ =	shalt  }
0x58: {  	_ =	shalt  }
0x59: {  	_ =	shalt  }
0x5a: {  	_ =	shalt  }
0x5b: {  	_ =	shalt  }
0x5c: {  	_ =	shalt  }
0x5d: {  	_ =	shalt  }
0x5e: {  	_ =	shalt  }
0x5f: {  	_ =	shalt  }
0x60: {  	_ =	shalt  }
0x61: {  	_ =	shalt  }
0x62: {  	_ =	shalt  }
0x63: {  	_ =	shalt  }
0x64: {  	_ =	shalt  }
0x65: {  	_ =	shalt  }
0x66: {  	_ =	shalt  }
0x67: {  	_ =	shalt  }
0x68: {  	_ =	shalt  }
0x69: {  	_ =	shalt  }
0x6a: {  	_ =	shalt  }
0x6b: {  	_ =	shalt  }
0x6c: {  	_ =	shalt  }
0x6d: {  	_ =	shalt  }
0x6e: {  	_ =	shalt  }
0x6f: {  	_ =	shalt  }
0x70: {  	_ =	shalt  }
0x71: {  	_ =	shalt  }
0x72: {  	_ =	shalt  }
0x73: {  	_ =	shalt  }
0x74: {  	_ =	shalt  }
0x75: {  	_ =	shalt  }
0x76: {  	_ =	shalt  }
0x77: {  	_ =	shalt  }
0x78: {  	_ =	shalt  }
0x79: {  	_ =	shalt  }
0x7a: {  	_ =	shalt  }
0x7b: {  	_ =	shalt  }
0x7c: {  	_ =	shalt  }
0x7d: {  	_ =	shalt  }
0x7e: {  	_ =	shalt  }
0x7f: {  	_ =	shalt  }
0x80: {  	_ =	shalt  }
0x81: {  	_ =	shalt  }
0x82: {  	_ =	shalt  }
0x83: {  	_ =	shalt  }
0x84: {  	_ =	shalt  }
0x85: {  	_ =	shalt  }
0x86: {  	_ =	shalt  }
0x87: {  	_ =	shalt  }
.Lfunc_end0:
.L_simem_size_0:
called_computation_lowered:
.L_overlay_start_0:
0x88: {  	s2 =	sld [smem:$0x3FD9]  }
0x89: {  	s3 =	sld [smem:$0x3FFE];
	_ =	sdelay $0x1  }
0x8a: {  	s1 =	srdreg.scid  }
0x8b: {  	s0 =	sand.u32 $0x1, s1  }
0x8c: {  	s17 =	sshll.u32 s0, $0xA;
	s2 =	sadd.s32 s3, s2  }
0x8d: {  	s2 =	sadd.s32 s2, s17  }
0x8e: {  	[smem:$0x3FBF] =	sst s2  }
0x8f: {  	_ = 	snop  }
0x90: {  	s2 =	sld [smem:$0x3FC9]  }
0x91: {  	s18 =	sld [smem:$0x3FC8];
	(tm) =	ssettm $0x1  }
0x92: {  	s4 =	sld [smem:$0x3FFB];
	_ =	sdelay $0x3  }
0x93: {  	_ =	strace s4  }
0x94: {  	s4 =	sld [smem:$0x3FFC];
	_ =	sdelay $0x3  }
0x95: {  	_ =	strace s4  }
0x96: {  	s4 =	sld [smem:$0x3FFD];
	_ =	sdelay $0x3  }
0x97: {  	_ =	strace s4  }
0x98: {  	_ =	strace $0x8FFFFFFF  }
0x99: {  	s19 =	sld [smem:$0x3FDB];
	_ =	sdelay $0x1  }
0x9a: {  	s5 =	simm.s32 $_scs_section_size  }
0x9b: {  	s6 =	simm.s32 $_size__tile_overlayer_lowered;
	s7 =	simm.s32 $_tile_overlayer_lowered  }
0x9c: {  	s22 =	simm.s32 $0x1BFF;
	s21 =	sshll.u32 s7, $0x1;
	s4 =	sadd.s32 s5, s19  }
0x9d: {  	s8 =	simm.s32 $0x0;
	s20 =	sshll.u32 s6, $0x1;
	s6 =	sadd.s32 s21, s4  }
0x9e: {  	[timem:s8], [sflag:s22] =	dma.local [hbm:s6], s20  }
0x9f: {  	_ =	swait.ge [sflag:s22], s20  }
0xa0: {  	s5 =	ssub.s32 $0x0, s20;
	[sflag:s22] =	ssyncset.done $0x0  }
0xa1: {  	[sflag:s22] =	ssyncadd.s32 s5;
	_ =	sdelay $0x1  }
0xa2: {  	s23 =	simm.s32 $0x1B8B  }
0xa3: {  	_ =	swait.ge [sflag:s23], $0x1  }
0xa4: {  	[sflag:s23] =	ssyncset.done $0x0  }
0xa5: {  	s25 =	simm.s32 $0x1B8E;
	s24 =	sld [smem:$0x3FFE];
	[sflag:s23] =	ssyncadd.s32 $0xFFFFFFFF  }
0xa6: {  	s26 =	simm.s32 $execute0_lowered;
	[smem:$0x3FD2] =	sst s25  }
0xa7: {  	s6 =	sshll.u32 s26, $0x1;
	_ =	strace $0x80000046;
	[dreg:$0x1] =	wrdreg $0xFFFFFFFF  }
0xa8: {  	s28 =	simm.s32 $_size_execute0_lowered;
	s4 =	sadd.s32 s4, s6;
	[dreg:$0x0] =	wrdreg $0x0  }
0xa9: {  	s6 =	sshll.u32 s28, $0x1;
	[dreg:$0x2] =	wrdreg s4  }
0xaa: {  	[dreg:$0x3] =	wrdreg s6  }
0xab: {  	[dreg:$0x4] =	wrdreg $0xC0  }
0xac: {  	_ =	task [dreg:s8], $0x5FFFF  }
0xad: {  	[dreg:$0x1] =	wrdreg $0xFFFFFFFF  }
0xae: {  	[dreg:$0x0] =	wrdreg $0x60  }
0xaf: {  	[dreg:$0x2] =	wrdreg s2  }
0xb0: {  	[dreg:$0x3] =	wrdreg s18  }
0xb1: {  	[dreg:$0x4] =	wrdreg s24  }
0xb2: {  	[dreg:$0x5] =	wrdreg $0x9  }
0xb3: {  	_ =	task.clear_ibuf [dreg:s8], $0x6FFFF;
	_ =	strace $0x90000046  }
0xb4: {  	s29 =	simm.s32 $0x9;
	_ =	strace $0x80000048  }
0xb5: {  	_ =	swait.ge [sflag:s29], $0x1  }
0xb6: {  	[sflag:s29] =	ssyncadd.s32 $0xFFFFFFFF  }
0xb7: {  	_ =	strace $0x90000048  }
0xb8: {  	_ =	sfence  }
0xb9: {  	s30 =	sld [smem:$0x0];
	_ =	sdelay $0x2  }
0xba: {  	s31 =	sshll.u32 s1, $0xD;
	s1 =	sshrl.u32 s1, $0x2  }
0xbb: {  	s3 =	sand.u32 $0x4000, s31;
	s1 =	sadd.s32 s1, s30  }
0xbc: {  	s0 =	sor.u32 s3, s0;
	s1 =	sshll.u32 s1, $0x11  }
0xbd: {  	s0 =	sor.u32 s1, s0  }
0xbe: {  	s0 =	sadd.s32 $0x8F2B, s0  }
0xbf: {  	[sflag:s0] =	ssyncadd.remote.s32 $0x1  }
0xc0: {  	_ =	sfence.sel $0xFFFF  }
0xc1: {  	[dreg:$0x0] =	wrdreg $0xFFFFFFFF;
	(pc) =	sbr.abs _section_cstart, $3  }
0xc2: {  	[dreg:$0x1] =	wrdreg $0xFFFFFFFF  }
0xc3: {  	_ =	task.clear_ibuf [dreg:s8], $0x2FFFF;
	_ =	strace $0x9FFFFFFF  }
0xc4: {  	(tm) =	ssettm $0x7FFFFFFF  }
0xc5: {  	_ =	shalt  }
tec
execute0_lowered:
.L_overlay_start_1:
0x0: {  	(tag) =	ssettag $0x1  }
0x1: {  	s1 =	rddreg [dreg:$0x0]  }
0x2: {  	s2 =	srdreg.scid;
	s3 =	rddreg [dreg:$0x1]  }
0x3: {  	s0 =	stileid.u32;
	s6 =	rddreg [dreg:$0x2]  }
0x4: {  	s4 =	simm.s32 $0x0;
	s5 =	sand.u32 $0x1, s2;
	s30 =	sshll.u32 s0, $0x1  }
0x5: {  	s12 =	simm.s32 $0x1;
	s13 =	simm.s32 $0xC350;
	s7 =	sor.u32 s5, s30  }
0x6: {  	s14 =	simm.s32 $0x0;
	s2 =	rddreg [dreg:$0x3];
	s8 =	smul.u32 $0x186, s7  }
0x7: {  	[smem:$0x7FF] =	sst s4;
	s9 =	smin.u32 s7, $0x14;
	s7 =	smul.u32 $0x1880, s7  }
.Ltmp0:
0x8: {  	p0 =	sgt.u32 s0, $0x9;
	s10 =	ssub.s32 $0x2, s5;
	(pc) =	sbr.rel .LBB2_1-.Ltmp0, $4  }
0x9: {  	_ =	strace $0x80000047;
	s31 =	sshrl.u32 s10, $0x1;
	s5 =	sadd.s32 s9, s8  }
0xa: {  	s10 =	ssub.s32 s10, s31;
	s11 =	sadd.s32 s7, s6;
	s9 =	sshll.u32 s5, $0x5  }
0xb: {  	s8 =	sadd.s32 $0x1200, s11;
	s11 =	simm.s32 $0x2;
	s6 =	sadd.s32 s3, s9  }
0xc: {  	v0 =	vimm.f32 $1.000000000e+04;
	v1 =	vimm.f32 $0.0e+00;
	s9 =	smax.u32 s10, $0x1;
	s10 =	simm.s32 $0x18750;
	s7 =	sadd.s32 $0x30C0, s6  }
.LBB2_11:
0xd: {  	s14 =	sadd.s32 $0x1, s14  }
0xe: {  	p1 =	sne.s32 s14, s9  }
.Ltmp1:
0xf: {  	_ = 	snop;
	(pc) =	sbr.rel @!p1 .LBB2_12-.Ltmp1, $4  }
0x10: {  	[hbm4b:s8+s4] =	stream.linear.scatter [tilespmem:s13], [sflag:$0x2], $0xC400, $0x38;
	[tilespmem:$0x1D550] =	vst v63  }
0x11: {  	_ =	swait.ge [sflag:s11], $0xC400  }
0x12: {  	[sflag:s11] =	ssyncset.done $0x0  }
0x13: {  	[sflag:s11] =	ssyncadd.s32 $0xFFFF3C00  }
.LBB2_1:
0x14: {  	[tilespmem:s10], [sflag:$0x1] =	stream.linear.gather [hbm4b:s6+s4], $0x2700, $0x38;
	[tilespmem:$0x1D550] =	vst v63  }
0x15: {  	_ = 	snop  }
0x16: {  	[tilespmem:s4], [sflag:$0x2] =	stream.linear.gather [hbm4b:s1+s4], $0xC350, $0x38;
	[tilespmem:$0x1D550] =	vst v63  }
0x17: {  	_ =	swait.ge [sflag:s11], $0xC350  }
0x18: {  	[sflag:s11] =	ssyncset.done $0x0  }
0x19: {  	s15 =	simm.s32 $0x100;
	s16 =	simm.s32 $0x0;
	[sflag:s11] =	ssyncadd.s32 $0xFFFF3CB0  }
.LBB2_2:
0x1a: {  	p1 =	seq.s32 s15, $0x30F00;
	[tilespmem:s16+$0xC380] =	vst v0;
	s17 =	smov.u32 s15;
	s15 =	sadd.s32 $0x100, s15  }
.Ltmp2:
0x1b: {  	[tilespmem:s16+$0xC370] =	vst v0;
	(pc) =	sbr.rel @!p1 .LBB2_2-.Ltmp2, $3  }
0x1c: {  	[tilespmem:s16+$0xC350] =	vst v0  }
0x1d: {  	[tilespmem:s16+$0xC360] =	vst v0;
	_ =	sdelay $0x1  }
0x1e: {  	s16 =	sshra.s32 s17, $0x2  }
.Ltmp3:
0x1f: {  	(pc) =	sbr.rel .LBB2_5-.Ltmp3, $4  }
0x20: {  	[tilespmem:s16+$0xC380] =	vst v0  }
0x21: {  	[tilespmem:s16+$0xC370] =	vst v0  }
0x22: {  	[tilespmem:s16+$0xC350] =	vst v0  }
0x23: {  	s15 =	simm.s32 $0x0;
	[tilespmem:s16+$0xC360] =	vst v0  }
.LBB2_4:
0x24: {  	p1 =	seq.s32 s15, $0xA  }
.Ltmp4:
0x25: {  	_ = 	snop;
	(pc) =	sbr.rel @p1 .LBB2_9-.Ltmp4, $1  }
0x26: {  	_ =	sdelay $0x3  }
.LBB2_5:
0x27: {  	s16 =	smov.u32 s15  }
0x28: {  	s15 =	sadd.s32 $0x1, s15;
	p1 =	seq.s32 s16, $0x9  }
0x29: {  	s17 =	smul.u32 @!p1 $0x27, s15  }
0x2a: {  	s16 =	sand.u32 $0x1, s16  }
0x2b: {  	_ =	swait.ge [sflag:s12], $0x2700;
	s18 =	smul.u32 @!p1 $0xFFFF6400, s16;
	s17 =	sadd.s32 @!p1 s5, s17  }
.Ltmp5:
0x2c: {  	[sflag:s12] =	ssyncset.done $0x0;
	s17 =	sshll.u32 @!p1 s17, $0x5;
	(pc) =	sbr.rel .LBB2_6-.Ltmp5, $4  }
0x2d: {  	[sflag:s12] =	ssyncadd.s32 $0xFFFFD900;
	s18 =	sshra.s32 @!p1 s18, $0x2;
	s17 =	sand.u32 @!p1 $0x1FFFFFE0, s17  }
0x2e: {  	s19 =	simm.s32 @!p1 $0x0;
	s18 =	sadd.s32 @!p1 $0x1AE50, s18;
	s17 =	sadd.s32 @!p1 s3, s17  }
0x2f: {  	[tilespmem:s18], [sflag:$0x1] =	stream.linear.gather @!p1 [hbm4b:s17+s19], $0x2700, $0x38;
	[tilespmem:$0x1D550] =	vst v63  }
0x30: {  	s16 =	smul.u32 $0x27, s16;
	s17 =	simm.s32 $0x0  }
.LBB2_8:
0x31: {  	s17 =	sadd.s32 $0x1, s17  }
0x32: {  	p1 =	seq.s32 s17, $0x27  }
.Ltmp6:
0x33: {  	_ = 	snop;
	(pc) =	sbr.rel @p1 .LBB2_4-.Ltmp6, $1  }
0x34: {  	_ =	sdelay $0x3  }
.LBB2_6:
0x35: {  	_ = 	snop  }
0x36: {  	s18 =	sadd.s32 s16, s17  }
0x37: {  	s18 =	sshll.u32 s18, $0x8  }
0x38: {  	s18 =	sand.u32 $0x3FFFFF00, s18  }
0x39: {  	v10 =	vld [tilespmem:s18+$0x18750]  }
0x3a: {  	v11 =	vld [tilespmem:s18+$0x18760]  }
0x3b: {  	v12 =	vld [tilespmem:s18+$0x18770]  }
0x3c: {  	v13 =	vld [tilespmem:s18+$0x18780]  }
0x3d: {  	v14 =	vld [tilespmem:s18+$0x18790]  }
0x3e: {  	v15 =	vld [tilespmem:s18+$0x187A0]  }
0x3f: {  	v16 =	vld [tilespmem:s18+$0x187B0]  }
0x40: {  	v17 =	vld [tilespmem:s18+$0x187C0]  }
0x41: {  	v2 =	vld [tilespmem:s18+$0x187D0]  }
0x42: {  	v3 =	vld [tilespmem:s18+$0x187E0]  }
0x43: {  	v4 =	vld [tilespmem:s18+$0x187F0]  }
0x44: {  	v5 =	vld [tilespmem:s18+$0x18800]  }
0x45: {  	v6 =	vld [tilespmem:s18+$0x18810]  }
0x46: {  	v7 =	vld [tilespmem:s18+$0x18820]  }
0x47: {  	v8 =	vld [tilespmem:s18+$0x18830]  }
0x48: {  	v9 =	vld [tilespmem:s18+$0x18840]  }
0x49: {  	v10 =	vld.idx.msk [tilespmem:v10+s4+$0x0], $0xffff  }
0x4a: {  	v11 =	vld.idx.msk [tilespmem:v11+s4+$0x0], $0xffff  }
0x4b: {  	v12 =	vld.idx.msk [tilespmem:v12+s4+$0x0], $0xffff  }
0x4c: {  	v13 =	vld.idx.msk [tilespmem:v13+s4+$0x0], $0xffff  }
0x4d: {  	v14 =	vld.idx.msk [tilespmem:v14+s4+$0x0], $0xffff  }
0x4e: {  	v15 =	vld.idx.msk [tilespmem:v15+s4+$0x0], $0xffff  }
0x4f: {  	v16 =	vld.idx.msk [tilespmem:v16+s4+$0x0], $0xffff  }
0x50: {  	v17 =	vld.idx.msk [tilespmem:v17+s4+$0x0], $0xffff  }
0x51: {  	v18 =	vld.idx.msk [tilespmem:v2+s13+$0x0], $0xffff  }
0x52: {  	v19 =	vld.idx.msk [tilespmem:v3+s13+$0x0], $0xffff  }
0x53: {  	v20 =	vld.idx.msk [tilespmem:v4+s13+$0x0], $0xffff  }
0x54: {  	v21 =	vld.idx.msk [tilespmem:v5+s13+$0x0], $0xffff  }
0x55: {  	v22 =	vld.idx.msk [tilespmem:v6+s13+$0x0], $0xffff  }
0x56: {  	v23 =	vld.idx.msk [tilespmem:v7+s13+$0x0], $0xffff  }
0x57: {  	v24 =	vld.idx.msk [tilespmem:v8+s13+$0x0], $0xffff;
	v18 =	vmin.f32 v18, v10  }
0x58: {  	v25 =	vld.idx.msk [tilespmem:v9+s13+$0x0], $0xffff;
	[tilespmem:v2+s13+$0x0] =	vst.idx.msk $0xffff, v18;
	v18 =	vmin.f32 v19, v11  }
0x59: {  	[tilespmem:v3+s13+$0x0] =	vst.idx.msk $0xffff, v18;
	v18 =	vmin.f32 v20, v12  }
0x5a: {  	[tilespmem:v4+s13+$0x0] =	vst.idx.msk $0xffff, v18;
	v18 =	vmin.f32 v21, v13  }
0x5b: {  	[tilespmem:v5+s13+$0x0] =	vst.idx.msk $0xffff, v18;
	v18 =	vmin.f32 v22, v14  }
0x5c: {  	[tilespmem:v6+s13+$0x0] =	vst.idx.msk $0xffff, v18;
	v18 =	vmin.f32 v23, v15  }
0x5d: {  	[tilespmem:v7+s13+$0x0] =	vst.idx.msk $0xffff, v18;
	v18 =	vmin.f32 v24, v16  }
0x5e: {  	[tilespmem:v8+s13+$0x0] =	vst.idx.msk $0xffff, v18;
	v18 =	vmin.f32 v25, v17  }
0x5f: {  	[tilespmem:v9+s13+$0x0] =	vst.idx.msk $0xffff, v18  }
0x60: {  	v18 =	vld.idx.msk [tilespmem:v2+s13+$0x0], $0xffff  }
0x61: {  	v19 =	vld.idx.msk [tilespmem:v3+s13+$0x0], $0xffff  }
0x62: {  	v59 =	vld.idx.msk [tilespmem:v4+s13+$0x0], $0xffff  }
0x63: {  	v60 =	vld.idx.msk [tilespmem:v5+s13+$0x0], $0xffff  }
0x64: {  	v61 =	vld.idx.msk [tilespmem:v6+s13+$0x0], $0xffff  }
0x65: {  	v62 =	vld.idx.msk [tilespmem:v7+s13+$0x0], $0xffff  }
0x66: {  	v63 =	vld.idx.msk [tilespmem:v8+s13+$0x0], $0xffff;
	vm7 =	vlt.f32 v10, v18;
	vm2 =	vlt.f32 v11, v19  }
0x67: {  	v18 =	vld.idx.msk [tilespmem:v9+s13+$0x0], $0xffff;
	vm1 =	vlt.f32 v12, v59;
	vm0 =	vmor vm7, vm2  }
0x68: {  	vm6 =	vlt.f32 v13, v60;
	vm0 =	vmor vm0, vm1  }
0x69: {  	vm5 =	vlt.f32 v14, v61;
	vm0 =	vmor vm0, vm6  }
0x6a: {  	vm4 =	vlt.f32 v15, v62;
	vm0 =	vmor vm0, vm5  }
0x6b: {  	vm3 =	vlt.f32 v16, v63;
	vm8 =	vmor vm0, vm4  }
0x6c: {  	vm0 =	vlt.f32 v17, v18;
	vm8 =	vmor vm8, vm3  }
0x6d: {  	vm8 =	vmor vm8, vm0  }
0x6e: {  	v18 =	vsel vm8, $0x3F800000, v1  }
0x6f: {  	(xrf0) =	vmax.scan.msk.f32 $0xffff, v18;
	_ =	sdelay $0x5  }
0x70: {  	v18, _, _ =	vpop (xrf0)  }
0x71: {  	(v2sf) =	vpush v18, $0xF;
	_ =	sdelay $0xe  }
0x72: {  	s31 =	spop (v2sf)  }
0x73: {  	p1 =	sgt.f32 s31, $0.0e+00  }
.Ltmp7:
0x74: {  	_ = 	snop;
	(pc) =	sbr.rel @!p1 .LBB2_8-.Ltmp7, $1  }
0x75: {  	_ =	sdelay $0x3  }
.LBB2_7:
0x76: {  	v18 =	vld.idx.msk [tilespmem:v2+s13+$0x0], $0xffff;
	_ =	sdelay $0x4  }
0x77: {  	v18 =	vmin.f32 v18, v10  }
0x78: {  	[tilespmem:v2+s13+$0x0] =	vst.idx.msk vm7, v18  }
0x79: {  	v18 =	vld.idx.msk [tilespmem:v3+s13+$0x0], $0xffff;
	_ =	sdelay $0x4  }
0x7a: {  	v18 =	vmin.f32 v18, v11  }
0x7b: {  	v19 =	vld.idx.msk [tilespmem:v2+s13+$0x0], $0xffff;
	[tilespmem:v3+s13+$0x0] =	vst.idx.msk vm2, v18  }
0x7c: {  	v18 =	vld.idx.msk [tilespmem:v4+s13+$0x0], $0xffff;
	_ =	sdelay $0x4  }
0x7d: {  	v18 =	vmin.f32 v18, v12  }
0x7e: {  	v20 =	vld.idx.msk [tilespmem:v3+s13+$0x0], $0xffff;
	[tilespmem:v4+s13+$0x0] =	vst.idx.msk vm1, v18  }
0x7f: {  	v18 =	vld.idx.msk [tilespmem:v5+s13+$0x0], $0xffff;
	_ =	sdelay $0x4  }
0x80: {  	v18 =	vmin.f32 v18, v13  }
0x81: {  	v21 =	vld.idx.msk [tilespmem:v4+s13+$0x0], $0xffff;
	[tilespmem:v5+s13+$0x0] =	vst.idx.msk vm6, v18  }
0x82: {  	v18 =	vld.idx.msk [tilespmem:v6+s13+$0x0], $0xffff;
	_ =	sdelay $0x4  }
0x83: {  	v18 =	vmin.f32 v18, v14  }
0x84: {  	v22 =	vld.idx.msk [tilespmem:v5+s13+$0x0], $0xffff;
	[tilespmem:v6+s13+$0x0] =	vst.idx.msk vm5, v18  }
0x85: {  	v18 =	vld.idx.msk [tilespmem:v7+s13+$0x0], $0xffff;
	_ =	sdelay $0x4  }
0x86: {  	v18 =	vmin.f32 v18, v15  }
0x87: {  	v23 =	vld.idx.msk [tilespmem:v6+s13+$0x0], $0xffff;
	[tilespmem:v7+s13+$0x0] =	vst.idx.msk vm4, v18  }
0x88: {  	v18 =	vld.idx.msk [tilespmem:v8+s13+$0x0], $0xffff;
	_ =	sdelay $0x4  }
0x89: {  	v18 =	vmin.f32 v18, v16  }
0x8a: {  	v24 =	vld.idx.msk [tilespmem:v7+s13+$0x0], $0xffff;
	[tilespmem:v8+s13+$0x0] =	vst.idx.msk vm3, v18  }
0x8b: {  	v18 =	vld.idx.msk [tilespmem:v9+s13+$0x0], $0xffff;
	_ =	sdelay $0x4  }
0x8c: {  	v18 =	vmin.f32 v18, v17  }
0x8d: {  	vm7 =	vlt.f32 v10, v19;
	vm2 =	vlt.f32 v11, v20;
	v25 =	vld.idx.msk [tilespmem:v8+s13+$0x0], $0xffff;
	[tilespmem:v9+s13+$0x0] =	vst.idx.msk vm0, v18  }
0x8e: {  	vm1 =	vlt.f32 v12, v21;
	vm0 =	vmor vm7, vm2;
	v18 =	vld.idx.msk [tilespmem:v9+s13+$0x0], $0xffff  }
0x8f: {  	vm6 =	vlt.f32 v13, v22;
	vm0 =	vmor vm0, vm1  }
0x90: {  	vm5 =	vlt.f32 v14, v23;
	vm0 =	vmor vm0, vm6  }
0x91: {  	vm4 =	vlt.f32 v15, v24;
	vm0 =	vmor vm0, vm5  }
0x92: {  	vm3 =	vlt.f32 v16, v25;
	vm8 =	vmor vm0, vm4  }
0x93: {  	vm8 =	vmor vm8, vm3;
	vm0 =	vlt.f32 v17, v18  }
0x94: {  	vm8 =	vmor vm8, vm0  }
0x95: {  	v18 =	vsel vm8, $0x3F800000, v1  }
0x96: {  	(xrf0) =	vmax.scan.msk.f32 $0xffff, v18;
	_ =	sdelay $0x5  }
0x97: {  	v18, _, _ =	vpop (xrf0)  }
0x98: {  	(v2sf) =	vpush v18, $0xF;
	_ =	sdelay $0xe  }
0x99: {  	s18 =	spop (v2sf)  }
0x9a: {  	p1 =	sgt.f32 s18, $0.0e+00  }
.Ltmp8:
0x9b: {  	_ = 	snop;
	(pc) =	sbr.rel @p1 .LBB2_7-.Ltmp8, $1  }
0x9c: {  	_ =	sdelay $0x3  }
.Ltmp9:
0x9d: {  	_ = 	snop;
	(pc) =	sbr.rel .LBB2_8-.Ltmp9, $1  }
0x9e: {  	_ =	sdelay $0x3  }
.LBB2_9:
0x9f: {  	s15 =	simm.s32 @!p0 $0x0;
	s16 =	simm.s32 @!p0 $0x18750  }
0xa0: {  	[tilespmem:s16], [sflag:$0x2] =	stream.linear.gather @!p0 [hbm4b:s7+s15], $0x100, $0x38;
	[tilespmem:$0x1D550] =	vst v63  }
0xa1: {  	s16 =	simm.s32 @!p0 $0x2  }
0xa2: {  	_ =	swait.ge @!p0 [sflag:s16], $0x100  }
0xa3: {  	[sflag:s16] =	ssyncset.done @!p0 $0x0  }
0xa4: {  	[sflag:s16] =	ssyncadd.s32 @!p0 $0xFFFFFF00  }
0xa5: {  	v10 =	vld @!p0 [tilespmem:$0x18750]  }
0xa6: {  	v11 =	vld @!p0 [tilespmem:$0x18760]  }
0xa7: {  	v12 =	vld @!p0 [tilespmem:$0x18770]  }
0xa8: {  	v13 =	vld @!p0 [tilespmem:$0x18780]  }
0xa9: {  	v14 =	vld @!p0 [tilespmem:$0x18790]  }
0xaa: {  	v15 =	vld @!p0 [tilespmem:$0x187A0]  }
0xab: {  	v16 =	vld @!p0 [tilespmem:$0x187B0]  }
0xac: {  	v17 =	vld @!p0 [tilespmem:$0x187C0]  }
0xad: {  	v2 =	vld @!p0 [tilespmem:$0x187D0]  }
0xae: {  	v3 =	vld @!p0 [tilespmem:$0x187E0]  }
0xaf: {  	v4 =	vld @!p0 [tilespmem:$0x187F0]  }
0xb0: {  	v5 =	vld @!p0 [tilespmem:$0x18800]  }
0xb1: {  	v6 =	vld @!p0 [tilespmem:$0x18810]  }
0xb2: {  	v7 =	vld @!p0 [tilespmem:$0x18820]  }
0xb3: {  	v8 =	vld @!p0 [tilespmem:$0x18830]  }
0xb4: {  	v9 =	vld @!p0 [tilespmem:$0x18840]  }
0xb5: {  	v10 =	vld.idx.msk @!p0 [tilespmem:v10+s15+$0x0], $0xffff  }
0xb6: {  	v11 =	vld.idx.msk @!p0 [tilespmem:v11+s15+$0x0], $0xffff  }
0xb7: {  	v12 =	vld.idx.msk @!p0 [tilespmem:v12+s15+$0x0], $0xffff  }
0xb8: {  	v13 =	vld.idx.msk @!p0 [tilespmem:v13+s15+$0x0], $0xffff  }
0xb9: {  	v14 =	vld.idx.msk @!p0 [tilespmem:v14+s15+$0x0], $0xffff  }
0xba: {  	v15 =	vld.idx.msk @!p0 [tilespmem:v15+s15+$0x0], $0xffff  }
0xbb: {  	v16 =	vld.idx.msk @!p0 [tilespmem:v16+s15+$0x0], $0xffff  }
0xbc: {  	v17 =	vld.idx.msk @!p0 [tilespmem:v17+s15+$0x0], $0xffff;
	s15 =	simm.s32 @!p0 $0xC350  }
0xbd: {  	v18 =	vld.idx.msk @!p0 [tilespmem:v2+s15+$0x0], $0xffff  }
0xbe: {  	v19 =	vld.idx.msk @!p0 [tilespmem:v3+s15+$0x0], $0xffff  }
0xbf: {  	v20 =	vld.idx.msk @!p0 [tilespmem:v4+s15+$0x0], $0xffff  }
0xc0: {  	v21 =	vld.idx.msk @!p0 [tilespmem:v5+s15+$0x0], $0xffff  }
0xc1: {  	v22 =	vld.idx.msk @!p0 [tilespmem:v6+s15+$0x0], $0xffff  }
0xc2: {  	v23 =	vld.idx.msk @!p0 [tilespmem:v7+s15+$0x0], $0xffff  }
0xc3: {  	v24 =	vld.idx.msk @!p0 [tilespmem:v8+s15+$0x0], $0xffff;
	v18 =	vmin.f32 @!p0 v18, v10  }
0xc4: {  	v25 =	vld.idx.msk @!p0 [tilespmem:v9+s15+$0x0], $0xffff;
	[tilespmem:v2+s15+$0x0] =	vst.idx.msk @!p0 $0xffff, v18;
	v18 =	vmin.f32 @!p0 v19, v11  }
0xc5: {  	[tilespmem:v3+s15+$0x0] =	vst.idx.msk @!p0 $0xffff, v18;
	v18 =	vmin.f32 @!p0 v20, v12  }
0xc6: {  	[tilespmem:v4+s15+$0x0] =	vst.idx.msk @!p0 $0xffff, v18;
	v18 =	vmin.f32 @!p0 v21, v13  }
0xc7: {  	[tilespmem:v5+s15+$0x0] =	vst.idx.msk @!p0 $0xffff, v18;
	v18 =	vmin.f32 @!p0 v22, v14  }
0xc8: {  	[tilespmem:v6+s15+$0x0] =	vst.idx.msk @!p0 $0xffff, v18;
	v18 =	vmin.f32 @!p0 v23, v15  }
0xc9: {  	[tilespmem:v7+s15+$0x0] =	vst.idx.msk @!p0 $0xffff, v18;
	v18 =	vmin.f32 @!p0 v24, v16  }
0xca: {  	[tilespmem:v8+s15+$0x0] =	vst.idx.msk @!p0 $0xffff, v18;
	v18 =	vmin.f32 @!p0 v25, v17  }
0xcb: {  	[tilespmem:v9+s15+$0x0] =	vst.idx.msk @!p0 $0xffff, v18  }
0xcc: {  	v18 =	vld.idx.msk @!p0 [tilespmem:v2+s15+$0x0], $0xffff  }
0xcd: {  	v19 =	vld.idx.msk @!p0 [tilespmem:v3+s15+$0x0], $0xffff  }
0xce: {  	v20 =	vld.idx.msk @!p0 [tilespmem:v4+s15+$0x0], $0xffff  }
0xcf: {  	v21 =	vld.idx.msk @!p0 [tilespmem:v5+s15+$0x0], $0xffff  }
0xd0: {  	v22 =	vld.idx.msk @!p0 [tilespmem:v6+s15+$0x0], $0xffff  }
0xd1: {  	v23 =	vld.idx.msk @!p0 [tilespmem:v7+s15+$0x0], $0xffff  }
0xd2: {  	v24 =	vld.idx.msk @!p0 [tilespmem:v8+s15+$0x0], $0xffff;
	vm7 =	vlt.f32 @!p0 v10, v18;
	vm2 =	vlt.f32 @!p0 v11, v19  }
0xd3: {  	v18 =	vld.idx.msk @!p0 [tilespmem:v9+s15+$0x0], $0xffff;
	vm1 =	vlt.f32 @!p0 v12, v20;
	vm0 =	vmor @!p0 vm7, vm2  }
0xd4: {  	vm6 =	vlt.f32 @!p0 v13, v21;
	vm0 =	vmor @!p0 vm0, vm1  }
0xd5: {  	vm5 =	vlt.f32 @!p0 v14, v22;
	vm0 =	vmor @!p0 vm0, vm6  }
0xd6: {  	vm4 =	vlt.f32 @!p0 v15, v23;
	vm0 =	vmor @!p0 vm0, vm5  }
0xd7: {  	vm3 =	vlt.f32 @!p0 v16, v24;
	vm8 =	vmor @!p0 vm0, vm4  }
0xd8: {  	vm0 =	vlt.f32 @!p0 v17, v18;
	vm8 =	vmor @!p0 vm8, vm3  }
0xd9: {  	v18 =	vimm.f32 @!p0 $0.0e+00;
	vm8 =	vmor @!p0 vm8, vm0  }
0xda: {  	v18 =	vsel @!p0 vm8, $0x3F800000, v18  }
0xdb: {  	(xrf0) =	vmax.scan.msk.f32 @!p0 $0xffff, v18;
	_ =	sdelay $0x5  }
0xdc: {  	v18, _, _ =	vpop @!p0 (xrf0)  }
0xdd: {  	(v2sf) =	vpush @!p0 v18, $0xF;
	_ =	sdelay $0xe  }
0xde: {  	s15 =	spop @!p0 (v2sf)  }
0xdf: {  	p1 =	sgt.f32 @!p0 s15, $0.0e+00;
	_ =	sdelay $0x1  }
0xe0: {  	p1 =	por p0, !p1  }
.Ltmp10:
0xe1: {  	_ = 	snop;
	(pc) =	sbr.rel @p1 .LBB2_11-.Ltmp10, $1  }
0xe2: {  	_ =	sdelay $0x3  }
.LBB2_10:
0xe3: {  	v18 =	vld.idx.msk [tilespmem:v2+s13+$0x0], $0xffff;
	_ =	sdelay $0x4  }
0xe4: {  	v18 =	vmin.f32 v18, v10  }
0xe5: {  	[tilespmem:v2+s13+$0x0] =	vst.idx.msk vm7, v18  }
0xe6: {  	v18 =	vld.idx.msk [tilespmem:v3+s13+$0x0], $0xffff;
	_ =	sdelay $0x4  }
0xe7: {  	v18 =	vmin.f32 v18, v11  }
0xe8: {  	v19 =	vld.idx.msk [tilespmem:v2+s13+$0x0], $0xffff;
	[tilespmem:v3+s13+$0x0] =	vst.idx.msk vm2, v18  }
0xe9: {  	v18 =	vld.idx.msk [tilespmem:v4+s13+$0x0], $0xffff;
	_ =	sdelay $0x4  }
0xea: {  	v18 =	vmin.f32 v18, v12  }
0xeb: {  	v20 =	vld.idx.msk [tilespmem:v3+s13+$0x0], $0xffff;
	[tilespmem:v4+s13+$0x0] =	vst.idx.msk vm1, v18  }
0xec: {  	v18 =	vld.idx.msk [tilespmem:v5+s13+$0x0], $0xffff;
	_ =	sdelay $0x4  }
0xed: {  	v18 =	vmin.f32 v18, v13  }
0xee: {  	v21 =	vld.idx.msk [tilespmem:v4+s13+$0x0], $0xffff;
	[tilespmem:v5+s13+$0x0] =	vst.idx.msk vm6, v18  }
0xef: {  	v18 =	vld.idx.msk [tilespmem:v6+s13+$0x0], $0xffff;
	_ =	sdelay $0x4  }
0xf0: {  	v18 =	vmin.f32 v18, v14  }
0xf1: {  	v22 =	vld.idx.msk [tilespmem:v5+s13+$0x0], $0xffff;
	[tilespmem:v6+s13+$0x0] =	vst.idx.msk vm5, v18  }
0xf2: {  	v18 =	vld.idx.msk [tilespmem:v7+s13+$0x0], $0xffff;
	_ =	sdelay $0x4  }
0xf3: {  	v18 =	vmin.f32 v18, v15  }
0xf4: {  	v23 =	vld.idx.msk [tilespmem:v6+s13+$0x0], $0xffff;
	[tilespmem:v7+s13+$0x0] =	vst.idx.msk vm4, v18  }
0xf5: {  	v18 =	vld.idx.msk [tilespmem:v8+s13+$0x0], $0xffff;
	_ =	sdelay $0x4  }
0xf6: {  	v18 =	vmin.f32 v18, v16  }
0xf7: {  	v24 =	vld.idx.msk [tilespmem:v7+s13+$0x0], $0xffff;
	[tilespmem:v8+s13+$0x0] =	vst.idx.msk vm3, v18  }
0xf8: {  	v18 =	vld.idx.msk [tilespmem:v9+s13+$0x0], $0xffff;
	_ =	sdelay $0x4  }
0xf9: {  	v18 =	vmin.f32 v18, v17  }
0xfa: {  	vm7 =	vlt.f32 v10, v19;
	vm2 =	vlt.f32 v11, v20;
	v25 =	vld.idx.msk [tilespmem:v8+s13+$0x0], $0xffff;
	[tilespmem:v9+s13+$0x0] =	vst.idx.msk vm0, v18  }
0xfb: {  	vm1 =	vlt.f32 v12, v21;
	vm0 =	vmor vm7, vm2;
	v18 =	vld.idx.msk [tilespmem:v9+s13+$0x0], $0xffff  }
0xfc: {  	vm6 =	vlt.f32 v13, v22;
	vm0 =	vmor vm0, vm1  }
0xfd: {  	vm5 =	vlt.f32 v14, v23;
	vm0 =	vmor vm0, vm6  }
0xfe: {  	vm4 =	vlt.f32 v15, v24;
	vm0 =	vmor vm0, vm5  }
0xff: {  	vm3 =	vlt.f32 v16, v25;
	vm8 =	vmor vm0, vm4  }
0x100: {  	vm8 =	vmor vm8, vm3;
	vm0 =	vlt.f32 v17, v18  }
0x101: {  	vm8 =	vmor vm8, vm0  }
0x102: {  	v18 =	vsel vm8, $0x3F800000, v1  }
0x103: {  	(xrf0) =	vmax.scan.msk.f32 $0xffff, v18;
	_ =	sdelay $0x5  }
0x104: {  	v18, _, _ =	vpop (xrf0)  }
0x105: {  	(v2sf) =	vpush v18, $0xF;
	_ =	sdelay $0xe  }
0x106: {  	s15 =	spop (v2sf)  }
0x107: {  	p1 =	sgt.f32 s15, $0.0e+00  }
.Ltmp11:
0x108: {  	_ = 	snop;
	(pc) =	sbr.rel @p1 .LBB2_10-.Ltmp11, $1  }
0x109: {  	_ =	sdelay $0x3  }
.Ltmp12:
0x10a: {  	_ = 	snop;
	(pc) =	sbr.rel .LBB2_11-.Ltmp12, $1  }
0x10b: {  	_ =	sdelay $0x3  }
.LBB2_12:
0x10c: {  	_ =	sfence.sel $0x180000  }
0x10d: {  	[bflag:$0x0] =	sbarrier.arrive $0xFFFF  }
0x10e: {  	p0 =	sne.s32 s0, $0x0;
	_ =	strace $0x90000047  }
0x10f: {  	s0 =	sadd.s32 @!p0 $0x100000, s2;
	[bflag:$0x2] =	sbarrier.arrive $0xFFFF  }
0x110: {  	[sflag:s0] =	ssyncadd.tile.s32 @!p0 $0x1;
	_ =	shalt  }
.Lfunc_end2:
_tile_overlayer_lowered:
.L_overlay_start_2:
0x111: {  	(tag) =	ssettag $0x2  }
0x112: {  	s0 =	rddreg [dreg:$0x0];
	s2 =	stileid.u32  }
0x113: {  	s1 =	rddreg [dreg:$0x1];
	p0 =	sne.s32 s2, $0x0  }
0x114: {  	s3 =	rddreg [dreg:$0x2];
	[bflag:$0x3] =	sbarrier.arrive $0xFFFF;
	s2 =	simm.s32 @!p0 $0x1C02  }
0x115: {  	[timem:s3], [sflag:s2] =	dma.local @!p0 [hbm:s0], s1  }
0x116: {  	s0 =	simm.s32 @!p0 $0x2  }
0x117: {  	_ =	swait.ge @!p0 [sflag:s0], s1  }
0x118: {  	s1 =	ssub.s32 @!p0 $0x0, s1;
	[sflag:s0] =	ssyncset.done @!p0 $0x0  }
0x119: {  	[sflag:s0] =	ssyncadd.s32 @!p0 s1  }
0x11a: {  	[bflag:$0x3] =	sbarrier.arrive $0xFFFF  }
0x11b: {  	_ =	shalt  }

// kernel: kernel.8.cloned.1.call-start
scs
__scs_entry_jumppad:
0x0: {  	(pc) =	sbr.rel $0x88, $3  }
0x1: {  	(tag) =	ssettag $0x0;
	lr =	simm.s32 $0x1  }
0x2: {  	[smem:$0x3F98] =	sst lr;
	_ =	strace $0xD0000000  }
0x3: {  	_ = 	snop  }
0x4: {  	_ = 	snop  }
0x5: {  	_ = 	snop  }
0x6: {  	_ = 	snop  }
0x7: {  	_ = 	snop  }
__scs_overlays_trampoline_lowered:
0x8: {  	[smem:$0x3FA7] =	sst s0  }
0x9: {  	[smem:$0x3FA8] =	sst s1  }
0xa: {  	[smem:$0x3FA9] =	sst s2  }
0xb: {  	[smem:$0x3FAA] =	sst s3  }
0xc: {  	[smem:$0x3FAB] =	sst s4  }
0xd: {  	[smem:$0x3FAC] =	sst s5  }
0xe: {  	[smem:$0x3FAD] =	sst s6  }
0xf: {  	[smem:$0x3FAE] =	sst s7  }
0x10: {  	[smem:$0x3FAF] =	sst s8  }
0x11: {  	[smem:$0x3FB0] =	sst s9;
	s0 =	simm.s32 @!p0 $0x0  }
0x12: {  	s1 =	sld [smem:$0x3F96];
	s0 =	simm.s32 @p0 $0x1  }
0x13: {  	[smem:$0x3FB1] =	sst s0;
	s0 =	simm.s32 @!p1 $0x0  }
0x14: {  	s2 =	sld [smem:$0x3F95];
	s0 =	simm.s32 @p1 $0x1  }
0x15: {  	[smem:$0x3FB2] =	sst s0;
	s0 =	simm.s32 @!p2 $0x0  }
0x16: {  	s3 =	sld [smem:$0x3FDB];
	s0 =	simm.s32 @p2 $0x1  }
0x17: {  	s4 =	simm.s32 $0x1BF5;
	[smem:$0x3FB4] =	sst s0  }
0x18: {  	s0 =	sld [smem:$0x3F97];
	_ =	swait.ge [sflag:s4], $0x0  }
0x19: {  	s7 =	sld [smem:$0x3F98]  }
0x1a: {  	s8 =	sadd.s32 $0xFFFFE003, lr  }
0x1b: {  	s9 =	sadd.s32 $0xFFFFFEF7, lr;
	s5 =	simm.s32 $0xFFFFFFFF;
	p2 =	slt.u32 s8, $0xFFFFF086  }
0x1c: {  	p1 =	slt.u32 s9, $0xF7A;
	s5 =	simm.s32 @!p2 $0x0  }
0x1d: {  	s5 =	simm.s32 @p1 $0x1;
	p0 =	seq.s32 s7, s2  }
0x1e: {  	s7 =	smul.u32 @!p0 $0xF7A, s2;
	p2 =	seq.s32 @!p0 s5, $0x0  }
0x1f: {  	s9 =	smul.u32 $0xF7A, s1;
	s8 =	simm.s32 @!p0 $0x1BF5;
	p2 =	por !p2, p0  }
0x20: {  	[sflag:s8] =	ssyncset.s32 @!p0 $0xFFFFF086;
	s6 =	sadd.s32 @!p0 s3, s7;
	s7 =	simm.s32 @!p0 $0x108  }
0x21: {  	s3 =	sadd.s32 s3, s9;
	s6 =	sadd.s32 @!p0 $0x88, s6;
	s7 =	simm.s32 @p2 $0x1082  }
0x22: {  	[simem:s7], [sflag:s8] =	dma.local @!p0 [hbm:s6], $0xF7A  }
0x23: {  	s9 =	sor.u32 $0xD0000000, s2;
	s6 =	simm.s32 $0x108;
	_ =	swait.ge @!p0 [sflag:s8], $0x0  }
0x24: {  	s3 =	sadd.s32 $0x88, s3;
	s6 =	simm.s32 @!p1 $0x1082;
	[sflag:s4] =	ssyncset.s32 $0xFFFFF086  }
0x25: {  	[simem:s6], [sflag:s4] =	dma.local [hbm:s3], $0xF7A  }
0x26: {  	[smem:$0x3F98] =	sst s1;
	(tag) =	ssettag s2;
	_ =	strace s9  }
0x27: {  	s1 =	sld [smem:$0x3FA8]  }
0x28: {  	s2 =	sld [smem:$0x3FA9]  }
0x29: {  	s4 =	sld [smem:$0x3FAB]  }
0x2a: {  	p0 =	seq.s32 s5, $0x0;
	s5 =	sld [smem:$0x3FAC]  }
0x2b: {  	s6 =	sld [smem:$0x3FAD]  }
0x2c: {  	s7 =	sld [smem:$0x3FAE]  }
0x2d: {  	s3 =	simm.s32 $0x108;
	s8 =	sld [smem:$0x3FAF]  }
0x2e: {  	s3 =	simm.s32 @!p0 $0x1082;
	s9 =	sld [smem:$0x3FB0]  }
0x2f: {  	lr =	sadd.s32 s0, s3;
	s0 =	sld [smem:$0x3FA7]  }
0x30: {  	s3 =	sld [smem:$0x3FAA]  }
0x31: {  	[smem:$0x3FB3] =	sst s10  }
0x32: {  	s10 =	sld [smem:$0x3FB1];
	_ =	sdelay $0x3  }
0x33: {  	p0 =	seq.s32 s10, $0x1;
	s10 =	sld [smem:$0x3FB3];
	_ =	sdelay $0x3  }
0x34: {  	[smem:$0x3FB3] =	sst s10  }
0x35: {  	s10 =	sld [smem:$0x3FB2];
	_ =	sdelay $0x3  }
0x36: {  	p1 =	seq.s32 s10, $0x1;
	s10 =	sld [smem:$0x3FB3];
	_ =	sdelay $0x3  }
0x37: {  	[smem:$0x3FB3] =	sst s10  }
0x38: {  	s10 =	sld [smem:$0x3FB4]  }
0x39: {  	_ = 	snop;
	(pc) =	sbr.ind lr, $3  }
0x3a: {  	_ = 	snop  }
0x3b: {  	_ = 	snop  }
0x3c: {  	p2 =	seq.s32 s10, $0x1;
	s10 =	sld [smem:$0x3FB3]  }
0x3d: {  	_ =	shalt  }
0x3e: {  	_ =	shalt  }
0x3f: {  	_ =	shalt  }
0x40: {  	_ =	shalt  }
0x41: {  	_ =	shalt  }
0x42: {  	_ =	shalt  }
0x43: {  	_ =	shalt  }
0x44: {  	_ =	shalt  }
0x45: {  	_ =	shalt  }
0x46: {  	_ =	shalt  }
0x47: {  	_ =	shalt  }
0x48: {  	_ =	shalt  }
0x49: {  	_ =	shalt  }
0x4a: {  	_ =	shalt  }
0x4b: {  	_ =	shalt  }
0x4c: {  	_ =	shalt  }
0x4d: {  	_ =	shalt  }
0x4e: {  	_ =	shalt  }
0x4f: {  	_ =	shalt  }
0x50: {  	_ =	shalt  }
0x51: {  	_ =	shalt  }
0x52: {  	_ =	shalt  }
0x53: {  	_ =	shalt  }
0x54: {  	_ =	shalt  }
0x55: {  	_ =	shalt  }
0x56: {  	_ =	shalt  }
0x57: {  	_ =	shalt  }
0x58: {  	_ =	shalt  }
0x59: {  	_ =	shalt  }
0x5a: {  	_ =	shalt  }
0x5b: {  	_ =	shalt  }
0x5c: {  	_ =	shalt  }
0x5d: {  	_ =	shalt  }
0x5e: {  	_ =	shalt  }
0x5f: {  	_ =	shalt  }
0x60: {  	_ =	shalt  }
0x61: {  	_ =	shalt  }
0x62: {  	_ =	shalt  }
0x63: {  	_ =	shalt  }
0x64: {  	_ =	shalt  }
0x65: {  	_ =	shalt  }
0x66: {  	_ =	shalt  }
0x67: {  	_ =	shalt  }
0x68: {  	_ =	shalt  }
0x69: {  	_ =	shalt  }
0x6a: {  	_ =	shalt  }
0x6b: {  	_ =	shalt  }
0x6c: {  	_ =	shalt  }
0x6d: {  	_ =	shalt  }
0x6e: {  	_ =	shalt  }
0x6f: {  	_ =	shalt  }
0x70: {  	_ =	shalt  }
0x71: {  	_ =	shalt  }
0x72: {  	_ =	shalt  }
0x73: {  	_ =	shalt  }
0x74: {  	_ =	shalt  }
0x75: {  	_ =	shalt  }
0x76: {  	_ =	shalt  }
0x77: {  	_ =	shalt  }
0x78: {  	_ =	shalt  }
0x79: {  	_ =	shalt  }
0x7a: {  	_ =	shalt  }
0x7b: {  	_ =	shalt  }
0x7c: {  	_ =	shalt  }
0x7d: {  	_ =	shalt  }
0x7e: {  	_ =	shalt  }
0x7f: {  	_ =	shalt  }
0x80: {  	_ =	shalt  }
0x81: {  	_ =	shalt  }
0x82: {  	_ =	shalt  }
0x83: {  	_ =	shalt  }
0x84: {  	_ =	shalt  }
0x85: {  	_ =	shalt  }
0x86: {  	_ =	shalt  }
0x87: {  	_ =	shalt  }
.Lfunc_end0:
.L_simem_size_0:
called_computation.1_lowered:
.L_overlay_start_0:
0x88: {  	s2 =	sld [smem:$0x3FD9]  }
0x89: {  	s3 =	sld [smem:$0x3FFE];
	_ =	sdelay $0x1  }
0x8a: {  	s1 =	srdreg.scid  }
0x8b: {  	s0 =	sand.u32 $0x1, s1  }
0x8c: {  	s14 =	sshll.u32 s0, $0xA;
	s2 =	sadd.s32 s3, s2  }
0x8d: {  	s2 =	sadd.s32 s2, s14  }
0x8e: {  	[smem:$0x3FBF] =	sst s2  }
0x8f: {  	_ = 	snop  }
0x90: {  	s2 =	sld [smem:$0x3FD0];
	_ =	sdelay $0x2  }
0x91: {  	s15 =	simm.s32 $0xA;
	s4 =	simm.s32 $0x10  }
0x92: {  	[smem:s4], [sflag:s15] =	dma.local [hbm:s2], $0x1  }
0x93: {  	_ =	swait.eq [sflag:s15], $0x1  }
0x94: {  	s16 =	sld [smem:$0x10]  }
0x95: {  	s17 =	sld [smem:$0x11];
	[sflag:s15] =	ssyncset.done $0x0  }
0x96: {  	s5 =	sld [smem:$0x12];
	[sflag:s15] =	ssyncadd.s32 $0xFFFFFFFF  }
0x97: {  	s18 =	sld [smem:$0x13];
	(tm) =	ssettm $0x1  }
0x98: {  	s6 =	sld [smem:$0x3FFB];
	_ =	sdelay $0x3  }
0x99: {  	_ =	strace s6  }
0x9a: {  	s6 =	sld [smem:$0x3FFC];
	_ =	sdelay $0x3  }
0x9b: {  	_ =	strace s6  }
0x9c: {  	s6 =	sld [smem:$0x3FFD];
	_ =	sdelay $0x3  }
0x9d: {  	_ =	strace s6  }
0x9e: {  	_ =	strace $0x8FFFFFFF  }
0x9f: {  	s19 =	sld [smem:$0x3FDB];
	_ =	sdelay $0x1  }
0xa0: {  	s7 =	simm.s32 $_scs_section_size  }
0xa1: {  	s8 =	simm.s32 $_size__tile_overlayer_lowered;
	s9 =	simm.s32 $_tile_overlayer_lowered  }
0xa2: {  	s22 =	simm.s32 $0x1BFF;
	s21 =	sshll.u32 s9, $0x1;
	s6 =	sadd.s32 s7, s19  }
0xa3: {  	s10 =	simm.s32 $0x0;
	s20 =	sshll.u32 s8, $0x1;
	s8 =	sadd.s32 s21, s6  }
0xa4: {  	[timem:s10], [sflag:s22] =	dma.local [hbm:s8], s20  }
0xa5: {  	_ =	swait.ge [sflag:s22], s20  }
0xa6: {  	s7 =	ssub.s32 $0x0, s20;
	[sflag:s22] =	ssyncset.done $0x0  }
0xa7: {  	[sflag:s22] =	ssyncadd.s32 s7;
	_ =	sdelay $0x1  }
0xa8: {  	s23 =	simm.s32 $0x1B8B  }
0xa9: {  	_ =	swait.ge [sflag:s23], $0x1  }
0xaa: {  	[sflag:s23] =	ssyncset.done $0x0  }
0xab: {  	s25 =	simm.s32 $0x1B8E;
	s24 =	sld [smem:$0x3FFE];
	[sflag:s23] =	ssyncadd.s32 $0xFFFFFFFF  }
0xac: {  	s26 =	simm.s32 $execute0_lowered;
	[smem:$0x3FD2] =	sst s25  }
0xad: {  	s8 =	sshll.u32 s26, $0x1;
	_ =	strace $0x80000049;
	[dreg:$0x1] =	wrdreg $0xFFFFFFFF  }
0xae: {  	s28 =	simm.s32 $_size_execute0_lowered;
	s6 =	sadd.s32 s6, s8;
	[dreg:$0x0] =	wrdreg $0x0  }
0xaf: {  	s8 =	sshll.u32 s28, $0x1;
	[dreg:$0x2] =	wrdreg s6  }
0xb0: {  	[dreg:$0x3] =	wrdreg s8  }
0xb1: {  	[dreg:$0x4] =	wrdreg $0xC0  }
0xb2: {  	_ =	task [dreg:s10], $0x5FFFF  }
0xb3: {  	[dreg:$0x1] =	wrdreg $0xFFFFFFFF  }
0xb4: {  	[dreg:$0x0] =	wrdreg $0x60  }
0xb5: {  	[dreg:$0x2] =	wrdreg s24  }
0xb6: {  	[dreg:$0x3] =	wrdreg s17  }
0xb7: {  	[dreg:$0x4] =	wrdreg s16  }
0xb8: {  	[dreg:$0x5] =	wrdreg s5  }
0xb9: {  	[dreg:$0x6] =	wrdreg s18  }
0xba: {  	[dreg:$0x7] =	wrdreg $0x9  }
0xbb: {  	_ =	task.clear_ibuf [dreg:s10], $0x8FFFF;
	_ =	strace $0x90000049  }
0xbc: {  	s29 =	simm.s32 $0x9;
	_ =	strace $0x8000004B  }
0xbd: {  	_ =	swait.ge [sflag:s29], $0x1  }
0xbe: {  	[sflag:s29] =	ssyncadd.s32 $0xFFFFFFFF  }
0xbf: {  	_ =	strace $0x9000004B  }
0xc0: {  	_ =	sfence  }
0xc1: {  	s30 =	sld [smem:$0x0];
	_ =	sdelay $0x2  }
0xc2: {  	s31 =	sshll.u32 s1, $0xD;
	s1 =	sshrl.u32 s1, $0x2  }
0xc3: {  	s3 =	sand.u32 $0x4000, s31;
	s1 =	sadd.s32 s1, s30  }
0xc4: {  	s0 =	sor.u32 s3, s0;
	s1 =	sshll.u32 s1, $0x11  }
0xc5: {  	s0 =	sor.u32 s1, s0  }
0xc6: {  	s0 =	sadd.s32 $0x8F2B, s0  }
0xc7: {  	[sflag:s0] =	ssyncadd.remote.s32 $0x1  }
0xc8: {  	_ =	sfence.sel $0xFFFF  }
0xc9: {  	[dreg:$0x0] =	wrdreg $0xFFFFFFFF;
	(pc) =	sbr.abs _section_cstart, $3  }
0xca: {  	[dreg:$0x1] =	wrdreg $0xFFFFFFFF  }
0xcb: {  	_ =	task.clear_ibuf [dreg:s10], $0x2FFFF;
	_ =	strace $0x9FFFFFFF  }
0xcc: {  	(tm) =	ssettm $0x7FFFFFFF  }
0xcd: {  	_ =	shalt  }
tec
execute0_lowered:
.L_overlay_start_1:
0x0: {  	(tag) =	ssettag $0x1  }
0x1: {  	s0 =	rddreg [dreg:$0x0]  }
0x2: {  	s2 =	srdreg.scid;
	s5 =	stileid.u32  }
0x3: {  	s1 =	rddreg [dreg:$0x1];
	s4 =	sand.u32 $0x1, s2;
	s13 =	sshll.u32 s5, $0x1  }
0x4: {  	s3 =	rddreg [dreg:$0x2];
	s6 =	sor.u32 s4, s13  }
0x5: {  	s14 =	rddreg [dreg:$0x3];
	s8 =	smul.u32 $0x620, s6  }
0x6: {  	s7 =	rddreg [dreg:$0x4];
	s11 =	simm.s32 $0x1;
	s2 =	simm.s32 $0x0  }
0x7: {  	s12 =	simm.s32 $0x0;
	[smem:$0x7FF] =	sst s2;
	s8 =	sshrl.u32 s8, $0x3  }
0x8: {  	s4 =	ssub.s32 $0x2, s4;
	s9 =	sadd.s32 s8, s0;
	s0 =	sadd.s32 $0x32200, s0  }
0x9: {  	_ =	strace $0x8000004A;
	[dreg:$0x6] =	wrdreg s0;
	s15 =	sadd.s32 $0x1200, s9  }
0xa: {  	s10 =	sshrl.u32 s4, $0x1;
	s16 =	sadd.s32 $0x2A80, s9;
	[dreg:$0x7] =	wrdreg s15  }
0xb: {  	p0 =	seq.s32 s6, $0x1F;
	s17 =	sadd.s32 $0x4300, s9;
	[dreg:$0x8] =	wrdreg s16  }
0xc: {  	s10 =	ssub.s32 s4, s10;
	s18 =	sadd.s32 $0x5B80, s9;
	[dreg:$0x9] =	wrdreg s17  }
0xd: {  	s10 =	smax.u32 s10, $0x1;
	s19 =	sadd.s32 $0x7400, s9;
	[dreg:$0xa] =	wrdreg s18  }
0xe: {  	s20 =	sadd.s32 $0x8C80, s9;
	s21 =	sadd.s32 $0xA500, s9;
	[dreg:$0xb] =	wrdreg s19  }
0xf: {  	s22 =	sadd.s32 $0xBD80, s9;
	s23 =	sadd.s32 $0xD600, s9;
	[dreg:$0xc] =	wrdreg s20  }
0x10: {  	s24 =	sadd.s32 $0xEE80, s9;
	s25 =	sadd.s32 $0x10700, s9;
	[dreg:$0xd] =	wrdreg s21  }
0x11: {  	s26 =	sadd.s32 $0x11F80, s9;
	s28 =	sadd.s32 $0x1E380, s9;
	[dreg:$0xe] =	wrdreg s22  }
0x12: {  	s29 =	sadd.s32 $0x1FC00, s9;
	s30 =	sadd.s32 $0x21480, s9;
	[dreg:$0xf] =	wrdreg s23  }
0x13: {  	s31 =	sadd.s32 $0x22D00, s9;
	s0 =	sadd.s32 $0x25E00, s9;
	[dreg:$0x10] =	wrdreg s24  }
0x14: {  	s4 =	sadd.s32 $0x28F00, s9;
	s5 =	sadd.s32 $0x2A780, s9;
	[dreg:$0x11] =	wrdreg s25  }
0x15: {  	s6 =	sadd.s32 $0x2C000, s9;
	[dreg:$0x12] =	wrdreg s26;
	s16 =	sadd.s32 $0x13800, s9  }
0x16: {  	s17 =	sadd.s32 $0x15080, s9;
	s18 =	sadd.s32 s1, s8;
	s19 =	sadd.s32 s3, s8  }
0x17: {  	s20 =	sadd.s32 s14, s8;
	s21 =	sadd.s32 s7, s8;
	s22 =	sadd.s32 $0x16900, s9  }
0x18: {  	s23 =	sadd.s32 $0x18180, s9;
	s24 =	sadd.s32 $0x19A00, s9;
	s25 =	sadd.s32 $0x1B280, s9  }
0x19: {  	s26 =	sadd.s32 $0x1CB00, s9;
	s1 =	sadd.s32 $0x24580, s9;
	s3 =	sadd.s32 $0x27680, s9  }
0x1a: {  	v0 =	vimm.f32 $0.0e+00;
	s7 =	sadd.s32 $0x2D880, s9;
	s8 =	sadd.s32 $0x2F100, s9;
	s9 =	sadd.s32 $0x30980, s9  }
.LBB2_1:
0x1b: {  	s13 =	rddreg [dreg:$0x7]  }
0x1c: {  	[tilespmem:s2], [sflag:$0x1] =	stream.linear.gather [hbm4b:s13+s2], $0x620, $0x38;
	[tilespmem:$0xDC90] =	vst v63  }
0x1d: {  	s15 =	rddreg [dreg:$0x8];
	s14 =	simm.s32 $0x620  }
0x1e: {  	[tilespmem:s14], [sflag:$0x1] =	stream.linear.gather [hbm4b:s15+s2], $0x620, $0x38;
	[tilespmem:$0xDC90] =	vst v63  }
0x1f: {  	s14 =	rddreg [dreg:$0x9];
	s15 =	simm.s32 $0xC40  }
0x20: {  	[tilespmem:s15], [sflag:$0x1] =	stream.linear.gather [hbm4b:s14+s2], $0x620, $0x38;
	[tilespmem:$0xDC90] =	vst v63  }
0x21: {  	s14 =	rddreg [dreg:$0xa];
	s15 =	simm.s32 $0x1260  }
0x22: {  	[tilespmem:s15], [sflag:$0x1] =	stream.linear.gather [hbm4b:s14+s2], $0x620, $0x38;
	[tilespmem:$0xDC90] =	vst v63  }
0x23: {  	s14 =	rddreg [dreg:$0xb];
	s15 =	simm.s32 $0x1880  }
0x24: {  	[tilespmem:s15], [sflag:$0x1] =	stream.linear.gather [hbm4b:s14+s2], $0x620, $0x38;
	[tilespmem:$0xDC90] =	vst v63  }
0x25: {  	s14 =	rddreg [dreg:$0xc];
	s15 =	simm.s32 $0x1EA0  }
0x26: {  	[tilespmem:s15], [sflag:$0x1] =	stream.linear.gather [hbm4b:s14+s2], $0x620, $0x38;
	[tilespmem:$0xDC90] =	vst v63  }
0x27: {  	s14 =	rddreg [dreg:$0xd];
	s15 =	simm.s32 $0x24C0  }
0x28: {  	[tilespmem:s15], [sflag:$0x1] =	stream.linear.gather [hbm4b:s14+s2], $0x620, $0x38;
	[tilespmem:$0xDC90] =	vst v63  }
0x29: {  	s14 =	rddreg [dreg:$0xe];
	s15 =	simm.s32 $0x2AE0  }
0x2a: {  	[tilespmem:s15], [sflag:$0x1] =	stream.linear.gather [hbm4b:s14+s2], $0x620, $0x38;
	[tilespmem:$0xDC90] =	vst v63  }
0x2b: {  	s14 =	rddreg [dreg:$0xf];
	s15 =	simm.s32 $0x3100  }
0x2c: {  	[tilespmem:s15], [sflag:$0x1] =	stream.linear.gather [hbm4b:s14+s2], $0x620, $0x38;
	[tilespmem:$0xDC90] =	vst v63  }
0x2d: {  	s14 =	rddreg [dreg:$0x10];
	s15 =	simm.s32 $0x3720  }
0x2e: {  	[tilespmem:s15], [sflag:$0x1] =	stream.linear.gather [hbm4b:s14+s2], $0x620, $0x38;
	[tilespmem:$0xDC90] =	vst v63  }
0x2f: {  	s14 =	rddreg [dreg:$0x11];
	s15 =	simm.s32 $0x3D40  }
0x30: {  	[tilespmem:s15], [sflag:$0x1] =	stream.linear.gather [hbm4b:s14+s2], $0x620, $0x38;
	[tilespmem:$0xDC90] =	vst v63  }
0x31: {  	s14 =	rddreg [dreg:$0x12];
	s15 =	simm.s32 $0x4360  }
0x32: {  	[tilespmem:s15], [sflag:$0x1] =	stream.linear.gather [hbm4b:s14+s2], $0x620, $0x38;
	[tilespmem:$0xDC90] =	vst v63  }
0x33: {  	s15 =	simm.s32 $0x4980  }
0x34: {  	[tilespmem:s15], [sflag:$0x1] =	stream.linear.gather [hbm4b:s16+s2], $0x620, $0x38;
	[tilespmem:$0xDC90] =	vst v63  }
0x35: {  	s14 =	simm.s32 $0x4FA0  }
0x36: {  	[tilespmem:s14], [sflag:$0x1] =	stream.linear.gather [hbm4b:s17+s2], $0x620, $0x38;
	[tilespmem:$0xDC90] =	vst v63  }
0x37: {  	s15 =	simm.s32 $0x55C0  }
0x38: {  	[tilespmem:s15], [sflag:$0x1] =	stream.linear.gather [hbm4b:s22+s2], $0x620, $0x38;
	[tilespmem:$0xDC90] =	vst v63  }
0x39: {  	s14 =	simm.s32 $0x5BE0  }
0x3a: {  	[tilespmem:s14], [sflag:$0x1] =	stream.linear.gather [hbm4b:s23+s2], $0x620, $0x38;
	[tilespmem:$0xDC90] =	vst v63  }
0x3b: {  	s15 =	simm.s32 $0x6200  }
0x3c: {  	[tilespmem:s15], [sflag:$0x1] =	stream.linear.gather [hbm4b:s24+s2], $0x620, $0x38;
	[tilespmem:$0xDC90] =	vst v63  }
0x3d: {  	s14 =	simm.s32 $0x6820  }
0x3e: {  	[tilespmem:s14], [sflag:$0x1] =	stream.linear.gather [hbm4b:s25+s2], $0x620, $0x38;
	[tilespmem:$0xDC90] =	vst v63  }
0x3f: {  	s15 =	simm.s32 $0x6E40  }
0x40: {  	[tilespmem:s15], [sflag:$0x1] =	stream.linear.gather [hbm4b:s26+s2], $0x620, $0x38;
	[tilespmem:$0xDC90] =	vst v63  }
0x41: {  	s14 =	simm.s32 $0x7460  }
0x42: {  	[tilespmem:s14], [sflag:$0x1] =	stream.linear.gather [hbm4b:s28+s2], $0x620, $0x38;
	[tilespmem:$0xDC90] =	vst v63  }
0x43: {  	s15 =	simm.s32 $0x7A80  }
0x44: {  	[tilespmem:s15], [sflag:$0x1] =	stream.linear.gather [hbm4b:s29+s2], $0x620, $0x38;
	[tilespmem:$0xDC90] =	vst v63  }
0x45: {  	s14 =	simm.s32 $0x80A0  }
0x46: {  	[tilespmem:s14], [sflag:$0x1] =	stream.linear.gather [hbm4b:s30+s2], $0x620, $0x38;
	[tilespmem:$0xDC90] =	vst v63  }
0x47: {  	s15 =	simm.s32 $0x86C0  }
0x48: {  	[tilespmem:s15], [sflag:$0x1] =	stream.linear.gather [hbm4b:s31+s2], $0x620, $0x38;
	[tilespmem:$0xDC90] =	vst v63  }
0x49: {  	s14 =	simm.s32 $0x8CE0  }
0x4a: {  	[tilespmem:s14], [sflag:$0x1] =	stream.linear.gather [hbm4b:s1+s2], $0x620, $0x38;
	[tilespmem:$0xDC90] =	vst v63  }
0x4b: {  	s15 =	simm.s32 $0x9300  }
0x4c: {  	[tilespmem:s15], [sflag:$0x1] =	stream.linear.gather [hbm4b:s0+s2], $0x620, $0x38;
	[tilespmem:$0xDC90] =	vst v63  }
0x4d: {  	s14 =	simm.s32 $0x9920  }
0x4e: {  	[tilespmem:s14], [sflag:$0x1] =	stream.linear.gather [hbm4b:s3+s2], $0x620, $0x38;
	[tilespmem:$0xDC90] =	vst v63  }
0x4f: {  	s15 =	simm.s32 $0x9F40  }
0x50: {  	[tilespmem:s15], [sflag:$0x1] =	stream.linear.gather [hbm4b:s4+s2], $0x620, $0x38;
	[tilespmem:$0xDC90] =	vst v63  }
0x51: {  	s14 =	simm.s32 $0xA560  }
0x52: {  	[tilespmem:s14], [sflag:$0x1] =	stream.linear.gather [hbm4b:s5+s2], $0x620, $0x38;
	[tilespmem:$0xDC90] =	vst v63  }
0x53: {  	s15 =	simm.s32 $0xAB80  }
0x54: {  	[tilespmem:s15], [sflag:$0x1] =	stream.linear.gather [hbm4b:s6+s2], $0x620, $0x38;
	[tilespmem:$0xDC90] =	vst v63  }
0x55: {  	s14 =	simm.s32 $0xB1A0  }
0x56: {  	[tilespmem:s14], [sflag:$0x1] =	stream.linear.gather [hbm4b:s7+s2], $0x620, $0x38;
	[tilespmem:$0xDC90] =	vst v63  }
0x57: {  	s15 =	simm.s32 $0xB7C0  }
0x58: {  	[tilespmem:s15], [sflag:$0x1] =	stream.linear.gather [hbm4b:s8+s2], $0x620, $0x38;
	[tilespmem:$0xDC90] =	vst v63  }
0x59: {  	s14 =	simm.s32 $0xBDE0  }
0x5a: {  	[tilespmem:s14], [sflag:$0x1] =	stream.linear.gather [hbm4b:s9+s2], $0x620, $0x38;
	[tilespmem:$0xDC90] =	vst v63  }
0x5b: {  	s15 =	simm.s32 $0xC400  }
0x5c: {  	[tilespmem:s15], [sflag:$0x1] =	stream.linear.gather [hbm4b:s18+s2], $0x620, $0x38;
	[tilespmem:$0xDC90] =	vst v63  }
0x5d: {  	s14 =	rddreg [dreg:$0x6];
	s15 =	simm.s32 $0xDC80  }
0x5e: {  	[tilespmem:s15], [sflag:$0x1] =	stream.linear.gather [hbm4b:s14+s2], $0x10, $0x38;
	[tilespmem:$0xDC90] =	vst v63  }
0x5f: {  	_ =	swait.ge [sflag:s11], $0x620  }
0x60: {  	[sflag:s11] =	ssyncset.done $0x0  }
0x61: {  	[sflag:s11] =	ssyncadd.s32 $0xFFFFF9E0  }
0x62: {  	_ =	swait.ge [sflag:s11], $0x620  }
0x63: {  	[sflag:s11] =	ssyncset.done $0x0  }
0x64: {  	[sflag:s11] =	ssyncadd.s32 $0xFFFFF9E0  }
0x65: {  	_ =	swait.ge [sflag:s11], $0x620  }
0x66: {  	[sflag:s11] =	ssyncset.done $0x0  }
0x67: {  	[sflag:s11] =	ssyncadd.s32 $0xFFFFF9E0  }
0x68: {  	_ =	swait.ge [sflag:s11], $0x620  }
0x69: {  	[sflag:s11] =	ssyncset.done $0x0  }
0x6a: {  	[sflag:s11] =	ssyncadd.s32 $0xFFFFF9E0  }
0x6b: {  	_ =	swait.ge [sflag:s11], $0x620  }
0x6c: {  	[sflag:s11] =	ssyncset.done $0x0  }
0x6d: {  	[sflag:s11] =	ssyncadd.s32 $0xFFFFF9E0  }
0x6e: {  	_ =	swait.ge [sflag:s11], $0x620  }
0x6f: {  	[sflag:s11] =	ssyncset.done $0x0  }
0x70: {  	[sflag:s11] =	ssyncadd.s32 $0xFFFFF9E0  }
0x71: {  	_ =	swait.ge [sflag:s11], $0x620  }
0x72: {  	[sflag:s11] =	ssyncset.done $0x0  }
0x73: {  	[sflag:s11] =	ssyncadd.s32 $0xFFFFF9E0  }
0x74: {  	_ =	swait.ge [sflag:s11], $0x620  }
0x75: {  	[sflag:s11] =	ssyncset.done $0x0  }
0x76: {  	[sflag:s11] =	ssyncadd.s32 $0xFFFFF9E0  }
0x77: {  	_ =	swait.ge [sflag:s11], $0x620  }
0x78: {  	[sflag:s11] =	ssyncset.done $0x0  }
0x79: {  	[sflag:s11] =	ssyncadd.s32 $0xFFFFF9E0  }
0x7a: {  	_ =	swait.ge [sflag:s11], $0x620  }
0x7b: {  	[sflag:s11] =	ssyncset.done $0x0  }
0x7c: {  	[sflag:s11] =	ssyncadd.s32 $0xFFFFF9E0  }
0x7d: {  	_ =	swait.ge [sflag:s11], $0x620  }
0x7e: {  	[sflag:s11] =	ssyncset.done $0x0  }
0x7f: {  	[sflag:s11] =	ssyncadd.s32 $0xFFFFF9E0  }
0x80: {  	_ =	swait.ge [sflag:s11], $0x620  }
0x81: {  	[sflag:s11] =	ssyncset.done $0x0  }
0x82: {  	[sflag:s11] =	ssyncadd.s32 $0xFFFFF9E0  }
0x83: {  	_ =	swait.ge [sflag:s11], $0x620  }
0x84: {  	[sflag:s11] =	ssyncset.done $0x0  }
0x85: {  	[sflag:s11] =	ssyncadd.s32 $0xFFFFF9E0  }
0x86: {  	_ =	swait.ge [sflag:s11], $0x620  }
0x87: {  	[sflag:s11] =	ssyncset.done $0x0  }
0x88: {  	[sflag:s11] =	ssyncadd.s32 $0xFFFFF9E0  }
0x89: {  	_ =	swait.ge [sflag:s11], $0x620  }
0x8a: {  	[sflag:s11] =	ssyncset.done $0x0  }
0x8b: {  	[sflag:s11] =	ssyncadd.s32 $0xFFFFF9E0  }
0x8c: {  	_ =	swait.ge [sflag:s11], $0x620  }
0x8d: {  	[sflag:s11] =	ssyncset.done $0x0  }
0x8e: {  	[sflag:s11] =	ssyncadd.s32 $0xFFFFF9E0  }
0x8f: {  	_ =	swait.ge [sflag:s11], $0x620  }
0x90: {  	[sflag:s11] =	ssyncset.done $0x0  }
0x91: {  	[sflag:s11] =	ssyncadd.s32 $0xFFFFF9E0  }
0x92: {  	_ =	swait.ge [sflag:s11], $0x620  }
0x93: {  	[sflag:s11] =	ssyncset.done $0x0  }
0x94: {  	[sflag:s11] =	ssyncadd.s32 $0xFFFFF9E0  }
0x95: {  	_ =	swait.ge [sflag:s11], $0x620  }
0x96: {  	[sflag:s11] =	ssyncset.done $0x0  }
0x97: {  	[sflag:s11] =	ssyncadd.s32 $0xFFFFF9E0  }
0x98: {  	_ =	swait.ge [sflag:s11], $0x620  }
0x99: {  	[sflag:s11] =	ssyncset.done $0x0  }
0x9a: {  	[sflag:s11] =	ssyncadd.s32 $0xFFFFF9E0  }
0x9b: {  	_ =	swait.ge [sflag:s11], $0x620  }
0x9c: {  	[sflag:s11] =	ssyncset.done $0x0  }
0x9d: {  	[sflag:s11] =	ssyncadd.s32 $0xFFFFF9E0  }
0x9e: {  	_ =	swait.ge [sflag:s11], $0x620  }
0x9f: {  	[sflag:s11] =	ssyncset.done $0x0  }
0xa0: {  	[sflag:s11] =	ssyncadd.s32 $0xFFFFF9E0  }
0xa1: {  	_ =	swait.ge [sflag:s11], $0x620  }
0xa2: {  	[sflag:s11] =	ssyncset.done $0x0  }
0xa3: {  	[sflag:s11] =	ssyncadd.s32 $0xFFFFF9E0  }
0xa4: {  	_ =	swait.ge [sflag:s11], $0x620  }
0xa5: {  	[sflag:s11] =	ssyncset.done $0x0  }
0xa6: {  	[sflag:s11] =	ssyncadd.s32 $0xFFFFF9E0  }
0xa7: {  	_ =	swait.ge [sflag:s11], $0x620  }
0xa8: {  	[sflag:s11] =	ssyncset.done $0x0  }
0xa9: {  	[sflag:s11] =	ssyncadd.s32 $0xFFFFF9E0  }
0xaa: {  	_ =	swait.ge [sflag:s11], $0x620  }
0xab: {  	[sflag:s11] =	ssyncset.done $0x0  }
0xac: {  	[sflag:s11] =	ssyncadd.s32 $0xFFFFF9E0  }
0xad: {  	_ =	swait.ge [sflag:s11], $0x620  }
0xae: {  	[sflag:s11] =	ssyncset.done $0x0  }
0xaf: {  	[sflag:s11] =	ssyncadd.s32 $0xFFFFF9E0  }
0xb0: {  	_ =	swait.ge [sflag:s11], $0x620  }
0xb1: {  	[sflag:s11] =	ssyncset.done $0x0  }
0xb2: {  	[sflag:s11] =	ssyncadd.s32 $0xFFFFF9E0  }
0xb3: {  	_ =	swait.ge [sflag:s11], $0x620  }
0xb4: {  	[sflag:s11] =	ssyncset.done $0x0  }
0xb5: {  	[sflag:s11] =	ssyncadd.s32 $0xFFFFF9E0  }
0xb6: {  	_ =	swait.ge [sflag:s11], $0x620  }
0xb7: {  	[sflag:s11] =	ssyncset.done $0x0  }
0xb8: {  	[sflag:s11] =	ssyncadd.s32 $0xFFFFF9E0  }
0xb9: {  	_ =	swait.ge [sflag:s11], $0x620  }
0xba: {  	[sflag:s11] =	ssyncset.done $0x0  }
0xbb: {  	[sflag:s11] =	ssyncadd.s32 $0xFFFFF9E0  }
0xbc: {  	_ =	swait.ge [sflag:s11], $0x620  }
0xbd: {  	[sflag:s11] =	ssyncset.done $0x0  }
0xbe: {  	[sflag:s11] =	ssyncadd.s32 $0xFFFFF9E0  }
0xbf: {  	_ =	swait.ge [sflag:s11], $0x620  }
0xc0: {  	[sflag:s11] =	ssyncset.done $0x0  }
0xc1: {  	[sflag:s11] =	ssyncadd.s32 $0xFFFFF9E0  }
0xc2: {  	_ =	swait.ge [sflag:s11], $0x10  }
0xc3: {  	[sflag:s11] =	ssyncset.done $0x0  }
0xc4: {  	[sflag:s11] =	ssyncadd.s32 $0xFFFFFFF0  }
0xc5: {  	s13 =	simm.s32 $0x0;
	v1 =	vld [tilespmem:$0xDC80]  }
0xc6: {  	v2 =	vld [tilespmem:s13+$0x0]  }
0xc7: {  	v3 =	vld [tilespmem:s13+$0x620]  }
0xc8: {  	v4 =	vld [tilespmem:s13+$0xC40]  }
0xc9: {  	v5 =	vld [tilespmem:s13+$0x1260]  }
0xca: {  	v6 =	vld [tilespmem:s13+$0x1880]  }
0xcb: {  	v7 =	vld [tilespmem:s13+$0x1EA0]  }
0xcc: {  	v2 =	vmin.f32 v2, v3;
	v3 =	vld [tilespmem:s13+$0x24C0]  }
0xcd: {  	v2 =	vmin.f32 v2, v4;
	v4 =	vld [tilespmem:s13+$0x2AE0]  }
0xce: {  	v2 =	vmin.f32 v2, v5;
	v5 =	vld [tilespmem:s13+$0x3100]  }
0xcf: {  	v2 =	vmin.f32 v2, v6;
	v6 =	vld [tilespmem:s13+$0x3720]  }
0xd0: {  	v2 =	vmin.f32 v2, v7;
	v7 =	vld [tilespmem:s13+$0x3D40]  }
0xd1: {  	v2 =	vmin.f32 v2, v3;
	v3 =	vld [tilespmem:s13+$0x4360]  }
0xd2: {  	v2 =	vmin.f32 v2, v4;
	v4 =	vld [tilespmem:s13+$0x4980]  }
0xd3: {  	v2 =	vmin.f32 v2, v5;
	v5 =	vld [tilespmem:s13+$0x4FA0]  }
0xd4: {  	v2 =	vmin.f32 v2, v6;
	v6 =	vld [tilespmem:s13+$0x55C0]  }
0xd5: {  	v2 =	vmin.f32 v2, v7;
	v7 =	vld [tilespmem:s13+$0x5BE0]  }
0xd6: {  	v2 =	vmin.f32 v2, v3;
	v3 =	vld [tilespmem:s13+$0x6200]  }
0xd7: {  	v2 =	vmin.f32 v2, v4;
	v4 =	vld [tilespmem:s13+$0x6820]  }
0xd8: {  	v2 =	vmin.f32 v2, v5;
	v5 =	vld [tilespmem:s13+$0x6E40]  }
0xd9: {  	v2 =	vmin.f32 v2, v6;
	v6 =	vld [tilespmem:s13+$0x7460]  }
0xda: {  	v2 =	vmin.f32 v2, v7;
	v7 =	vld [tilespmem:s13+$0x7A80]  }
0xdb: {  	v2 =	vmin.f32 v2, v3;
	v3 =	vld [tilespmem:s13+$0x80A0]  }
0xdc: {  	v2 =	vmin.f32 v2, v4;
	v4 =	vld [tilespmem:s13+$0x86C0]  }
0xdd: {  	v2 =	vmin.f32 v2, v5;
	v5 =	vld [tilespmem:s13+$0x8CE0]  }
0xde: {  	v2 =	vmin.f32 v2, v6;
	v6 =	vld [tilespmem:s13+$0x9300]  }
0xdf: {  	v2 =	vmin.f32 v2, v7;
	v7 =	vld [tilespmem:s13+$0x9920]  }
0xe0: {  	v2 =	vmin.f32 v2, v3;
	v3 =	vld [tilespmem:s13+$0x9F40]  }
0xe1: {  	v8 =	vld [tilespmem:s13+$0xA560];
	v2 =	vmin.f32 v2, v4  }
0xe2: {  	v9 =	vld [tilespmem:s13+$0xAB80];
	v2 =	vmin.f32 v2, v5  }
0xe3: {  	v4 =	vld [tilespmem:s13+$0xB1A0];
	v2 =	vmin.f32 v2, v6  }
0xe4: {  	v5 =	vld [tilespmem:s13+$0xB7C0];
	v2 =	vmin.f32 v2, v7  }
0xe5: {  	s14 =	simm.s32 $0x10;
	v6 =	vld [tilespmem:s13+$0xBDE0];
	v2 =	vmin.f32 v2, v3  }
0xe6: {  	v3 =	vld [tilespmem:s14+$0x0];
	v7 =	vmin.f32 v2, v8  }
0xe7: {  	s15 =	simm.s32 $0x80;
	v2 =	vld [tilespmem:s13+$0xC400];
	v7 =	vmin.f32 v7, v9  }
.LBB2_2:
0xe8: {  	p1 =	sne.s32 s15, $0x1840;
	v8 =	vld [tilespmem:s14+$0x620];
	v4 =	vmin.f32 v7, v4  }
0xe9: {  	v7 =	vld [tilespmem:s14+$0xC40];
	v4 =	vmin.f32 v4, v5  }
0xea: {  	v5 =	vld [tilespmem:s14+$0x1260];
	v4 =	vmin.f32 v4, v6  }
0xeb: {  	v6 =	vld [tilespmem:s14+$0x1880];
	v4 =	vmin.f32 v4, $1.000000000e+04  }
0xec: {  	v9 =	vld [tilespmem:s14+$0x1EA0];
	v4 =	vmul.f32 v4, v1  }
0xed: {  	v3 =	vmin.f32 v3, v8;
	v8 =	vld [tilespmem:s14+$0x24C0]  }
0xee: {  	v3 =	vmin.f32 v3, v7;
	v7 =	vld [tilespmem:s14+$0x2AE0];
	v4 =	vmul.f32 $1.442695020e+00, v4  }
0xef: {  	v3 =	vmin.f32 v3, v5;
	v5 =	vld [tilespmem:s14+$0x3100]  }
0xf0: {  	v3 =	vmin.f32 v3, v6;
	v6 =	vld [tilespmem:s14+$0x3720];
	(erf) = vpow2.f32 v4  }
0xf1: {  	v3 =	vmin.f32 v3, v9;
	v4 =	vld [tilespmem:s14+$0x3D40]  }
0xf2: {  	v3 =	vmin.f32 v3, v8;
	v8 =	vld [tilespmem:s14+$0x4360]  }
0xf3: {  	v3 =	vmin.f32 v3, v7;
	v7 =	vld [tilespmem:s14+$0x4980]  }
0xf4: {  	v3 =	vmin.f32 v3, v5;
	v5 =	vld [tilespmem:s14+$0x4FA0]  }
0xf5: {  	v3 =	vmin.f32 v3, v6;
	v6 =	vld [tilespmem:s14+$0x55C0]  }
0xf6: {  	v3 =	vmin.f32 v3, v4;
	v4 =	vld [tilespmem:s14+$0x5BE0]  }
0xf7: {  	v3 =	vmin.f32 v3, v8;
	v8 =	vld [tilespmem:s14+$0x6200]  }
0xf8: {  	v3 =	vmin.f32 v3, v7;
	v7 =	vld [tilespmem:s14+$0x6820]  }
0xf9: {  	v3 =	vmin.f32 v3, v5;
	v5 =	vld [tilespmem:s14+$0x6E40];
	v9 =	vpop (erf)  }
0xfa: {  	v3 =	vmin.f32 v3, v6;
	v6 =	vld [tilespmem:s14+$0x7460];
	v2 =	vmul.f32 v9, v2;
	[tilespmem:s13+$0xCA20] =	vst v9  }
0xfb: {  	v3 =	vmin.f32 v3, v4;
	v4 =	vld [tilespmem:s14+$0x7A80]  }
0xfc: {  	v3 =	vmin.f32 v3, v8;
	v8 =	vld [tilespmem:s14+$0x80A0];
	vm0 =	vge.f32 v2, $5.000000000e-01;
	[tilespmem:s13+$0xD040] =	vst v2  }
0xfd: {  	v3 =	vmin.f32 v3, v7;
	v7 =	vld [tilespmem:s14+$0x86C0];
	v9 =	vsel vm0, $0x3F800000, v0  }
0xfe: {  	v3 =	vmin.f32 v3, v5;
	v5 =	vld [tilespmem:s14+$0x8CE0];
	v9 =	vsub.f32 v9, v2  }
0xff: {  	v3 =	vmin.f32 v3, v6;
	v6 =	vld [tilespmem:s14+$0x9300]  }
0x100: {  	v3 =	vmin.f32 v3, v4;
	v10 =	vld [tilespmem:s14+$0x9920];
	v2 =	vadd.f32 v9, v2  }
0x101: {  	v3 =	vmin.f32 v3, v8;
	v8 =	vld [tilespmem:s14+$0x9F40]  }
0x102: {  	v3 =	vmin.f32 v3, v7;
	v7 =	vld [tilespmem:s14+$0xA560];
	[tilespmem:s13+$0xD660] =	vst v2;
	s13 =	smov.u32 s14  }
0x103: {  	v2 =	vmin.f32 v3, v5;
	v9 =	vld [tilespmem:s13+$0xAB80]  }
.Ltmp0:
0x104: {  	v2 =	vmin.f32 v2, v6;
	v4 =	vld [tilespmem:s13+$0xB1A0];
	(pc) =	sbr.rel @p1 .LBB2_2-.Ltmp0, $4  }
0x105: {  	v2 =	vmin.f32 v2, v10;
	v5 =	vld [tilespmem:s13+$0xB7C0]  }
0x106: {  	v2 =	vmin.f32 v2, v8;
	v6 =	vld [tilespmem:s13+$0xBDE0]  }
0x107: {  	s14 =	sshra.s32 s15, $0x2;
	v7 =	vmin.f32 v2, v7;
	v2 =	vld [tilespmem:s13+$0xC400]  }
0x108: {  	s15 =	sadd.s32 $0x40, s15;
	v3 =	vld [tilespmem:s14+$0x0];
	v7 =	vmin.f32 v7, v9  }
0x109: {  	v8 =	vld [tilespmem:s14+$0x620];
	v4 =	vmin.f32 v7, v4  }
0x10a: {  	v36 =	vld [tilespmem:s14+$0xC40];
	v4 =	vmin.f32 v4, v5  }
0x10b: {  	v37 =	vld [tilespmem:s14+$0x1260];
	v4 =	vmin.f32 v4, v6  }
0x10c: {  	v38 =	vld [tilespmem:s14+$0x1880];
	v4 =	vmin.f32 v4, $1.000000000e+04  }
0x10d: {  	v9 =	vld [tilespmem:s14+$0x1EA0];
	v4 =	vmul.f32 v4, v1  }
0x10e: {  	v10 =	vld [tilespmem:s14+$0x24C0];
	v3 =	vmin.f32 v3, v8  }
0x10f: {  	v11 =	vld [tilespmem:s14+$0x2AE0];
	v4 =	vmul.f32 $1.442695020e+00, v4;
	v3 =	vmin.f32 v3, v36  }
0x110: {  	v12 =	vld [tilespmem:s14+$0x3100];
	v3 =	vmin.f32 v3, v37  }
0x111: {  	v39 =	vld [tilespmem:s14+$0x3720];
	(erf) = vpow2.f32 v4;
	v3 =	vmin.f32 v3, v38  }
0x112: {  	v40 =	vld [tilespmem:s14+$0x3D40];
	v3 =	vmin.f32 v3, v9  }
0x113: {  	v41 =	vld [tilespmem:s14+$0x4360];
	v3 =	vmin.f32 v3, v10  }
0x114: {  	v42 =	vld [tilespmem:s14+$0x4980];
	v3 =	vmin.f32 v3, v11  }
0x115: {  	v43 =	vld [tilespmem:s14+$0x4FA0];
	v3 =	vmin.f32 v3, v12  }
0x116: {  	v44 =	vld [tilespmem:s14+$0x55C0];
	v3 =	vmin.f32 v3, v39  }
0x117: {  	v45 =	vld [tilespmem:s14+$0x5BE0];
	v3 =	vmin.f32 v3, v40  }
0x118: {  	v46 =	vld [tilespmem:s14+$0x6200];
	v3 =	vmin.f32 v3, v41  }
0x119: {  	v47 =	vld [tilespmem:s14+$0x6820];
	v3 =	vmin.f32 v3, v42  }
0x11a: {  	v48 =	vld [tilespmem:s14+$0x6E40];
	v49 =	vpop (erf);
	v3 =	vmin.f32 v3, v43  }
0x11b: {  	v50 =	vld [tilespmem:s14+$0x7460];
	[tilespmem:s13+$0xCA20] =	vst v49;
	v2 =	vmul.f32 v49, v2;
	v3 =	vmin.f32 v3, v44  }
0x11c: {  	v51 =	vld [tilespmem:s14+$0x7A80];
	v3 =	vmin.f32 v3, v45  }
0x11d: {  	v52 =	vld [tilespmem:s14+$0x80A0];
	[tilespmem:s13+$0xD040] =	vst v2;
	v3 =	vmin.f32 v3, v46;
	vm0 =	vge.f32 v2, $5.000000000e-01  }
0x11e: {  	v53 =	vld [tilespmem:s14+$0x86C0];
	v3 =	vmin.f32 v3, v47;
	v54 =	vsel vm0, $0x3F800000, v0  }
0x11f: {  	v55 =	vld [tilespmem:s14+$0x8CE0];
	v3 =	vmin.f32 v3, v48;
	v56 =	vsub.f32 v54, v2  }
0x120: {  	v57 =	vld [tilespmem:s14+$0x9300];
	v3 =	vmin.f32 v3, v50  }
0x121: {  	v58 =	vld [tilespmem:s14+$0x9920];
	v3 =	vmin.f32 v3, v51;
	v2 =	vadd.f32 v56, v2  }
0x122: {  	v59 =	vld [tilespmem:s14+$0x9F40];
	v3 =	vmin.f32 v3, v52  }
0x123: {  	v60 =	vld [tilespmem:s14+$0xA560];
	v3 =	vmin.f32 v3, v53;
	[tilespmem:s13+$0xD660] =	vst v2  }
0x124: {  	v2 =	vmin.f32 v3, v55;
	v3 =	vld [tilespmem:s14+$0xAB80]  }
0x125: {  	v61 =	vld [tilespmem:s14+$0xB1A0];
	v2 =	vmin.f32 v2, v57  }
0x126: {  	v62 =	vld [tilespmem:s14+$0xB7C0];
	v2 =	vmin.f32 v2, v58  }
0x127: {  	v63 =	vld [tilespmem:s14+$0xBDE0];
	v2 =	vmin.f32 v2, v59  }
0x128: {  	v2 =	vmin.f32 v2, v60  }
0x129: {  	v2 =	vmin.f32 v2, v3  }
0x12a: {  	v2 =	vmin.f32 v2, v61  }
0x12b: {  	v2 =	vmin.f32 v2, v62  }
0x12c: {  	v2 =	vmin.f32 v2, v63  }
0x12d: {  	v2 =	vmin.f32 v2, $1.000000000e+04  }
0x12e: {  	v1 =	vmul.f32 v2, v1;
	_ =	sdelay $0x1  }
0x12f: {  	v1 =	vmul.f32 $1.442695020e+00, v1;
	_ =	sdelay $0x1  }
0x130: {  	(erf) = vpow2.f32 v1;
	_ =	sdelay $0x4  }
0x131: {  	v1 =	vld [tilespmem:s14+$0xC400];
	_ =	sdelay $0x3  }
0x132: {  	v2 =	vpop (erf)  }
0x133: {  	v1 =	vmul.f32 v2, v1;
	_ =	sdelay $0x1  }
0x134: {  	vm15 =	vge.f32 v1, $5.000000000e-01  }
0x135: {  	v3 =	vsel vm15, $0x3F800000, v0  }
0x136: {  	v3 =	vsub.f32 v3, v1;
	_ =	sdelay $0x1  }
0x137: {  	[tilespmem:s14+$0xCA20] =	vst v2;
	v2 =	vadd.f32 v3, v1  }
0x138: {  	[tilespmem:s14+$0xD040] =	vst v1  }
0x139: {  	s13 =	simm.s32 @p0 $0x0;
	[tilespmem:s14+$0xD660] =	vst v2;
	s14 =	simm.s32 @p0 $0xCA20  }
0x13a: {  	[hbm4b:s19+s13] =	stream.linear.scatter @p0 [tilespmem:s14], [sflag:$0x2], $0x570, $0x38;
	[tilespmem:$0xDC90] =	vst v63  }
0x13b: {  	s14 =	simm.s32 @p0 $0x2  }
0x13c: {  	_ =	swait.ge @p0 [sflag:s14], $0x570  }
0x13d: {  	[sflag:s14] =	ssyncset.done @p0 $0x0  }
0x13e: {  	s15 =	simm.s32 @p0 $0xD040;
	[sflag:s14] =	ssyncadd.s32 @p0 $0xFFFFFA90  }
0x13f: {  	[hbm4b:s20+s13] =	stream.linear.scatter @p0 [tilespmem:s15], [sflag:$0x2], $0x570, $0x38;
	[tilespmem:$0xDC90] =	vst v63  }
0x140: {  	_ =	swait.ge @p0 [sflag:s14], $0x570  }
0x141: {  	[sflag:s14] =	ssyncset.done @p0 $0x0  }
0x142: {  	s15 =	simm.s32 @p0 $0xD660;
	[sflag:s14] =	ssyncadd.s32 @p0 $0xFFFFFA90  }
0x143: {  	[hbm4b:s21+s13] =	stream.linear.scatter @p0 [tilespmem:s15], [sflag:$0x2], $0x570, $0x38;
	[tilespmem:$0xDC90] =	vst v63  }
0x144: {  	_ =	swait.ge @p0 [sflag:s14], $0x570  }
0x145: {  	[sflag:s14] =	ssyncset.done @p0 $0x0  }
0x146: {  	s13 =	simm.s32 @!p0 $0x0;
	[sflag:s14] =	ssyncadd.s32 @p0 $0xFFFFFA90;
	s14 =	simm.s32 @!p0 $0xCA20  }
0x147: {  	[hbm4b:s19+s13] =	stream.linear.scatter @!p0 [tilespmem:s14], [sflag:$0x2], $0x620, $0x38;
	[tilespmem:$0xDC90] =	vst v63  }
0x148: {  	s14 =	simm.s32 @!p0 $0x2  }
0x149: {  	_ =	swait.ge @!p0 [sflag:s14], $0x620  }
0x14a: {  	[sflag:s14] =	ssyncset.done @!p0 $0x0  }
0x14b: {  	s15 =	simm.s32 @!p0 $0xD040;
	[sflag:s14] =	ssyncadd.s32 @!p0 $0xFFFFF9E0  }
0x14c: {  	[hbm4b:s20+s13] =	stream.linear.scatter @!p0 [tilespmem:s15], [sflag:$0x2], $0x620, $0x38;
	[tilespmem:$0xDC90] =	vst v63  }
0x14d: {  	s12 =	sadd.s32 $0x1, s12;
	_ =	swait.ge @!p0 [sflag:s14], $0x620  }
0x14e: {  	p1 =	sne.s32 s12, s10;
	[sflag:s14] =	ssyncset.done @!p0 $0x0  }
.Ltmp1:
0x14f: {  	s15 =	simm.s32 @!p0 $0xD660;
	[sflag:s14] =	ssyncadd.s32 @!p0 $0xFFFFF9E0;
	(pc) =	sbr.rel @p1 .LBB2_1-.Ltmp1, $4  }
0x150: {  	[hbm4b:s21+s13] =	stream.linear.scatter @!p0 [tilespmem:s15], [sflag:$0x2], $0x620, $0x38;
	[tilespmem:$0xDC90] =	vst v63  }
0x151: {  	_ =	swait.ge @!p0 [sflag:s14], $0x620  }
0x152: {  	[sflag:s14] =	ssyncset.done @!p0 $0x0  }
0x153: {  	[sflag:s14] =	ssyncadd.s32 @!p0 $0xFFFFF9E0  }
0x154: {  	_ =	sfence.sel $0x180000  }
0x155: {  	[bflag:$0x0] =	sbarrier.arrive $0xFFFF  }
0x156: {  	_ =	strace $0x9000004A  }
0x157: {  	s0 =	stileid.u32;
	[bflag:$0x2] =	sbarrier.arrive $0xFFFF  }
0x158: {  	p0 =	sne.s32 s0, $0x0;
	s0 =	rddreg [dreg:$0x5]  }
0x159: {  	s0 =	sadd.s32 @!p0 $0x100000, s0  }
0x15a: {  	[sflag:s0] =	ssyncadd.tile.s32 @!p0 $0x1;
	_ =	shalt  }
.Lfunc_end2:
_tile_overlayer_lowered:
.L_overlay_start_2:
0x15b: {  	(tag) =	ssettag $0x2  }
0x15c: {  	s0 =	rddreg [dreg:$0x0];
	s2 =	stileid.u32  }
0x15d: {  	s1 =	rddreg [dreg:$0x1];
	p0 =	sne.s32 s2, $0x0  }
0x15e: {  	s3 =	rddreg [dreg:$0x2];
	[bflag:$0x3] =	sbarrier.arrive $0xFFFF;
	s2 =	simm.s32 @!p0 $0x1C02  }
0x15f: {  	[timem:s3], [sflag:s2] =	dma.local @!p0 [hbm:s0], s1  }
0x160: {  	s0 =	simm.s32 @!p0 $0x2  }
0x161: {  	_ =	swait.ge @!p0 [sflag:s0], s1  }
0x162: {  	s1 =	ssub.s32 @!p0 $0x0, s1;
	[sflag:s0] =	ssyncset.done @!p0 $0x0  }
0x163: {  	[sflag:s0] =	ssyncadd.s32 @!p0 s1  }
0x164: {  	[bflag:$0x3] =	sbarrier.arrive $0xFFFF  }
0x165: {  	_ =	shalt  }

</sc_bundles>
